<compile_context>
chip_gen: v7x
topology: tpu7x:2x2x1
jax: 0.10.2.dev20260603
libtpu: 0.0.44.dev20260713+nightly
codegen_flags: <defaults>
</compile_context>

<pallas_src>
import functools

import jax
import jax.numpy as jnp
from jax import lax
from jax.experimental import pallas as pl
from jax.experimental.pallas import tpu as pltpu
from jax.experimental.pallas import tpu_sc as plsc

N = 100000
D = 128
H = 64
NUM_SEG = 2048

NTILES = 16
CHUNK = 6400
TAIL = N - (NTILES - 1) * CHUNK
SEG_SLICE = NUM_SEG // NTILES
L = 16



_BLK = 20000


def _mlp_body(x_ref, w1_ref, b1_ref, w2_ref, b2_ref, out_ref):
    ht = lax.dot_general(w1_ref[...], x_ref[...],
                         dimension_numbers=(((0,), (1,)), ((), ())),
                         preferred_element_type=jnp.float32)
    ht = ht + b1_ref[...].reshape(H, 1)
    ht = ht * jax.nn.sigmoid(ht)
    row = lax.dot_general(w2_ref[...], ht,
                          dimension_numbers=(((0,), (0,)), ((), ())),
                          preferred_element_type=jnp.float32) + b2_ref[0]
    out_ref[...] = row.reshape(1, 1, _BLK)


def _mlp(x, w1, b1, w2col, b2):
    grid = (N // _BLK,)
    return pl.pallas_call(
        _mlp_body,
        grid=grid,
        in_specs=[
            pl.BlockSpec((_BLK, D), lambda i: (i, 0)),
            pl.BlockSpec((D, H), lambda i: (0, 0)),
            pl.BlockSpec((H,), lambda i: (0,)),
            pl.BlockSpec((H, 1), lambda i: (0, 0)),
            pl.BlockSpec((1,), lambda i: (0,)),
        ],
        out_specs=pl.BlockSpec((1, 1, _BLK), lambda i: (i, 0, 0)),
        out_shape=jax.ShapeDtypeStruct((N // _BLK, 1, _BLK), jnp.float32),
        compiler_params=pltpu.CompilerParams(
            dimension_semantics=("arbitrary",),
        ),
    )(x, w1, b1, w2col, b2).reshape(N)



@functools.cache
def _build_sc_counts():
    mesh = plsc.VectorSubcoreMesh(
        core_axis_name="c", subcore_axis_name="s", num_cores=1
    )
    return functools.partial(
        pl.kernel,
        out_type=jax.ShapeDtypeStruct((NUM_SEG,), jnp.float32),
        mesh=mesh,
        scratch_types=[
            pltpu.VMEM((CHUNK,), jnp.int32),
            pltpu.VMEM((CHUNK,), jnp.float32),
            pltpu.VMEM((CHUNK,), jnp.int32),
            pltpu.VMEM((NUM_SEG,), jnp.float32),
            pltpu.VMEM((NTILES, SEG_SLICE), jnp.float32),
            pltpu.VMEM((SEG_SLICE,), jnp.float32),
            pltpu.VMEM_SHARED((NTILES * NUM_SEG,), jnp.float32),
            pltpu.SemaphoreType.DMA,
            pltpu.SemaphoreType.DMA,
        ],
        compiler_params=pltpu.CompilerParams(needs_layout_passes=False),
    )(_sc_counts_body)


def _sc_counts_body(batch_hbm, mask_hbm, inv_hbm,
                    bvm, mvm, ivm, tvm, rvm, sa, tab_sh, sem0, sem1):
    sid = lax.axis_index("s")
    base = sid * CHUNK
    seg_base = sid * SEG_SLICE
    is_tail = sid == NTILES - 1

    cm = pltpu.async_copy(mask_hbm.at[pl.ds(base, CHUNK)], mvm, sem1)

    @pl.when(jnp.logical_not(is_tail))
    def _full_loads():
        pltpu.async_copy(batch_hbm.at[pl.ds(base, CHUNK)], bvm, sem0)

    @pl.when(is_tail)
    def _tail_loads():
        pltpu.async_copy(batch_hbm.at[pl.ds(base, TAIL)],
                         bvm.at[pl.ds(0, TAIL)], sem0)

    def _zbody(i, _):
        tvm[pl.ds(i * L, L)] = jnp.zeros((L,), jnp.float32)
        return 0
    lax.fori_loop(0, NUM_SEG // L, _zbody, 0)

    @pl.when(jnp.logical_not(is_tail))
    def _full_wait():
        pltpu.make_async_copy(batch_hbm.at[pl.ds(base, CHUNK)], bvm, sem0).wait()

    @pl.when(is_tail)
    def _tail_wait():
        pltpu.make_async_copy(batch_hbm.at[pl.ds(base, TAIL)],
                              bvm.at[pl.ds(0, TAIL)], sem0).wait()
        def _fbody(i, _):
            bvm[pl.ds(TAIL + i * L, L)] = jnp.zeros((L,), jnp.int32)
            return 0
        lax.fori_loop(0, (CHUNK - TAIL) // L, _fbody, 0)

    cm.wait()

    pltpu.sync_copy(tvm, tab_sh.at[pl.ds(sid * NUM_SEG, NUM_SEG)])

    def _obody(i, _):
        sl = pl.ds(i * L, L)
        ivm[sl] = bvm[sl] + sid * NUM_SEG
        return 0
    lax.fori_loop(0, CHUNK // L, _obody, 0)
    pltpu.sync_copy(mvm, tab_sh.at[ivm], add=True)
    plsc.subcore_barrier()

    for t in range(NTILES):
        pltpu.sync_copy(
            tab_sh.at[pl.ds(t * NUM_SEG + seg_base, SEG_SLICE)], rvm.at[t])

    for s in range(SEG_SLICE // L):
        sl = pl.ds(s * L, L)
        acc = rvm[0, sl]
        for t in range(1, NTILES):
            acc = acc + rvm[t, sl]
        sa[sl] = jnp.ones((L,), jnp.float32) / jnp.maximum(
            acc, jnp.ones((L,), jnp.float32))
    pltpu.sync_copy(sa, inv_hbm.at[pl.ds(seg_base, SEG_SLICE)])


@functools.cache
def _build_sc_conserve():
    mesh = plsc.VectorSubcoreMesh(
        core_axis_name="c", subcore_axis_name="s", num_cores=1
    )
    return functools.partial(
        pl.kernel,
        out_type=jax.ShapeDtypeStruct((N,), jnp.float32),
        mesh=mesh,
        scratch_types=[
            pltpu.VMEM((CHUNK,), jnp.int32),
            pltpu.VMEM((CHUNK,), jnp.float32),
            pltpu.VMEM((CHUNK,), jnp.float32),
            pltpu.VMEM((CHUNK,), jnp.int32),
            pltpu.VMEM((NUM_SEG,), jnp.float32),
            pltpu.VMEM((NTILES, SEG_SLICE), jnp.float32),
            pltpu.VMEM((SEG_SLICE,), jnp.float32),
            pltpu.VMEM((SEG_SLICE,), jnp.float32),
            pltpu.VMEM_SHARED((NTILES * NUM_SEG,), jnp.float32),
            pltpu.VMEM_SHARED((NUM_SEG,), jnp.float32),
            pltpu.SemaphoreType.DMA,
            pltpu.SemaphoreType.DMA,
        ],
        compiler_params=pltpu.CompilerParams(needs_layout_passes=False),
    )(_sc_conserve_body)


def _sc_conserve_body(batch_hbm, charges_hbm, inv_hbm, out_hbm,
                      bvm, cvm, ovm, ivm, tvm, rvm, sa, sb,
                      tab_sh, delta_sh, sem0, sem1):
    sid = lax.axis_index("s")
    base = sid * CHUNK
    seg_base = sid * SEG_SLICE
    is_tail = sid == NTILES - 1

    @pl.when(jnp.logical_not(is_tail))
    def _full_loads():
        pltpu.async_copy(batch_hbm.at[pl.ds(base, CHUNK)], bvm, sem0)
        pltpu.async_copy(charges_hbm.at[pl.ds(base, CHUNK)], cvm, sem1)

    @pl.when(is_tail)
    def _tail_loads():
        pltpu.async_copy(batch_hbm.at[pl.ds(base, TAIL)],
                         bvm.at[pl.ds(0, TAIL)], sem0)
        pltpu.async_copy(charges_hbm.at[pl.ds(base, TAIL)],
                         cvm.at[pl.ds(0, TAIL)], sem1)

    def _zbody(i, _):
        tvm[pl.ds(i * L, L)] = jnp.zeros((L,), jnp.float32)
        return 0
    lax.fori_loop(0, NUM_SEG // L, _zbody, 0)
    pltpu.sync_copy(inv_hbm.at[pl.ds(seg_base, SEG_SLICE)], sb)

    @pl.when(jnp.logical_not(is_tail))
    def _full_wait():
        pltpu.make_async_copy(batch_hbm.at[pl.ds(base, CHUNK)], bvm, sem0).wait()
        pltpu.make_async_copy(charges_hbm.at[pl.ds(base, CHUNK)], cvm, sem1).wait()

    @pl.when(is_tail)
    def _tail_wait():
        pltpu.make_async_copy(batch_hbm.at[pl.ds(base, TAIL)],
                              bvm.at[pl.ds(0, TAIL)], sem0).wait()
        pltpu.make_async_copy(charges_hbm.at[pl.ds(base, TAIL)],
                              cvm.at[pl.ds(0, TAIL)], sem1).wait()
        def _fbody(i, _):
            sl = pl.ds(TAIL + i * L, L)
            bvm[sl] = jnp.zeros((L,), jnp.int32)
            cvm[sl] = jnp.zeros((L,), jnp.float32)
            return 0
        lax.fori_loop(0, (CHUNK - TAIL) // L, _fbody, 0)

    pltpu.sync_copy(tvm, tab_sh.at[pl.ds(sid * NUM_SEG, NUM_SEG)])

    def _obody(i, _):
        sl = pl.ds(i * L, L)
        ivm[sl] = bvm[sl] + sid * NUM_SEG
        return 0
    lax.fori_loop(0, CHUNK // L, _obody, 0)
    pltpu.sync_copy(cvm, tab_sh.at[ivm], add=True)
    plsc.subcore_barrier()

    for t in range(NTILES):
        pltpu.sync_copy(
            tab_sh.at[pl.ds(t * NUM_SEG + seg_base, SEG_SLICE)], rvm.at[t])

    for s in range(SEG_SLICE // L):
        sl = pl.ds(s * L, L)
        acc = rvm[0, sl]
        for t in range(1, NTILES):
            acc = acc + rvm[t, sl]
        sa[sl] = (jnp.zeros((L,), jnp.float32) - acc) * sb[sl]
    pltpu.sync_copy(sa, delta_sh.at[pl.ds(seg_base, SEG_SLICE)])
    plsc.subcore_barrier()

    pltpu.sync_copy(delta_sh, tvm)

    def _gbody(i, _):
        sl = pl.ds(i * L, L)
        idx = bvm[sl]
        ovm[sl] = cvm[sl] + plsc.load_gather(tvm, [idx])
        return 0
    lax.fori_loop(0, CHUNK // L, _gbody, 0)

    @pl.when(jnp.logical_not(is_tail))
    def _full_store():
        pltpu.sync_copy(ovm, out_hbm.at[pl.ds(base, CHUNK)])

    @pl.when(is_tail)
    def _tail_store():
        pltpu.sync_copy(ovm.at[pl.ds(0, TAIL)], out_hbm.at[pl.ds(base, TAIL)])



def kernel(node_invariant, batch, W1, b1, W2, b2):
    mask = (jnp.arange(NTILES * CHUNK, dtype=jnp.int32) < N).astype(jnp.float32)
    inv = _build_sc_counts()(batch, mask)
    charges = _mlp(node_invariant, W1, b1, W2, b2)
    return _build_sc_conserve()(batch, charges, inv)

# --- scband reference (transcript-rebuilt; emitter-appended) ---
"""Pipeline reference for scband-atomic-charges-out-44057774522750 (READ-ONLY COPY).

The authoritative reference and input builder live on the scoring server;
editing this copy changes nothing except your own understanding.
"""

import jax, jax.numpy as jnp
import numpy as np

N = 100000
D = 128
H = 64
NUM_SEGMENTS = 2048


def setup_inputs(seed: int = 0) -> dict:
    key = jax.random.key(seed)
    k1, k2, k3, k4 = jax.random.split(key, 4)
    node_invariant = jax.random.normal(k1, (N, D), dtype=jnp.float32)
    batch = jnp.sort(jax.random.randint(k2, (N,), 0, NUM_SEGMENTS, dtype=jnp.int32))
    W1 = jax.random.normal(k3, (D, H), dtype=jnp.float32) * (1.0 / np.sqrt(D))
    b1 = jnp.zeros((H,), dtype=jnp.float32)
    W2 = jax.random.normal(k4, (H, 1), dtype=jnp.float32) * (1.0 / np.sqrt(H))
    b2 = jnp.zeros((1,), dtype=jnp.float32)
    return {"node_invariant": node_invariant, "batch": batch, "W1": W1, "b1": b1, "W2": W2, "b2": b2}


def reference(node_invariant, batch, W1, b1, W2, b2):
    # out_mlp: Linear(D->H) -> SiLU -> Linear(H->1)
    h = node_invariant @ W1 + b1
    h = h * jax.nn.sigmoid(h)  # silu
    atomic_charges = (h @ W2 + b2).reshape(-1)
    # conservation: redistribute charge so each molecule sums to total_charge (0 here)
    raw_total_charge = jax.ops.segment_sum(atomic_charges, batch, num_segments=NUM_SEGMENTS)
    num_atoms = jax.ops.segment_sum(jnp.ones_like(atomic_charges), batch, num_segments=NUM_SEGMENTS)
    total_charge = jnp.zeros_like(raw_total_charge)
    # guard against empty segments (their delta is never gathered, so math unchanged)
    delta_charge = (total_charge - raw_total_charge) / jnp.maximum(num_atoms, 1.0)
    atomic_charges = atomic_charges + delta_charge[batch]
    return atomic_charges

if __name__ == "__main__":
    import jax
    _d = setup_inputs()
    print(jax.jit(kernel)(*tuple(_d.values())))

</pallas_src>

<mosaic_0001>
#map = affine_map<(d0, d1) -> (0)>
module attributes {stable_mosaic.version = 14 : i64} {
  func.func @_sc_counts_body(%arg0: i32, %arg1: i32, %arg2: memref<100000xi32, #tpu.memory_space<hbm>>, %arg3: memref<102400xf32, #tpu.memory_space<hbm>>, %arg4: memref<2048xf32, #tpu.memory_space<hbm>>, %arg5: memref<6400xi32, #tpu.memory_space<vmem>>, %arg6: memref<6400xf32, #tpu.memory_space<vmem>>, %arg7: memref<6400xi32, #tpu.memory_space<vmem>>, %arg8: memref<2048xf32, #tpu.memory_space<vmem>>, %arg9: memref<16x128xf32, #tpu.memory_space<vmem>>, %arg10: memref<128xf32, #tpu.memory_space<vmem>>, %arg11: memref<32768xf32, #tpu.memory_space<vmem_shared>>, %arg12: memref<!tpu.dma_semaphore, #tpu.memory_space<semaphore_mem>>, %arg13: memref<!tpu.dma_semaphore, #tpu.memory_space<semaphore_mem>>) attributes {dimension_semantics = [#tpu.dimension_semantics<core_parallel>, #tpu.dimension_semantics<subcore_parallel>], iteration_bounds = array<i64: 1, 16>, scalar_prefetch = 0 : i64, scratch_operands = 9 : i64, tpu.core_type = #tpu.core_type<sc_vector_subcore>, window_params = [{transform_indices = #map}, {transform_indices = #map}, {transform_indices = #map}]} {
    %mul3A = arith.constant 6400 : i32
    %mul3A_0 = arith.muli %arg1, %mul3A : i32
    %mul3A_1 = arith.constant 128 : i32
    %mul3A_2 = arith.muli %arg1, %mul3A_1 : i32
    %eq3A = arith.constant 15 : i32
    %eq3A_3 = arith.cmpi eq, %arg1, %eq3A : i32
    %dma_start3A = tpu.memref_slice %arg3[%mul3A_0] : memref<102400xf32, #tpu.memory_space<hbm>> -> memref<6400xf32, #tpu.memory_space<hbm>>
    %dma_start3A_4 = tpu.memref_slice %arg3[%mul3A_0] : memref<102400xf32, #tpu.memory_space<hbm>> -> memref<6400xf32, #tpu.memory_space<hbm>>
    tpu.enqueue_dma source(%dma_start3A_4 : memref<6400xf32, #tpu.memory_space<hbm>>) target(%arg6 : memref<6400xf32, #tpu.memory_space<vmem>>) target_semaphore(%arg13 : memref<!tpu.dma_semaphore, #tpu.memory_space<semaphore_mem>>)
    %not3A = arith.constant true
    %not3A_5 = arith.xori %eq3A_3, %not3A : i1
    %convert_element_type3A = arith.extui %not3A_5 : i1 to i32
    %cond3A = arith.constant 0 : i32
    %cond3A_6 = arith.cmpi ne, %convert_element_type3A, %cond3A : i32
    scf.if %cond3A_6 {
      %dma_start3A_771 = tpu.memref_slice %arg2[%mul3A_0] : memref<100000xi32, #tpu.memory_space<hbm>> -> memref<6400xi32, #tpu.memory_space<hbm>>
      %dma_start3A_772 = tpu.memref_slice %arg2[%mul3A_0] : memref<100000xi32, #tpu.memory_space<hbm>> -> memref<6400xi32, #tpu.memory_space<hbm>>
      tpu.enqueue_dma source(%dma_start3A_772 : memref<6400xi32, #tpu.memory_space<hbm>>) target(%arg5 : memref<6400xi32, #tpu.memory_space<vmem>>) target_semaphore(%arg12 : memref<!tpu.dma_semaphore, #tpu.memory_space<semaphore_mem>>)
    } else {
    }
    %convert_element_type3A_7 = arith.extui %eq3A_3 : i1 to i32
    %cond3A_8 = arith.constant 0 : i32
    %cond3A_9 = arith.cmpi ne, %convert_element_type3A_7, %cond3A_8 : i32
    scf.if %cond3A_9 {
      %dma_start3A_771 = arith.constant 0 : i32
      %dma_start3A_772 = tpu.memref_slice %arg5[%dma_start3A_771] : memref<6400xi32, #tpu.memory_space<vmem>> -> memref<4000xi32, #tpu.memory_space<vmem>>
      %dma_start3A_773 = tpu.memref_slice %arg2[%mul3A_0] : memref<100000xi32, #tpu.memory_space<hbm>> -> memref<4000xi32, #tpu.memory_space<hbm>>
      %dma_start3A_774 = arith.constant 0 : i32
      %dma_start3A_775 = tpu.memref_slice %arg5[%dma_start3A_774] : memref<6400xi32, #tpu.memory_space<vmem>> -> memref<4000xi32, #tpu.memory_space<vmem>>
      %dma_start3A_776 = tpu.memref_slice %arg2[%mul3A_0] : memref<100000xi32, #tpu.memory_space<hbm>> -> memref<4000xi32, #tpu.memory_space<hbm>>
      tpu.enqueue_dma source(%dma_start3A_776 : memref<4000xi32, #tpu.memory_space<hbm>>) target(%dma_start3A_775 : memref<4000xi32, #tpu.memory_space<vmem>>) target_semaphore(%arg12 : memref<!tpu.dma_semaphore, #tpu.memory_space<semaphore_mem>>)
    } else {
    }
    %scan3A = arith.constant 0 : i32
    %scan3A_10 = arith.constant 0 : i32
    %scan3A_11 = arith.constant 128 : i32
    %scan3A_12 = arith.addi %scan3A_10, %scan3A_11 : i32
    %scan3A_13 = arith.constant 1 : i32
    %scan3A_14 = scf.for %scan3A_771 = %scan3A_10 to %scan3A_12 step %scan3A_13 iter_args(%scan3A_772 = %scan3A) -> (i32)  : i32 {
      %broadcast_in_dim3A_773 = arith.constant 0.000000e+00 : f32
      %broadcast_in_dim3A_774 = vector.broadcast %broadcast_in_dim3A_773 : f32 to vector<16xf32>
      %mul3A_775 = arith.constant 16 : i32
      %mul3A_776 = arith.muli %scan3A_771, %mul3A_775 : i32
      %swap3A_777 = arith.index_cast %mul3A_776 : i32 to index
      %swap3A_778 = tpu.vector_load %arg8[%swap3A_777] {strides = array<i32>} : memref<2048xf32, #tpu.memory_space<vmem>>, vector<16xf32>,
      tpu.vector_store %arg8[%swap3A_777], %broadcast_in_dim3A_774 {strides = array<i32>} : memref<2048xf32, #tpu.memory_space<vmem>>, vector<16xf32>,
      %scan3A_779 = arith.constant 0 : i32
      scf.yield %scan3A_779 : i32
    }
    %scan3A_15 = arith.constant 128 : i32
    %not3A_16 = arith.constant true
    %not3A_17 = arith.xori %eq3A_3, %not3A_16 : i1
    %convert_element_type3A_18 = arith.extui %not3A_17 : i1 to i32
    %cond3A_19 = arith.constant 0 : i32
    %cond3A_20 = arith.cmpi ne, %convert_element_type3A_18, %cond3A_19 : i32
    scf.if %cond3A_20 {
      %dma_wait3A_771 = tpu.memref_slice %arg2[%mul3A_0] : memref<100000xi32, #tpu.memory_space<hbm>> -> memref<6400xi32, #tpu.memory_space<hbm>>
      %dma_wait3A_772 = tpu.memref_slice %arg2[%mul3A_0] : memref<100000xi32, #tpu.memory_space<hbm>> -> memref<6400xi32, #tpu.memory_space<hbm>>
      tpu.wait_dma2 semaphore(%arg12 : memref<!tpu.dma_semaphore, #tpu.memory_space<semaphore_mem>>) src(%dma_wait3A_772 : memref<6400xi32, #tpu.memory_space<hbm>>) dst(%arg5 : memref<6400xi32, #tpu.memory_space<vmem>>)
    } else {
    }
    %convert_element_type3A_21 = arith.extui %eq3A_3 : i1 to i32
    %cond3A_22 = arith.constant 0 : i32
    %cond3A_23 = arith.cmpi ne, %convert_element_type3A_21, %cond3A_22 : i32
    scf.if %cond3A_23 {
      %dma_wait3A_771 = arith.constant 0 : i32
      %dma_wait3A_772 = tpu.memref_slice %arg5[%dma_wait3A_771] : memref<6400xi32, #tpu.memory_space<vmem>> -> memref<4000xi32, #tpu.memory_space<vmem>>
      %dma_wait3A_773 = tpu.memref_slice %arg2[%mul3A_0] : memref<100000xi32, #tpu.memory_space<hbm>> -> memref<4000xi32, #tpu.memory_space<hbm>>
      %dma_wait3A_774 = arith.constant 0 : i32
      %dma_wait3A_775 = tpu.memref_slice %arg5[%dma_wait3A_774] : memref<6400xi32, #tpu.memory_space<vmem>> -> memref<4000xi32, #tpu.memory_space<vmem>>
      %dma_wait3A_776 = tpu.memref_slice %arg2[%mul3A_0] : memref<100000xi32, #tpu.memory_space<hbm>> -> memref<4000xi32, #tpu.memory_space<hbm>>
      tpu.wait_dma2 semaphore(%arg12 : memref<!tpu.dma_semaphore, #tpu.memory_space<semaphore_mem>>) src(%dma_wait3A_776 : memref<4000xi32, #tpu.memory_space<hbm>>) dst(%dma_wait3A_775 : memref<4000xi32, #tpu.memory_space<vmem>>)
      %scan3A_777 = arith.constant 0 : i32
      %scan3A_778 = arith.constant 0 : i32
      %scan3A_779 = arith.constant 150 : i32
      %scan3A_780 = arith.addi %scan3A_778, %scan3A_779 : i32
      %scan3A_781 = arith.constant 1 : i32
      %scan3A_782 = scf.for %scan3A_784 = %scan3A_778 to %scan3A_780 step %scan3A_781 iter_args(%scan3A_785 = %scan3A_777) -> (i32)  : i32 {
        %broadcast_in_dim3A_786 = arith.constant 0 : i32
        %broadcast_in_dim3A_787 = vector.broadcast %broadcast_in_dim3A_786 : i32 to vector<16xi32>
        %mul3A_788 = arith.constant 16 : i32
        %mul3A_789 = arith.muli %scan3A_784, %mul3A_788 : i32
        %add3A_790 = arith.constant 4000 : i32
        %add3A_791 = arith.addi %add3A_790, %mul3A_789 : i32
        %swap3A_792 = arith.index_cast %add3A_791 : i32 to index
        %swap3A_793 = tpu.vector_load %arg5[%swap3A_792] {strides = array<i32>} : memref<6400xi32, #tpu.memory_space<vmem>>, vector<16xi32>,
        tpu.vector_store %arg5[%swap3A_792], %broadcast_in_dim3A_787 {strides = array<i32>} : memref<6400xi32, #tpu.memory_space<vmem>>, vector<16xi32>,
        %scan3A_794 = arith.constant 0 : i32
        scf.yield %scan3A_794 : i32
      }
      %scan3A_783 = arith.constant 150 : i32
    } else {
    }
    %dma_wait3A = tpu.memref_slice %arg3[%mul3A_0] : memref<102400xf32, #tpu.memory_space<hbm>> -> memref<6400xf32, #tpu.memory_space<hbm>>
    %dma_wait3A_24 = tpu.memref_slice %arg3[%mul3A_0] : memref<102400xf32, #tpu.memory_space<hbm>> -> memref<6400xf32, #tpu.memory_space<hbm>>
    tpu.wait_dma2 semaphore(%arg13 : memref<!tpu.dma_semaphore, #tpu.memory_space<semaphore_mem>>) src(%dma_wait3A_24 : memref<6400xf32, #tpu.memory_space<hbm>>) dst(%arg6 : memref<6400xf32, #tpu.memory_space<vmem>>)
    %mul3A_25 = arith.constant 2048 : i32
    %mul3A_26 = arith.muli %arg1, %mul3A_25 : i32
    "tpu.region"() ({
      %run_scoped3A_771 = tpu.sem_alloc : memref<!tpu.dma_semaphore, #tpu.memory_space<semaphore_mem>>
      %dma_start3A_772 = tpu.memref_slice %arg11[%mul3A_26] : memref<32768xf32, #tpu.memory_space<vmem_shared>> -> memref<2048xf32, #tpu.memory_space<vmem_shared>>
      %dma_start3A_773 = tpu.memref_slice %arg11[%mul3A_26] : memref<32768xf32, #tpu.memory_space<vmem_shared>> -> memref<2048xf32, #tpu.memory_space<vmem_shared>>
      tpu.enqueue_dma source(%arg8 : memref<2048xf32, #tpu.memory_space<vmem>>) target(%dma_start3A_773 : memref<2048xf32, #tpu.memory_space<vmem_shared>>) target_semaphore(%run_scoped3A_771 : memref<!tpu.dma_semaphore, #tpu.memory_space<semaphore_mem>>)
      %dma_wait3A_774 = tpu.memref_slice %arg11[%mul3A_26] : memref<32768xf32, #tpu.memory_space<vmem_shared>> -> memref<2048xf32, #tpu.memory_space<vmem_shared>>
      %dma_wait3A_775 = tpu.memref_slice %arg11[%mul3A_26] : memref<32768xf32, #tpu.memory_space<vmem_shared>> -> memref<2048xf32, #tpu.memory_space<vmem_shared>>
      tpu.wait_dma2 semaphore(%run_scoped3A_771 : memref<!tpu.dma_semaphore, #tpu.memory_space<semaphore_mem>>) src(%arg8 : memref<2048xf32, #tpu.memory_space<vmem>>) dst(%dma_wait3A_775 : memref<2048xf32, #tpu.memory_space<vmem_shared>>)
      tpu.yield
    }) : () -> ()
    %scan3A_27 = arith.constant 0 : i32
    %scan3A_28 = arith.constant 0 : i32
    %scan3A_29 = arith.constant 400 : i32
    %scan3A_30 = arith.addi %scan3A_28, %scan3A_29 : i32
    %scan3A_31 = arith.constant 1 : i32
    %scan3A_32 = scf.for %scan3A_771 = %scan3A_28 to %scan3A_30 step %scan3A_31 iter_args(%scan3A_772 = %scan3A_27) -> (i32)  : i32 {
      %mul3A_773 = arith.constant 16 : i32
      %mul3A_774 = arith.muli %scan3A_771, %mul3A_773 : i32
      %get3A_775 = arith.index_cast %mul3A_774 : i32 to index
      %get3A_776 = tpu.vector_load %arg5[%get3A_775] {strides = array<i32>} : memref<6400xi32, #tpu.memory_space<vmem>>, vector<16xi32>,
      %mul3A_777 = arith.constant 2048 : i32
      %mul3A_778 = arith.muli %arg1, %mul3A_777 : i32
      %add3A_779 = vector.broadcast %mul3A_778 : i32 to vector<16xi32>
      %add3A_780 = arith.addi %get3A_776, %add3A_779 : vector<16xi32>
      %swap3A_781 = arith.index_cast %mul3A_774 : i32 to index
      %swap3A_782 = tpu.vector_load %arg7[%swap3A_781] {strides = array<i32>} : memref<6400xi32, #tpu.memory_space<vmem>>, vector<16xi32>,
      tpu.vector_store %arg7[%swap3A_781], %add3A_780 {strides = array<i32>} : memref<6400xi32, #tpu.memory_space<vmem>>, vector<16xi32>,
      %scan3A_783 = arith.constant 0 : i32
      scf.yield %scan3A_783 : i32
    }
    %scan3A_33 = arith.constant 400 : i32
    "tpu.region"() ({
      %run_scoped3A_771 = tpu.sem_alloc : memref<!tpu.dma_semaphore, #tpu.memory_space<semaphore_mem>>
      %dma_start3A_772 = arith.constant 0 : i32
      %dma_start3A_773 = tpu.memref_slice %arg11[%dma_start3A_772] : memref<32768xf32, #tpu.memory_space<vmem_shared>> -> memref<32768xf32, #tpu.memory_space<vmem_shared>>
      tpu.enqueue_indirect_dma source(%arg6 : memref<6400xf32, #tpu.memory_space<vmem>>) target(%dma_start3A_773 : memref<32768xf32, #tpu.memory_space<vmem_shared>>) offsets(%arg7 : memref<6400xi32, #tpu.memory_space<vmem>>) semaphore(%run_scoped3A_771 : memref<!tpu.dma_semaphore, #tpu.memory_space<semaphore_mem>>) {add = true}
      %dma_wait3A_774 = arith.constant 0 : i32
      %dma_wait3A_775 = tpu.memref_slice %arg11[%dma_wait3A_774] : memref<32768xf32, #tpu.memory_space<vmem_shared>> -> memref<32768xf32, #tpu.memory_space<vmem_shared>>
      tpu.wait_indirect_dma semaphore(%run_scoped3A_771 : memref<!tpu.dma_semaphore, #tpu.memory_space<semaphore_mem>>) src(%arg6 : memref<6400xf32, #tpu.memory_space<vmem>>) dst(%dma_wait3A_775 : memref<32768xf32, #tpu.memory_space<vmem_shared>>)
      tpu.yield
    }) : () -> ()
    %barrier3A = arith.constant 0 : index
    tpu.barrier barrier_id(%barrier3A)
    %add3A = arith.constant 0 : i32
    %add3A_34 = arith.addi %add3A, %mul3A_2 : i32
    %run_scoped3A = arith.constant 0 : i32
    "tpu.region"() ({
      %run_scoped3A_771 = tpu.sem_alloc : memref<!tpu.dma_semaphore, #tpu.memory_space<semaphore_mem>>
      %dma_start3A_772 = arith.constant 0 : i32
      %dma_start3A_773 = tpu.memref_slice %arg9[%run_scoped3A, %dma_start3A_772] : memref<16x128xf32, #tpu.memory_space<vmem>> -> memref<1x128xf32, #tpu.memory_space<vmem>>
      %dma_start3A_774 = tpu.memref_squeeze %dma_start3A_773 : memref<1x128xf32, #tpu.memory_space<vmem>> -> memref<128xf32, #tpu.memory_space<vmem>>
      %dma_start3A_775 = tpu.memref_slice %arg11[%add3A_34] : memref<32768xf32, #tpu.memory_space<vmem_shared>> -> memref<128xf32, #tpu.memory_space<vmem_shared>>
      %dma_start3A_776 = arith.constant 0 : i32
      %dma_start3A_777 = tpu.memref_slice %arg9[%run_scoped3A, %dma_start3A_776] : memref<16x128xf32, #tpu.memory_space<vmem>> -> memref<1x128xf32, #tpu.memory_space<vmem>>
      %dma_start3A_778 = tpu.memref_squeeze %dma_start3A_777 : memref<1x128xf32, #tpu.memory_space<vmem>> -> memref<128xf32, #tpu.memory_space<vmem>>
      %dma_start3A_779 = tpu.memref_slice %arg11[%add3A_34] : memref<32768xf32, #tpu.memory_space<vmem_shared>> -> memref<128xf32, #tpu.memory_space<vmem_shared>>
      tpu.enqueue_dma source(%dma_start3A_779 : memref<128xf32, #tpu.memory_space<vmem_shared>>) target(%dma_start3A_778 : memref<128xf32, #tpu.memory_space<vmem>>) target_semaphore(%run_scoped3A_771 : memref<!tpu.dma_semaphore, #tpu.memory_space<semaphore_mem>>)
      %dma_wait3A_780 = arith.constant 0 : i32
      %dma_wait3A_781 = tpu.memref_slice %arg9[%run_scoped3A, %dma_wait3A_780] : memref<16x128xf32, #tpu.memory_space<vmem>> -> memref<1x128xf32, #tpu.memory_space<vmem>>
      %dma_wait3A_782 = tpu.memref_squeeze %dma_wait3A_781 : memref<1x128xf32, #tpu.memory_space<vmem>> -> memref<128xf32, #tpu.memory_space<vmem>>
      %dma_wait3A_783 = tpu.memref_slice %arg11[%add3A_34] : memref<32768xf32, #tpu.memory_space<vmem_shared>> -> memref<128xf32, #tpu.memory_space<vmem_shared>>
      %dma_wait3A_784 = arith.constant 0 : i32
      %dma_wait3A_785 = tpu.memref_slice %arg9[%run_scoped3A, %dma_wait3A_784] : memref<16x128xf32, #tpu.memory_space<vmem>> -> memref<1x128xf32, #tpu.memory_space<vmem>>
      %dma_wait3A_786 = tpu.memref_squeeze %dma_wait3A_785 : memref<1x128xf32, #tpu.memory_space<vmem>> -> memref<128xf32, #tpu.memory_space<vmem>>
      %dma_wait3A_787 = tpu.memref_slice %arg11[%add3A_34] : memref<32768xf32, #tpu.memory_space<vmem_shared>> -> memref<128xf32, #tpu.memory_space<vmem_shared>>
      tpu.wait_dma2 semaphore(%run_scoped3A_771 : memref<!tpu.dma_semaphore, #tpu.memory_space<semaphore_mem>>) src(%dma_wait3A_787 : memref<128xf32, #tpu.memory_space<vmem_shared>>) dst(%dma_wait3A_786 : memref<128xf32, #tpu.memory_space<vmem>>)
      tpu.yield
    }) : () -> ()
    %add3A_35 = arith.constant 2048 : i32
    %add3A_36 = arith.addi %add3A_35, %mul3A_2 : i32
    %run_scoped3A_37 = arith.constant 1 : i32
    "tpu.region"() ({
      %run_scoped3A_771 = tpu.sem_alloc : memref<!tpu.dma_semaphore, #tpu.memory_space<semaphore_mem>>
      %dma_start3A_772 = arith.constant 0 : i32
      %dma_start3A_773 = tpu.memref_slice %arg9[%run_scoped3A_37, %dma_start3A_772] : memref<16x128xf32, #tpu.memory_space<vmem>> -> memref<1x128xf32, #tpu.memory_space<vmem>>
      %dma_start3A_774 = tpu.memref_squeeze %dma_start3A_773 : memref<1x128xf32, #tpu.memory_space<vmem>> -> memref<128xf32, #tpu.memory_space<vmem>>
      %dma_start3A_775 = tpu.memref_slice %arg11[%add3A_36] : memref<32768xf32, #tpu.memory_space<vmem_shared>> -> memref<128xf32, #tpu.memory_space<vmem_shared>>
      %dma_start3A_776 = arith.constant 0 : i32
      %dma_start3A_777 = tpu.memref_slice %arg9[%run_scoped3A_37, %dma_start3A_776] : memref<16x128xf32, #tpu.memory_space<vmem>> -> memref<1x128xf32, #tpu.memory_space<vmem>>
      %dma_start3A_778 = tpu.memref_squeeze %dma_start3A_777 : memref<1x128xf32, #tpu.memory_space<vmem>> -> memref<128xf32, #tpu.memory_space<vmem>>
      %dma_start3A_779 = tpu.memref_slice %arg11[%add3A_36] : memref<32768xf32, #tpu.memory_space<vmem_shared>> -> memref<128xf32, #tpu.memory_space<vmem_shared>>
      tpu.enqueue_dma source(%dma_start3A_779 : memref<128xf32, #tpu.memory_space<vmem_shared>>) target(%dma_start3A_778 : memref<128xf32, #tpu.memory_space<vmem>>) target_semaphore(%run_scoped3A_771 : memref<!tpu.dma_semaphore, #tpu.memory_space<semaphore_mem>>)
      %dma_wait3A_780 = arith.constant 0 : i32
      %dma_wait3A_781 = tpu.memref_slice %arg9[%run_scoped3A_37, %dma_wait3A_780] : memref<16x128xf32, #tpu.memory_space<vmem>> -> memref<1x128xf32, #tpu.memory_space<vmem>>
      %dma_wait3A_782 = tpu.memref_squeeze %dma_wait3A_781 : memref<1x128xf32, #tpu.memory_space<vmem>> -> memref<128xf32, #tpu.memory_space<vmem>>
      %dma_wait3A_783 = tpu.memref_slice %arg11[%add3A_36] : memref<32768xf32, #tpu.memory_space<vmem_shared>> -> memref<128xf32, #tpu.memory_space<vmem_shared>>
      %dma_wait3A_784 = arith.constant 0 : i32
      %dma_wait3A_785 = tpu.memref_slice %arg9[%run_scoped3A_37, %dma_wait3A_784] : memref<16x128xf32, #tpu.memory_space<vmem>> -> memref<1x128xf32, #tpu.memory_space<vmem>>
      %dma_wait3A_786 = tpu.memref_squeeze %dma_wait3A_785 : memref<1x128xf32, #tpu.memory_space<vmem>> -> memref<128xf32, #tpu.memory_space<vmem>>
      %dma_wait3A_787 = tpu.memref_slice %arg11[%add3A_36] : memref<32768xf32, #tpu.memory_space<vmem_shared>> -> memref<128xf32, #tpu.memory_space<vmem_shared>>
      tpu.wait_dma2 semaphore(%run_scoped3A_771 : memref<!tpu.dma_semaphore, #tpu.memory_space<semaphore_mem>>) src(%dma_wait3A_787 : memref<128xf32, #tpu.memory_space<vmem_shared>>) dst(%dma_wait3A_786 : memref<128xf32, #tpu.memory_space<vmem>>)
      tpu.yield
    }) : () -> ()
    %add3A_38 = arith.constant 4096 : i32
    %add3A_39 = arith.addi %add3A_38, %mul3A_2 : i32
    %run_scoped3A_40 = arith.constant 2 : i32
    "tpu.region"() ({
      %run_scoped3A_771 = tpu.sem_alloc : memref<!tpu.dma_semaphore, #tpu.memory_space<semaphore_mem>>
      %dma_start3A_772 = arith.constant 0 : i32
      %dma_start3A_773 = tpu.memref_slice %arg9[%run_scoped3A_40, %dma_start3A_772] : memref<16x128xf32, #tpu.memory_space<vmem>> -> memref<1x128xf32, #tpu.memory_space<vmem>>
      %dma_start3A_774 = tpu.memref_squeeze %dma_start3A_773 : memref<1x128xf32, #tpu.memory_space<vmem>> -> memref<128xf32, #tpu.memory_space<vmem>>
      %dma_start3A_775 = tpu.memref_slice %arg11[%add3A_39] : memref<32768xf32, #tpu.memory_space<vmem_shared>> -> memref<128xf32, #tpu.memory_space<vmem_shared>>
      %dma_start3A_776 = arith.constant 0 : i32
      %dma_start3A_777 = tpu.memref_slice %arg9[%run_scoped3A_40, %dma_start3A_776] : memref<16x128xf32, #tpu.memory_space<vmem>> -> memref<1x128xf32, #tpu.memory_space<vmem>>
      %dma_start3A_778 = tpu.memref_squeeze %dma_start3A_777 : memref<1x128xf32, #tpu.memory_space<vmem>> -> memref<128xf32, #tpu.memory_space<vmem>>
      %dma_start3A_779 = tpu.memref_slice %arg11[%add3A_39] : memref<32768xf32, #tpu.memory_space<vmem_shared>> -> memref<128xf32, #tpu.memory_space<vmem_shared>>
      tpu.enqueue_dma source(%dma_start3A_779 : memref<128xf32, #tpu.memory_space<vmem_shared>>) target(%dma_start3A_778 : memref<128xf32, #tpu.memory_space<vmem>>) target_semaphore(%run_scoped3A_771 : memref<!tpu.dma_semaphore, #tpu.memory_space<semaphore_mem>>)
      %dma_wait3A_780 = arith.constant 0 : i32
      %dma_wait3A_781 = tpu.memref_slice %arg9[%run_scoped3A_40, %dma_wait3A_780] : memref<16x128xf32, #tpu.memory_space<vmem>> -> memref<1x128xf32, #tpu.memory_space<vmem>>
      %dma_wait3A_782 = tpu.memref_squeeze %dma_wait3A_781 : memref<1x128xf32, #tpu.memory_space<vmem>> -> memref<128xf32, #tpu.memory_space<vmem>>
      %dma_wait3A_783 = tpu.memref_slice %arg11[%add3A_39] : memref<32768xf32, #tpu.memory_space<vmem_shared>> -> memref<128xf32, #tpu.memory_space<vmem_shared>>
      %dma_wait3A_784 = arith.constant 0 : i32
      %dma_wait3A_785 = tpu.memref_slice %arg9[%run_scoped3A_40, %dma_wait3A_784] : memref<16x128xf32, #tpu.memory_space<vmem>> -> memref<1x128xf32, #tpu.memory_space<vmem>>
      %dma_wait3A_786 = tpu.memref_squeeze %dma_wait3A_785 : memref<1x128xf32, #tpu.memory_space<vmem>> -> memref<128xf32, #tpu.memory_space<vmem>>
      %dma_wait3A_787 = tpu.memref_slice %arg11[%add3A_39] : memref<32768xf32, #tpu.memory_space<vmem_shared>> -> memref<128xf32, #tpu.memory_space<vmem_shared>>
      tpu.wait_dma2 semaphore(%run_scoped3A_771 : memref<!tpu.dma_semaphore, #tpu.memory_space<semaphore_mem>>) src(%dma_wait3A_787 : memref<128xf32, #tpu.memory_space<vmem_shared>>) dst(%dma_wait3A_786 : memref<128xf32, #tpu.memory_space<vmem>>)
      tpu.yield
    }) : () -> ()
    %add3A_41 = arith.constant 6144 : i32
    %add3A_42 = arith.addi %add3A_41, %mul3A_2 : i32
    %run_scoped3A_43 = arith.constant 3 : i32
    "tpu.region"() ({
      %run_scoped3A_771 = tpu.sem_alloc : memref<!tpu.dma_semaphore, #tpu.memory_space<semaphore_mem>>
      %dma_start3A_772 = arith.constant 0 : i32
      %dma_start3A_773 = tpu.memref_slice %arg9[%run_scoped3A_43, %dma_start3A_772] : memref<16x128xf32, #tpu.memory_space<vmem>> -> memref<1x128xf32, #tpu.memory_space<vmem>>
      %dma_start3A_774 = tpu.memref_squeeze %dma_start3A_773 : memref<1x128xf32, #tpu.memory_space<vmem>> -> memref<128xf32, #tpu.memory_space<vmem>>
      %dma_start3A_775 = tpu.memref_slice %arg11[%add3A_42] : memref<32768xf32, #tpu.memory_space<vmem_shared>> -> memref<128xf32, #tpu.memory_space<vmem_shared>>
      %dma_start3A_776 = arith.constant 0 : i32
      %dma_start3A_777 = tpu.memref_slice %arg9[%run_scoped3A_43, %dma_start3A_776] : memref<16x128xf32, #tpu.memory_space<vmem>> -> memref<1x128xf32, #tpu.memory_space<vmem>>
      %dma_start3A_778 = tpu.memref_squeeze %dma_start3A_777 : memref<1x128xf32, #tpu.memory_space<vmem>> -> memref<128xf32, #tpu.memory_space<vmem>>
      %dma_start3A_779 = tpu.memref_slice %arg11[%add3A_42] : memref<32768xf32, #tpu.memory_space<vmem_shared>> -> memref<128xf32, #tpu.memory_space<vmem_shared>>
      tpu.enqueue_dma source(%dma_start3A_779 : memref<128xf32, #tpu.memory_space<vmem_shared>>) target(%dma_start3A_778 : memref<128xf32, #tpu.memory_space<vmem>>) target_semaphore(%run_scoped3A_771 : memref<!tpu.dma_semaphore, #tpu.memory_space<semaphore_mem>>)
      %dma_wait3A_780 = arith.constant 0 : i32
      %dma_wait3A_781 = tpu.memref_slice %arg9[%run_scoped3A_43, %dma_wait3A_780] : memref<16x128xf32, #tpu.memory_space<vmem>> -> memref<1x128xf32, #tpu.memory_space<vmem>>
      %dma_wait3A_782 = tpu.memref_squeeze %dma_wait3A_781 : memref<1x128xf32, #tpu.memory_space<vmem>> -> memref<128xf32, #tpu.memory_space<vmem>>
      %dma_wait3A_783 = tpu.memref_slice %arg11[%add3A_42] : memref<32768xf32, #tpu.memory_space<vmem_shared>> -> memref<128xf32, #tpu.memory_space<vmem_shared>>
      %dma_wait3A_784 = arith.constant 0 : i32
      %dma_wait3A_785 = tpu.memref_slice %arg9[%run_scoped3A_43, %dma_wait3A_784] : memref<16x128xf32, #tpu.memory_space<vmem>> -> memref<1x128xf32, #tpu.memory_space<vmem>>
      %dma_wait3A_786 = tpu.memref_squeeze %dma_wait3A_785 : memref<1x128xf32, #tpu.memory_space<vmem>> -> memref<128xf32, #tpu.memory_space<vmem>>
      %dma_wait3A_787 = tpu.memref_slice %arg11[%add3A_42] : memref<32768xf32, #tpu.memory_space<vmem_shared>> -> memref<128xf32, #tpu.memory_space<vmem_shared>>
      tpu.wait_dma2 semaphore(%run_scoped3A_771 : memref<!tpu.dma_semaphore, #tpu.memory_space<semaphore_mem>>) src(%dma_wait3A_787 : memref<128xf32, #tpu.memory_space<vmem_shared>>) dst(%dma_wait3A_786 : memref<128xf32, #tpu.memory_space<vmem>>)
      tpu.yield
    }) : () -> ()
    %add3A_44 = arith.constant 8192 : i32
    %add3A_45 = arith.addi %add3A_44, %mul3A_2 : i32
    %run_scoped3A_46 = arith.constant 4 : i32
    "tpu.region"() ({
      %run_scoped3A_771 = tpu.sem_alloc : memref<!tpu.dma_semaphore, #tpu.memory_space<semaphore_mem>>
      %dma_start3A_772 = arith.constant 0 : i32
      %dma_start3A_773 = tpu.memref_slice %arg9[%run_scoped3A_46, %dma_start3A_772] : memref<16x128xf32, #tpu.memory_space<vmem>> -> memref<1x128xf32, #tpu.memory_space<vmem>>
      %dma_start3A_774 = tpu.memref_squeeze %dma_start3A_773 : memref<1x128xf32, #tpu.memory_space<vmem>> -> memref<128xf32, #tpu.memory_space<vmem>>
      %dma_start3A_775 = tpu.memref_slice %arg11[%add3A_45] : memref<32768xf32, #tpu.memory_space<vmem_shared>> -> memref<128xf32, #tpu.memory_space<vmem_shared>>
      %dma_start3A_776 = arith.constant 0 : i32
      %dma_start3A_777 = tpu.memref_slice %arg9[%run_scoped3A_46, %dma_start3A_776] : memref<16x128xf32, #tpu.memory_space<vmem>> -> memref<1x128xf32, #tpu.memory_space<vmem>>
      %dma_start3A_778 = tpu.memref_squeeze %dma_start3A_777 : memref<1x128xf32, #tpu.memory_space<vmem>> -> memref<128xf32, #tpu.memory_space<vmem>>
      %dma_start3A_779 = tpu.memref_slice %arg11[%add3A_45] : memref<32768xf32, #tpu.memory_space<vmem_shared>> -> memref<128xf32, #tpu.memory_space<vmem_shared>>
      tpu.enqueue_dma source(%dma_start3A_779 : memref<128xf32, #tpu.memory_space<vmem_shared>>) target(%dma_start3A_778 : memref<128xf32, #tpu.memory_space<vmem>>) target_semaphore(%run_scoped3A_771 : memref<!tpu.dma_semaphore, #tpu.memory_space<semaphore_mem>>)
      %dma_wait3A_780 = arith.constant 0 : i32
      %dma_wait3A_781 = tpu.memref_slice %arg9[%run_scoped3A_46, %dma_wait3A_780] : memref<16x128xf32, #tpu.memory_space<vmem>> -> memref<1x128xf32, #tpu.memory_space<vmem>>
      %dma_wait3A_782 = tpu.memref_squeeze %dma_wait3A_781 : memref<1x128xf32, #tpu.memory_space<vmem>> -> memref<128xf32, #tpu.memory_space<vmem>>
      %dma_wait3A_783 = tpu.memref_slice %arg11[%add3A_45] : memref<32768xf32, #tpu.memory_space<vmem_shared>> -> memref<128xf32, #tpu.memory_space<vmem_shared>>
      %dma_wait3A_784 = arith.constant 0 : i32
      %dma_wait3A_785 = tpu.memref_slice %arg9[%run_scoped3A_46, %dma_wait3A_784] : memref<16x128xf32, #tpu.memory_space<vmem>> -> memref<1x128xf32, #tpu.memory_space<vmem>>
      %dma_wait3A_786 = tpu.memref_squeeze %dma_wait3A_785 : memref<1x128xf32, #tpu.memory_space<vmem>> -> memref<128xf32, #tpu.memory_space<vmem>>
      %dma_wait3A_787 = tpu.memref_slice %arg11[%add3A_45] : memref<32768xf32, #tpu.memory_space<vmem_shared>> -> memref<128xf32, #tpu.memory_space<vmem_shared>>
      tpu.wait_dma2 semaphore(%run_scoped3A_771 : memref<!tpu.dma_semaphore, #tpu.memory_space<semaphore_mem>>) src(%dma_wait3A_787 : memref<128xf32, #tpu.memory_space<vmem_shared>>) dst(%dma_wait3A_786 : memref<128xf32, #tpu.memory_space<vmem>>)
      tpu.yield
    }) : () -> ()
    %add3A_47 = arith.constant 10240 : i32
    %add3A_48 = arith.addi %add3A_47, %mul3A_2 : i32
    %run_scoped3A_49 = arith.constant 5 : i32
    "tpu.region"() ({
      %run_scoped3A_771 = tpu.sem_alloc : memref<!tpu.dma_semaphore, #tpu.memory_space<semaphore_mem>>
      %dma_start3A_772 = arith.constant 0 : i32
      %dma_start3A_773 = tpu.memref_slice %arg9[%run_scoped3A_49, %dma_start3A_772] : memref<16x128xf32, #tpu.memory_space<vmem>> -> memref<1x128xf32, #tpu.memory_space<vmem>>
      %dma_start3A_774 = tpu.memref_squeeze %dma_start3A_773 : memref<1x128xf32, #tpu.memory_space<vmem>> -> memref<128xf32, #tpu.memory_space<vmem>>
      %dma_start3A_775 = tpu.memref_slice %arg11[%add3A_48] : memref<32768xf32, #tpu.memory_space<vmem_shared>> -> memref<128xf32, #tpu.memory_space<vmem_shared>>
      %dma_start3A_776 = arith.constant 0 : i32
      %dma_start3A_777 = tpu.memref_slice %arg9[%run_scoped3A_49, %dma_start3A_776] : memref<16x128xf32, #tpu.memory_space<vmem>> -> memref<1x128xf32, #tpu.memory_space<vmem>>
      %dma_start3A_778 = tpu.memref_squeeze %dma_start3A_777 : memref<1x128xf32, #tpu.memory_space<vmem>> -> memref<128xf32, #tpu.memory_space<vmem>>
      %dma_start3A_779 = tpu.memref_slice %arg11[%add3A_48] : memref<32768xf32, #tpu.memory_space<vmem_shared>> -> memref<128xf32, #tpu.memory_space<vmem_shared>>
      tpu.enqueue_dma source(%dma_start3A_779 : memref<128xf32, #tpu.memory_space<vmem_shared>>) target(%dma_start3A_778 : memref<128xf32, #tpu.memory_space<vmem>>) target_semaphore(%run_scoped3A_771 : memref<!tpu.dma_semaphore, #tpu.memory_space<semaphore_mem>>)
      %dma_wait3A_780 = arith.constant 0 : i32
      %dma_wait3A_781 = tpu.memref_slice %arg9[%run_scoped3A_49, %dma_wait3A_780] : memref<16x128xf32, #tpu.memory_space<vmem>> -> memref<1x128xf32, #tpu.memory_space<vmem>>
      %dma_wait3A_782 = tpu.memref_squeeze %dma_wait3A_781 : memref<1x128xf32, #tpu.memory_space<vmem>> -> memref<128xf32, #tpu.memory_space<vmem>>
      %dma_wait3A_783 = tpu.memref_slice %arg11[%add3A_48] : memref<32768xf32, #tpu.memory_space<vmem_shared>> -> memref<128xf32, #tpu.memory_space<vmem_shared>>
      %dma_wait3A_784 = arith.constant 0 : i32
      %dma_wait3A_785 = tpu.memref_slice %arg9[%run_scoped3A_49, %dma_wait3A_784] : memref<16x128xf32, #tpu.memory_space<vmem>> -> memref<1x128xf32, #tpu.memory_space<vmem>>
      %dma_wait3A_786 = tpu.memref_squeeze %dma_wait3A_785 : memref<1x128xf32, #tpu.memory_space<vmem>> -> memref<128xf32, #tpu.memory_space<vmem>>
      %dma_wait3A_787 = tpu.memref_slice %arg11[%add3A_48] : memref<32768xf32, #tpu.memory_space<vmem_shared>> -> memref<128xf32, #tpu.memory_space<vmem_shared>>
      tpu.wait_dma2 semaphore(%run_scoped3A_771 : memref<!tpu.dma_semaphore, #tpu.memory_space<semaphore_mem>>) src(%dma_wait3A_787 : memref<128xf32, #tpu.memory_space<vmem_shared>>) dst(%dma_wait3A_786 : memref<128xf32, #tpu.memory_space<vmem>>)
      tpu.yield
    }) : () -> ()
    %add3A_50 = arith.constant 12288 : i32
    %add3A_51 = arith.addi %add3A_50, %mul3A_2 : i32
    %run_scoped3A_52 = arith.constant 6 : i32
    "tpu.region"() ({
      %run_scoped3A_771 = tpu.sem_alloc : memref<!tpu.dma_semaphore, #tpu.memory_space<semaphore_mem>>
      %dma_start3A_772 = arith.constant 0 : i32
      %dma_start3A_773 = tpu.memref_slice %arg9[%run_scoped3A_52, %dma_start3A_772] : memref<16x128xf32, #tpu.memory_space<vmem>> -> memref<1x128xf32, #tpu.memory_space<vmem>>
      %dma_start3A_774 = tpu.memref_squeeze %dma_start3A_773 : memref<1x128xf32, #tpu.memory_space<vmem>> -> memref<128xf32, #tpu.memory_space<vmem>>
      %dma_start3A_775 = tpu.memref_slice %arg11[%add3A_51] : memref<32768xf32, #tpu.memory_space<vmem_shared>> -> memref<128xf32, #tpu.memory_space<vmem_shared>>
      %dma_start3A_776 = arith.constant 0 : i32
      %dma_start3A_777 = tpu.memref_slice %arg9[%run_scoped3A_52, %dma_start3A_776] : memref<16x128xf32, #tpu.memory_space<vmem>> -> memref<1x128xf32, #tpu.memory_space<vmem>>
      %dma_start3A_778 = tpu.memref_squeeze %dma_start3A_777 : memref<1x128xf32, #tpu.memory_space<vmem>> -> memref<128xf32, #tpu.memory_space<vmem>>
      %dma_start3A_779 = tpu.memref_slice %arg11[%add3A_51] : memref<32768xf32, #tpu.memory_space<vmem_shared>> -> memref<128xf32, #tpu.memory_space<vmem_shared>>
      tpu.enqueue_dma source(%dma_start3A_779 : memref<128xf32, #tpu.memory_space<vmem_shared>>) target(%dma_start3A_778 : memref<128xf32, #tpu.memory_space<vmem>>) target_semaphore(%run_scoped3A_771 : memref<!tpu.dma_semaphore, #tpu.memory_space<semaphore_mem>>)
      %dma_wait3A_780 = arith.constant 0 : i32
      %dma_wait3A_781 = tpu.memref_slice %arg9[%run_scoped3A_52, %dma_wait3A_780] : memref<16x128xf32, #tpu.memory_space<vmem>> -> memref<1x128xf32, #tpu.memory_space<vmem>>
      %dma_wait3A_782 = tpu.memref_squeeze %dma_wait3A_781 : memref<1x128xf32, #tpu.memory_space<vmem>> -> memref<128xf32, #tpu.memory_space<vmem>>
      %dma_wait3A_783 = tpu.memref_slice %arg11[%add3A_51] : memref<32768xf32, #tpu.memory_space<vmem_shared>> -> memref<128xf32, #tpu.memory_space<vmem_shared>>
      %dma_wait3A_784 = arith.constant 0 : i32
      %dma_wait3A_785 = tpu.memref_slice %arg9[%run_scoped3A_52, %dma_wait3A_784] : memref<16x128xf32, #tpu.memory_space<vmem>> -> memref<1x128xf32, #tpu.memory_space<vmem>>
      %dma_wait3A_786 = tpu.memref_squeeze %dma_wait3A_785 : memref<1x128xf32, #tpu.memory_space<vmem>> -> memref<128xf32, #tpu.memory_space<vmem>>
      %dma_wait3A_787 = tpu.memref_slice %arg11[%add3A_51] : memref<32768xf32, #tpu.memory_space<vmem_shared>> -> memref<128xf32, #tpu.memory_space<vmem_shared>>
      tpu.wait_dma2 semaphore(%run_scoped3A_771 : memref<!tpu.dma_semaphore, #tpu.memory_space<semaphore_mem>>) src(%dma_wait3A_787 : memref<128xf32, #tpu.memory_space<vmem_shared>>) dst(%dma_wait3A_786 : memref<128xf32, #tpu.memory_space<vmem>>)
      tpu.yield
    }) : () -> ()
    %add3A_53 = arith.constant 14336 : i32
    %add3A_54 = arith.addi %add3A_53, %mul3A_2 : i32
    %run_scoped3A_55 = arith.constant 7 : i32
    "tpu.region"() ({
      %run_scoped3A_771 = tpu.sem_alloc : memref<!tpu.dma_semaphore, #tpu.memory_space<semaphore_mem>>
      %dma_start3A_772 = arith.constant 0 : i32
      %dma_start3A_773 = tpu.memref_slice %arg9[%run_scoped3A_55, %dma_start3A_772] : memref<16x128xf32, #tpu.memory_space<vmem>> -> memref<1x128xf32, #tpu.memory_space<vmem>>
      %dma_start3A_774 = tpu.memref_squeeze %dma_start3A_773 : memref<1x128xf32, #tpu.memory_space<vmem>> -> memref<128xf32, #tpu.memory_space<vmem>>
      %dma_start3A_775 = tpu.memref_slice %arg11[%add3A_54] : memref<32768xf32, #tpu.memory_space<vmem_shared>> -> memref<128xf32, #tpu.memory_space<vmem_shared>>
      %dma_start3A_776 = arith.constant 0 : i32
      %dma_start3A_777 = tpu.memref_slice %arg9[%run_scoped3A_55, %dma_start3A_776] : memref<16x128xf32, #tpu.memory_space<vmem>> -> memref<1x128xf32, #tpu.memory_space<vmem>>
      %dma_start3A_778 = tpu.memref_squeeze %dma_start3A_777 : memref<1x128xf32, #tpu.memory_space<vmem>> -> memref<128xf32, #tpu.memory_space<vmem>>
      %dma_start3A_779 = tpu.memref_slice %arg11[%add3A_54] : memref<32768xf32, #tpu.memory_space<vmem_shared>> -> memref<128xf32, #tpu.memory_space<vmem_shared>>
      tpu.enqueue_dma source(%dma_start3A_779 : memref<128xf32, #tpu.memory_space<vmem_shared>>) target(%dma_start3A_778 : memref<128xf32, #tpu.memory_space<vmem>>) target_semaphore(%run_scoped3A_771 : memref<!tpu.dma_semaphore, #tpu.memory_space<semaphore_mem>>)
      %dma_wait3A_780 = arith.constant 0 : i32
      %dma_wait3A_781 = tpu.memref_slice %arg9[%run_scoped3A_55, %dma_wait3A_780] : memref<16x128xf32, #tpu.memory_space<vmem>> -> memref<1x128xf32, #tpu.memory_space<vmem>>
      %dma_wait3A_782 = tpu.memref_squeeze %dma_wait3A_781 : memref<1x128xf32, #tpu.memory_space<vmem>> -> memref<128xf32, #tpu.memory_space<vmem>>
      %dma_wait3A_783 = tpu.memref_slice %arg11[%add3A_54] : memref<32768xf32, #tpu.memory_space<vmem_shared>> -> memref<128xf32, #tpu.memory_space<vmem_shared>>
      %dma_wait3A_784 = arith.constant 0 : i32
      %dma_wait3A_785 = tpu.memref_slice %arg9[%run_scoped3A_55, %dma_wait3A_784] : memref<16x128xf32, #tpu.memory_space<vmem>> -> memref<1x128xf32, #tpu.memory_space<vmem>>
      %dma_wait3A_786 = tpu.memref_squeeze %dma_wait3A_785 : memref<1x128xf32, #tpu.memory_space<vmem>> -> memref<128xf32, #tpu.memory_space<vmem>>
      %dma_wait3A_787 = tpu.memref_slice %arg11[%add3A_54] : memref<32768xf32, #tpu.memory_space<vmem_shared>> -> memref<128xf32, #tpu.memory_space<vmem_shared>>
      tpu.wait_dma2 semaphore(%run_scoped3A_771 : memref<!tpu.dma_semaphore, #tpu.memory_space<semaphore_mem>>) src(%dma_wait3A_787 : memref<128xf32, #tpu.memory_space<vmem_shared>>) dst(%dma_wait3A_786 : memref<128xf32, #tpu.memory_space<vmem>>)
      tpu.yield
    }) : () -> ()
    %add3A_56 = arith.constant 16384 : i32
    %add3A_57 = arith.addi %add3A_56, %mul3A_2 : i32
    %run_scoped3A_58 = arith.constant 8 : i32
    "tpu.region"() ({
      %run_scoped3A_771 = tpu.sem_alloc : memref<!tpu.dma_semaphore, #tpu.memory_space<semaphore_mem>>
      %dma_start3A_772 = arith.constant 0 : i32
      %dma_start3A_773 = tpu.memref_slice %arg9[%run_scoped3A_58, %dma_start3A_772] : memref<16x128xf32, #tpu.memory_space<vmem>> -> memref<1x128xf32, #tpu.memory_space<vmem>>
      %dma_start3A_774 = tpu.memref_squeeze %dma_start3A_773 : memref<1x128xf32, #tpu.memory_space<vmem>> -> memref<128xf32, #tpu.memory_space<vmem>>
      %dma_start3A_775 = tpu.memref_slice %arg11[%add3A_57] : memref<32768xf32, #tpu.memory_space<vmem_shared>> -> memref<128xf32, #tpu.memory_space<vmem_shared>>
      %dma_start3A_776 = arith.constant 0 : i32
      %dma_start3A_777 = tpu.memref_slice %arg9[%run_scoped3A_58, %dma_start3A_776] : memref<16x128xf32, #tpu.memory_space<vmem>> -> memref<1x128xf32, #tpu.memory_space<vmem>>
      %dma_start3A_778 = tpu.memref_squeeze %dma_start3A_777 : memref<1x128xf32, #tpu.memory_space<vmem>> -> memref<128xf32, #tpu.memory_space<vmem>>
      %dma_start3A_779 = tpu.memref_slice %arg11[%add3A_57] : memref<32768xf32, #tpu.memory_space<vmem_shared>> -> memref<128xf32, #tpu.memory_space<vmem_shared>>
      tpu.enqueue_dma source(%dma_start3A_779 : memref<128xf32, #tpu.memory_space<vmem_shared>>) target(%dma_start3A_778 : memref<128xf32, #tpu.memory_space<vmem>>) target_semaphore(%run_scoped3A_771 : memref<!tpu.dma_semaphore, #tpu.memory_space<semaphore_mem>>)
      %dma_wait3A_780 = arith.constant 0 : i32
      %dma_wait3A_781 = tpu.memref_slice %arg9[%run_scoped3A_58, %dma_wait3A_780] : memref<16x128xf32, #tpu.memory_space<vmem>> -> memref<1x128xf32, #tpu.memory_space<vmem>>
      %dma_wait3A_782 = tpu.memref_squeeze %dma_wait3A_781 : memref<1x128xf32, #tpu.memory_space<vmem>> -> memref<128xf32, #tpu.memory_space<vmem>>
      %dma_wait3A_783 = tpu.memref_slice %arg11[%add3A_57] : memref<32768xf32, #tpu.memory_space<vmem_shared>> -> memref<128xf32, #tpu.memory_space<vmem_shared>>
      %dma_wait3A_784 = arith.constant 0 : i32
      %dma_wait3A_785 = tpu.memref_slice %arg9[%run_scoped3A_58, %dma_wait3A_784] : memref<16x128xf32, #tpu.memory_space<vmem>> -> memref<1x128xf32, #tpu.memory_space<vmem>>
      %dma_wait3A_786 = tpu.memref_squeeze %dma_wait3A_785 : memref<1x128xf32, #tpu.memory_space<vmem>> -> memref<128xf32, #tpu.memory_space<vmem>>
      %dma_wait3A_787 = tpu.memref_slice %arg11[%add3A_57] : memref<32768xf32, #tpu.memory_space<vmem_shared>> -> memref<128xf32, #tpu.memory_space<vmem_shared>>
      tpu.wait_dma2 semaphore(%run_scoped3A_771 : memref<!tpu.dma_semaphore, #tpu.memory_space<semaphore_mem>>) src(%dma_wait3A_787 : memref<128xf32, #tpu.memory_space<vmem_shared>>) dst(%dma_wait3A_786 : memref<128xf32, #tpu.memory_space<vmem>>)
      tpu.yield
    }) : () -> ()
    %add3A_59 = arith.constant 18432 : i32
    %add3A_60 = arith.addi %add3A_59, %mul3A_2 : i32
    %run_scoped3A_61 = arith.constant 9 : i32
    "tpu.region"() ({
      %run_scoped3A_771 = tpu.sem_alloc : memref<!tpu.dma_semaphore, #tpu.memory_space<semaphore_mem>>
      %dma_start3A_772 = arith.constant 0 : i32
      %dma_start3A_773 = tpu.memref_slice %arg9[%run_scoped3A_61, %dma_start3A_772] : memref<16x128xf32, #tpu.memory_space<vmem>> -> memref<1x128xf32, #tpu.memory_space<vmem>>
      %dma_start3A_774 = tpu.memref_squeeze %dma_start3A_773 : memref<1x128xf32, #tpu.memory_space<vmem>> -> memref<128xf32, #tpu.memory_space<vmem>>
      %dma_start3A_775 = tpu.memref_slice %arg11[%add3A_60] : memref<32768xf32, #tpu.memory_space<vmem_shared>> -> memref<128xf32, #tpu.memory_space<vmem_shared>>
      %dma_start3A_776 = arith.constant 0 : i32
      %dma_start3A_777 = tpu.memref_slice %arg9[%run_scoped3A_61, %dma_start3A_776] : memref<16x128xf32, #tpu.memory_space<vmem>> -> memref<1x128xf32, #tpu.memory_space<vmem>>
      %dma_start3A_778 = tpu.memref_squeeze %dma_start3A_777 : memref<1x128xf32, #tpu.memory_space<vmem>> -> memref<128xf32, #tpu.memory_space<vmem>>
      %dma_start3A_779 = tpu.memref_slice %arg11[%add3A_60] : memref<32768xf32, #tpu.memory_space<vmem_shared>> -> memref<128xf32, #tpu.memory_space<vmem_shared>>
      tpu.enqueue_dma source(%dma_start3A_779 : memref<128xf32, #tpu.memory_space<vmem_shared>>) target(%dma_start3A_778 : memref<128xf32, #tpu.memory_space<vmem>>) target_semaphore(%run_scoped3A_771 : memref<!tpu.dma_semaphore, #tpu.memory_space<semaphore_mem>>)
      %dma_wait3A_780 = arith.constant 0 : i32
      %dma_wait3A_781 = tpu.memref_slice %arg9[%run_scoped3A_61, %dma_wait3A_780] : memref<16x128xf32, #tpu.memory_space<vmem>> -> memref<1x128xf32, #tpu.memory_space<vmem>>
      %dma_wait3A_782 = tpu.memref_squeeze %dma_wait3A_781 : memref<1x128xf32, #tpu.memory_space<vmem>> -> memref<128xf32, #tpu.memory_space<vmem>>
      %dma_wait3A_783 = tpu.memref_slice %arg11[%add3A_60] : memref<32768xf32, #tpu.memory_space<vmem_shared>> -> memref<128xf32, #tpu.memory_space<vmem_shared>>
      %dma_wait3A_784 = arith.constant 0 : i32
      %dma_wait3A_785 = tpu.memref_slice %arg9[%run_scoped3A_61, %dma_wait3A_784] : memref<16x128xf32, #tpu.memory_space<vmem>> -> memref<1x128xf32, #tpu.memory_space<vmem>>
      %dma_wait3A_786 = tpu.memref_squeeze %dma_wait3A_785 : memref<1x128xf32, #tpu.memory_space<vmem>> -> memref<128xf32, #tpu.memory_space<vmem>>
      %dma_wait3A_787 = tpu.memref_slice %arg11[%add3A_60] : memref<32768xf32, #tpu.memory_space<vmem_shared>> -> memref<128xf32, #tpu.memory_space<vmem_shared>>
      tpu.wait_dma2 semaphore(%run_scoped3A_771 : memref<!tpu.dma_semaphore, #tpu.memory_space<semaphore_mem>>) src(%dma_wait3A_787 : memref<128xf32, #tpu.memory_space<vmem_shared>>) dst(%dma_wait3A_786 : memref<128xf32, #tpu.memory_space<vmem>>)
      tpu.yield
    }) : () -> ()
    %add3A_62 = arith.constant 20480 : i32
    %add3A_63 = arith.addi %add3A_62, %mul3A_2 : i32
    %run_scoped3A_64 = arith.constant 10 : i32
    "tpu.region"() ({
      %run_scoped3A_771 = tpu.sem_alloc : memref<!tpu.dma_semaphore, #tpu.memory_space<semaphore_mem>>
      %dma_start3A_772 = arith.constant 0 : i32
      %dma_start3A_773 = tpu.memref_slice %arg9[%run_scoped3A_64, %dma_start3A_772] : memref<16x128xf32, #tpu.memory_space<vmem>> -> memref<1x128xf32, #tpu.memory_space<vmem>>
      %dma_start3A_774 = tpu.memref_squeeze %dma_start3A_773 : memref<1x128xf32, #tpu.memory_space<vmem>> -> memref<128xf32, #tpu.memory_space<vmem>>
      %dma_start3A_775 = tpu.memref_slice %arg11[%add3A_63] : memref<32768xf32, #tpu.memory_space<vmem_shared>> -> memref<128xf32, #tpu.memory_space<vmem_shared>>
      %dma_start3A_776 = arith.constant 0 : i32
      %dma_start3A_777 = tpu.memref_slice %arg9[%run_scoped3A_64, %dma_start3A_776] : memref<16x128xf32, #tpu.memory_space<vmem>> -> memref<1x128xf32, #tpu.memory_space<vmem>>
      %dma_start3A_778 = tpu.memref_squeeze %dma_start3A_777 : memref<1x128xf32, #tpu.memory_space<vmem>> -> memref<128xf32, #tpu.memory_space<vmem>>
      %dma_start3A_779 = tpu.memref_slice %arg11[%add3A_63] : memref<32768xf32, #tpu.memory_space<vmem_shared>> -> memref<128xf32, #tpu.memory_space<vmem_shared>>
      tpu.enqueue_dma source(%dma_start3A_779 : memref<128xf32, #tpu.memory_space<vmem_shared>>) target(%dma_start3A_778 : memref<128xf32, #tpu.memory_space<vmem>>) target_semaphore(%run_scoped3A_771 : memref<!tpu.dma_semaphore, #tpu.memory_space<semaphore_mem>>)
      %dma_wait3A_780 = arith.constant 0 : i32
      %dma_wait3A_781 = tpu.memref_slice %arg9[%run_scoped3A_64, %dma_wait3A_780] : memref<16x128xf32, #tpu.memory_space<vmem>> -> memref<1x128xf32, #tpu.memory_space<vmem>>
      %dma_wait3A_782 = tpu.memref_squeeze %dma_wait3A_781 : memref<1x128xf32, #tpu.memory_space<vmem>> -> memref<128xf32, #tpu.memory_space<vmem>>
      %dma_wait3A_783 = tpu.memref_slice %arg11[%add3A_63] : memref<32768xf32, #tpu.memory_space<vmem_shared>> -> memref<128xf32, #tpu.memory_space<vmem_shared>>
      %dma_wait3A_784 = arith.constant 0 : i32
      %dma_wait3A_785 = tpu.memref_slice %arg9[%run_scoped3A_64, %dma_wait3A_784] : memref<16x128xf32, #tpu.memory_space<vmem>> -> memref<1x128xf32, #tpu.memory_space<vmem>>
      %dma_wait3A_786 = tpu.memref_squeeze %dma_wait3A_785 : memref<1x128xf32, #tpu.memory_space<vmem>> -> memref<128xf32, #tpu.memory_space<vmem>>
      %dma_wait3A_787 = tpu.memref_slice %arg11[%add3A_63] : memref<32768xf32, #tpu.memory_space<vmem_shared>> -> memref<128xf32, #tpu.memory_space<vmem_shared>>
      tpu.wait_dma2 semaphore(%run_scoped3A_771 : memref<!tpu.dma_semaphore, #tpu.memory_space<semaphore_mem>>) src(%dma_wait3A_787 : memref<128xf32, #tpu.memory_space<vmem_shared>>) dst(%dma_wait3A_786 : memref<128xf32, #tpu.memory_space<vmem>>)
      tpu.yield
    }) : () -> ()
    %add3A_65 = arith.constant 22528 : i32
    %add3A_66 = arith.addi %add3A_65, %mul3A_2 : i32
    %run_scoped3A_67 = arith.constant 11 : i32
    "tpu.region"() ({
      %run_scoped3A_771 = tpu.sem_alloc : memref<!tpu.dma_semaphore, #tpu.memory_space<semaphore_mem>>
      %dma_start3A_772 = arith.constant 0 : i32
      %dma_start3A_773 = tpu.memref_slice %arg9[%run_scoped3A_67, %dma_start3A_772] : memref<16x128xf32, #tpu.memory_space<vmem>> -> memref<1x128xf32, #tpu.memory_space<vmem>>
      %dma_start3A_774 = tpu.memref_squeeze %dma_start3A_773 : memref<1x128xf32, #tpu.memory_space<vmem>> -> memref<128xf32, #tpu.memory_space<vmem>>
      %dma_start3A_775 = tpu.memref_slice %arg11[%add3A_66] : memref<32768xf32, #tpu.memory_space<vmem_shared>> -> memref<128xf32, #tpu.memory_space<vmem_shared>>
      %dma_start3A_776 = arith.constant 0 : i32
      %dma_start3A_777 = tpu.memref_slice %arg9[%run_scoped3A_67, %dma_start3A_776] : memref<16x128xf32, #tpu.memory_space<vmem>> -> memref<1x128xf32, #tpu.memory_space<vmem>>
      %dma_start3A_778 = tpu.memref_squeeze %dma_start3A_777 : memref<1x128xf32, #tpu.memory_space<vmem>> -> memref<128xf32, #tpu.memory_space<vmem>>
      %dma_start3A_779 = tpu.memref_slice %arg11[%add3A_66] : memref<32768xf32, #tpu.memory_space<vmem_shared>> -> memref<128xf32, #tpu.memory_space<vmem_shared>>
      tpu.enqueue_dma source(%dma_start3A_779 : memref<128xf32, #tpu.memory_space<vmem_shared>>) target(%dma_start3A_778 : memref<128xf32, #tpu.memory_space<vmem>>) target_semaphore(%run_scoped3A_771 : memref<!tpu.dma_semaphore, #tpu.memory_space<semaphore_mem>>)
      %dma_wait3A_780 = arith.constant 0 : i32
      %dma_wait3A_781 = tpu.memref_slice %arg9[%run_scoped3A_67, %dma_wait3A_780] : memref<16x128xf32, #tpu.memory_space<vmem>> -> memref<1x128xf32, #tpu.memory_space<vmem>>
      %dma_wait3A_782 = tpu.memref_squeeze %dma_wait3A_781 : memref<1x128xf32, #tpu.memory_space<vmem>> -> memref<128xf32, #tpu.memory_space<vmem>>
      %dma_wait3A_783 = tpu.memref_slice %arg11[%add3A_66] : memref<32768xf32, #tpu.memory_space<vmem_shared>> -> memref<128xf32, #tpu.memory_space<vmem_shared>>
      %dma_wait3A_784 = arith.constant 0 : i32
      %dma_wait3A_785 = tpu.memref_slice %arg9[%run_scoped3A_67, %dma_wait3A_784] : memref<16x128xf32, #tpu.memory_space<vmem>> -> memref<1x128xf32, #tpu.memory_space<vmem>>
      %dma_wait3A_786 = tpu.memref_squeeze %dma_wait3A_785 : memref<1x128xf32, #tpu.memory_space<vmem>> -> memref<128xf32, #tpu.memory_space<vmem>>
      %dma_wait3A_787 = tpu.memref_slice %arg11[%add3A_66] : memref<32768xf32, #tpu.memory_space<vmem_shared>> -> memref<128xf32, #tpu.memory_space<vmem_shared>>
      tpu.wait_dma2 semaphore(%run_scoped3A_771 : memref<!tpu.dma_semaphore, #tpu.memory_space<semaphore_mem>>) src(%dma_wait3A_787 : memref<128xf32, #tpu.memory_space<vmem_shared>>) dst(%dma_wait3A_786 : memref<128xf32, #tpu.memory_space<vmem>>)
      tpu.yield
    }) : () -> ()
    %add3A_68 = arith.constant 24576 : i32
    %add3A_69 = arith.addi %add3A_68, %mul3A_2 : i32
    %run_scoped3A_70 = arith.constant 12 : i32
    "tpu.region"() ({
      %run_scoped3A_771 = tpu.sem_alloc : memref<!tpu.dma_semaphore, #tpu.memory_space<semaphore_mem>>
      %dma_start3A_772 = arith.constant 0 : i32
      %dma_start3A_773 = tpu.memref_slice %arg9[%run_scoped3A_70, %dma_start3A_772] : memref<16x128xf32, #tpu.memory_space<vmem>> -> memref<1x128xf32, #tpu.memory_space<vmem>>
      %dma_start3A_774 = tpu.memref_squeeze %dma_start3A_773 : memref<1x128xf32, #tpu.memory_space<vmem>> -> memref<128xf32, #tpu.memory_space<vmem>>
      %dma_start3A_775 = tpu.memref_slice %arg11[%add3A_69] : memref<32768xf32, #tpu.memory_space<vmem_shared>> -> memref<128xf32, #tpu.memory_space<vmem_shared>>
      %dma_start3A_776 = arith.constant 0 : i32
      %dma_start3A_777 = tpu.memref_slice %arg9[%run_scoped3A_70, %dma_start3A_776] : memref<16x128xf32, #tpu.memory_space<vmem>> -> memref<1x128xf32, #tpu.memory_space<vmem>>
      %dma_start3A_778 = tpu.memref_squeeze %dma_start3A_777 : memref<1x128xf32, #tpu.memory_space<vmem>> -> memref<128xf32, #tpu.memory_space<vmem>>
      %dma_start3A_779 = tpu.memref_slice %arg11[%add3A_69] : memref<32768xf32, #tpu.memory_space<vmem_shared>> -> memref<128xf32, #tpu.memory_space<vmem_shared>>
      tpu.enqueue_dma source(%dma_start3A_779 : memref<128xf32, #tpu.memory_space<vmem_shared>>) target(%dma_start3A_778 : memref<128xf32, #tpu.memory_space<vmem>>) target_semaphore(%run_scoped3A_771 : memref<!tpu.dma_semaphore, #tpu.memory_space<semaphore_mem>>)
      %dma_wait3A_780 = arith.constant 0 : i32
      %dma_wait3A_781 = tpu.memref_slice %arg9[%run_scoped3A_70, %dma_wait3A_780] : memref<16x128xf32, #tpu.memory_space<vmem>> -> memref<1x128xf32, #tpu.memory_space<vmem>>
      %dma_wait3A_782 = tpu.memref_squeeze %dma_wait3A_781 : memref<1x128xf32, #tpu.memory_space<vmem>> -> memref<128xf32, #tpu.memory_space<vmem>>
      %dma_wait3A_783 = tpu.memref_slice %arg11[%add3A_69] : memref<32768xf32, #tpu.memory_space<vmem_shared>> -> memref<128xf32, #tpu.memory_space<vmem_shared>>
      %dma_wait3A_784 = arith.constant 0 : i32
      %dma_wait3A_785 = tpu.memref_slice %arg9[%run_scoped3A_70, %dma_wait3A_784] : memref<16x128xf32, #tpu.memory_space<vmem>> -> memref<1x128xf32, #tpu.memory_space<vmem>>
      %dma_wait3A_786 = tpu.memref_squeeze %dma_wait3A_785 : memref<1x128xf32, #tpu.memory_space<vmem>> -> memref<128xf32, #tpu.memory_space<vmem>>
      %dma_wait3A_787 = tpu.memref_slice %arg11[%add3A_69] : memref<32768xf32, #tpu.memory_space<vmem_shared>> -> memref<128xf32, #tpu.memory_space<vmem_shared>>
      tpu.wait_dma2 semaphore(%run_scoped3A_771 : memref<!tpu.dma_semaphore, #tpu.memory_space<semaphore_mem>>) src(%dma_wait3A_787 : memref<128xf32, #tpu.memory_space<vmem_shared>>) dst(%dma_wait3A_786 : memref<128xf32, #tpu.memory_space<vmem>>)
      tpu.yield
    }) : () -> ()
    %add3A_71 = arith.constant 26624 : i32
    %add3A_72 = arith.addi %add3A_71, %mul3A_2 : i32
    %run_scoped3A_73 = arith.constant 13 : i32
    "tpu.region"() ({
      %run_scoped3A_771 = tpu.sem_alloc : memref<!tpu.dma_semaphore, #tpu.memory_space<semaphore_mem>>
      %dma_start3A_772 = arith.constant 0 : i32
      %dma_start3A_773 = tpu.memref_slice %arg9[%run_scoped3A_73, %dma_start3A_772] : memref<16x128xf32, #tpu.memory_space<vmem>> -> memref<1x128xf32, #tpu.memory_space<vmem>>
      %dma_start3A_774 = tpu.memref_squeeze %dma_start3A_773 : memref<1x128xf32, #tpu.memory_space<vmem>> -> memref<128xf32, #tpu.memory_space<vmem>>
      %dma_start3A_775 = tpu.memref_slice %arg11[%add3A_72] : memref<32768xf32, #tpu.memory_space<vmem_shared>> -> memref<128xf32, #tpu.memory_space<vmem_shared>>
      %dma_start3A_776 = arith.constant 0 : i32
      %dma_start3A_777 = tpu.memref_slice %arg9[%run_scoped3A_73, %dma_start3A_776] : memref<16x128xf32, #tpu.memory_space<vmem>> -> memref<1x128xf32, #tpu.memory_space<vmem>>
      %dma_start3A_778 = tpu.memref_squeeze %dma_start3A_777 : memref<1x128xf32, #tpu.memory_space<vmem>> -> memref<128xf32, #tpu.memory_space<vmem>>
      %dma_start3A_779 = tpu.memref_slice %arg11[%add3A_72] : memref<32768xf32, #tpu.memory_space<vmem_shared>> -> memref<128xf32, #tpu.memory_space<vmem_shared>>
      tpu.enqueue_dma source(%dma_start3A_779 : memref<128xf32, #tpu.memory_space<vmem_shared>>) target(%dma_start3A_778 : memref<128xf32, #tpu.memory_space<vmem>>) target_semaphore(%run_scoped3A_771 : memref<!tpu.dma_semaphore, #tpu.memory_space<semaphore_mem>>)
      %dma_wait3A_780 = arith.constant 0 : i32
      %dma_wait3A_781 = tpu.memref_slice %arg9[%run_scoped3A_73, %dma_wait3A_780] : memref<16x128xf32, #tpu.memory_space<vmem>> -> memref<1x128xf32, #tpu.memory_space<vmem>>
      %dma_wait3A_782 = tpu.memref_squeeze %dma_wait3A_781 : memref<1x128xf32, #tpu.memory_space<vmem>> -> memref<128xf32, #tpu.memory_space<vmem>>
      %dma_wait3A_783 = tpu.memref_slice %arg11[%add3A_72] : memref<32768xf32, #tpu.memory_space<vmem_shared>> -> memref<128xf32, #tpu.memory_space<vmem_shared>>
      %dma_wait3A_784 = arith.constant 0 : i32
      %dma_wait3A_785 = tpu.memref_slice %arg9[%run_scoped3A_73, %dma_wait3A_784] : memref<16x128xf32, #tpu.memory_space<vmem>> -> memref<1x128xf32, #tpu.memory_space<vmem>>
      %dma_wait3A_786 = tpu.memref_squeeze %dma_wait3A_785 : memref<1x128xf32, #tpu.memory_space<vmem>> -> memref<128xf32, #tpu.memory_space<vmem>>
      %dma_wait3A_787 = tpu.memref_slice %arg11[%add3A_72] : memref<32768xf32, #tpu.memory_space<vmem_shared>> -> memref<128xf32, #tpu.memory_space<vmem_shared>>
      tpu.wait_dma2 semaphore(%run_scoped3A_771 : memref<!tpu.dma_semaphore, #tpu.memory_space<semaphore_mem>>) src(%dma_wait3A_787 : memref<128xf32, #tpu.memory_space<vmem_shared>>) dst(%dma_wait3A_786 : memref<128xf32, #tpu.memory_space<vmem>>)
      tpu.yield
    }) : () -> ()
    %add3A_74 = arith.constant 28672 : i32
    %add3A_75 = arith.addi %add3A_74, %mul3A_2 : i32
    %run_scoped3A_76 = arith.constant 14 : i32
    "tpu.region"() ({
      %run_scoped3A_771 = tpu.sem_alloc : memref<!tpu.dma_semaphore, #tpu.memory_space<semaphore_mem>>
      %dma_start3A_772 = arith.constant 0 : i32
      %dma_start3A_773 = tpu.memref_slice %arg9[%run_scoped3A_76, %dma_start3A_772] : memref<16x128xf32, #tpu.memory_space<vmem>> -> memref<1x128xf32, #tpu.memory_space<vmem>>
      %dma_start3A_774 = tpu.memref_squeeze %dma_start3A_773 : memref<1x128xf32, #tpu.memory_space<vmem>> -> memref<128xf32, #tpu.memory_space<vmem>>
      %dma_start3A_775 = tpu.memref_slice %arg11[%add3A_75] : memref<32768xf32, #tpu.memory_space<vmem_shared>> -> memref<128xf32, #tpu.memory_space<vmem_shared>>
      %dma_start3A_776 = arith.constant 0 : i32
      %dma_start3A_777 = tpu.memref_slice %arg9[%run_scoped3A_76, %dma_start3A_776] : memref<16x128xf32, #tpu.memory_space<vmem>> -> memref<1x128xf32, #tpu.memory_space<vmem>>
      %dma_start3A_778 = tpu.memref_squeeze %dma_start3A_777 : memref<1x128xf32, #tpu.memory_space<vmem>> -> memref<128xf32, #tpu.memory_space<vmem>>
      %dma_start3A_779 = tpu.memref_slice %arg11[%add3A_75] : memref<32768xf32, #tpu.memory_space<vmem_shared>> -> memref<128xf32, #tpu.memory_space<vmem_shared>>
      tpu.enqueue_dma source(%dma_start3A_779 : memref<128xf32, #tpu.memory_space<vmem_shared>>) target(%dma_start3A_778 : memref<128xf32, #tpu.memory_space<vmem>>) target_semaphore(%run_scoped3A_771 : memref<!tpu.dma_semaphore, #tpu.memory_space<semaphore_mem>>)
      %dma_wait3A_780 = arith.constant 0 : i32
      %dma_wait3A_781 = tpu.memref_slice %arg9[%run_scoped3A_76, %dma_wait3A_780] : memref<16x128xf32, #tpu.memory_space<vmem>> -> memref<1x128xf32, #tpu.memory_space<vmem>>
      %dma_wait3A_782 = tpu.memref_squeeze %dma_wait3A_781 : memref<1x128xf32, #tpu.memory_space<vmem>> -> memref<128xf32, #tpu.memory_space<vmem>>
      %dma_wait3A_783 = tpu.memref_slice %arg11[%add3A_75] : memref<32768xf32, #tpu.memory_space<vmem_shared>> -> memref<128xf32, #tpu.memory_space<vmem_shared>>
      %dma_wait3A_784 = arith.constant 0 : i32
      %dma_wait3A_785 = tpu.memref_slice %arg9[%run_scoped3A_76, %dma_wait3A_784] : memref<16x128xf32, #tpu.memory_space<vmem>> -> memref<1x128xf32, #tpu.memory_space<vmem>>
      %dma_wait3A_786 = tpu.memref_squeeze %dma_wait3A_785 : memref<1x128xf32, #tpu.memory_space<vmem>> -> memref<128xf32, #tpu.memory_space<vmem>>
      %dma_wait3A_787 = tpu.memref_slice %arg11[%add3A_75] : memref<32768xf32, #tpu.memory_space<vmem_shared>> -> memref<128xf32, #tpu.memory_space<vmem_shared>>
      tpu.wait_dma2 semaphore(%run_scoped3A_771 : memref<!tpu.dma_semaphore, #tpu.memory_space<semaphore_mem>>) src(%dma_wait3A_787 : memref<128xf32, #tpu.memory_space<vmem_shared>>) dst(%dma_wait3A_786 : memref<128xf32, #tpu.memory_space<vmem>>)
      tpu.yield
    }) : () -> ()
    %add3A_77 = arith.constant 30720 : i32
    %add3A_78 = arith.addi %add3A_77, %mul3A_2 : i32
    %run_scoped3A_79 = arith.constant 15 : i32
    "tpu.region"() ({
      %run_scoped3A_771 = tpu.sem_alloc : memref<!tpu.dma_semaphore, #tpu.memory_space<semaphore_mem>>
      %dma_start3A_772 = arith.constant 0 : i32
      %dma_start3A_773 = tpu.memref_slice %arg9[%run_scoped3A_79, %dma_start3A_772] : memref<16x128xf32, #tpu.memory_space<vmem>> -> memref<1x128xf32, #tpu.memory_space<vmem>>
      %dma_start3A_774 = tpu.memref_squeeze %dma_start3A_773 : memref<1x128xf32, #tpu.memory_space<vmem>> -> memref<128xf32, #tpu.memory_space<vmem>>
      %dma_start3A_775 = tpu.memref_slice %arg11[%add3A_78] : memref<32768xf32, #tpu.memory_space<vmem_shared>> -> memref<128xf32, #tpu.memory_space<vmem_shared>>
      %dma_start3A_776 = arith.constant 0 : i32
      %dma_start3A_777 = tpu.memref_slice %arg9[%run_scoped3A_79, %dma_start3A_776] : memref<16x128xf32, #tpu.memory_space<vmem>> -> memref<1x128xf32, #tpu.memory_space<vmem>>
      %dma_start3A_778 = tpu.memref_squeeze %dma_start3A_777 : memref<1x128xf32, #tpu.memory_space<vmem>> -> memref<128xf32, #tpu.memory_space<vmem>>
      %dma_start3A_779 = tpu.memref_slice %arg11[%add3A_78] : memref<32768xf32, #tpu.memory_space<vmem_shared>> -> memref<128xf32, #tpu.memory_space<vmem_shared>>
      tpu.enqueue_dma source(%dma_start3A_779 : memref<128xf32, #tpu.memory_space<vmem_shared>>) target(%dma_start3A_778 : memref<128xf32, #tpu.memory_space<vmem>>) target_semaphore(%run_scoped3A_771 : memref<!tpu.dma_semaphore, #tpu.memory_space<semaphore_mem>>)
      %dma_wait3A_780 = arith.constant 0 : i32
      %dma_wait3A_781 = tpu.memref_slice %arg9[%run_scoped3A_79, %dma_wait3A_780] : memref<16x128xf32, #tpu.memory_space<vmem>> -> memref<1x128xf32, #tpu.memory_space<vmem>>
      %dma_wait3A_782 = tpu.memref_squeeze %dma_wait3A_781 : memref<1x128xf32, #tpu.memory_space<vmem>> -> memref<128xf32, #tpu.memory_space<vmem>>
      %dma_wait3A_783 = tpu.memref_slice %arg11[%add3A_78] : memref<32768xf32, #tpu.memory_space<vmem_shared>> -> memref<128xf32, #tpu.memory_space<vmem_shared>>
      %dma_wait3A_784 = arith.constant 0 : i32
      %dma_wait3A_785 = tpu.memref_slice %arg9[%run_scoped3A_79, %dma_wait3A_784] : memref<16x128xf32, #tpu.memory_space<vmem>> -> memref<1x128xf32, #tpu.memory_space<vmem>>
      %dma_wait3A_786 = tpu.memref_squeeze %dma_wait3A_785 : memref<1x128xf32, #tpu.memory_space<vmem>> -> memref<128xf32, #tpu.memory_space<vmem>>
      %dma_wait3A_787 = tpu.memref_slice %arg11[%add3A_78] : memref<32768xf32, #tpu.memory_space<vmem_shared>> -> memref<128xf32, #tpu.memory_space<vmem_shared>>
      tpu.wait_dma2 semaphore(%run_scoped3A_771 : memref<!tpu.dma_semaphore, #tpu.memory_space<semaphore_mem>>) src(%dma_wait3A_787 : memref<128xf32, #tpu.memory_space<vmem_shared>>) dst(%dma_wait3A_786 : memref<128xf32, #tpu.memory_space<vmem>>)
      tpu.yield
    }) : () -> ()
    %get3A = arith.constant 0 : i32
    %get3A_80 = arith.index_cast %get3A : i32 to index
    %get3A_81 = arith.constant 0 : index
    %get3A_82 = tpu.vector_load %arg9[%get3A_80, %get3A_81] {strides = array<i32>} : memref<16x128xf32, #tpu.memory_space<vmem>>, vector<16xf32>,
    %get3A_83 = arith.constant 1 : i32
    %get3A_84 = arith.index_cast %get3A_83 : i32 to index
    %get3A_85 = arith.constant 0 : index
    %get3A_86 = tpu.vector_load %arg9[%get3A_84, %get3A_85] {strides = array<i32>} : memref<16x128xf32, #tpu.memory_space<vmem>>, vector<16xf32>,
    %add3A_87 = arith.addf %get3A_82, %get3A_86 : vector<16xf32>
    %get3A_88 = arith.constant 2 : i32
    %get3A_89 = arith.index_cast %get3A_88 : i32 to index
    %get3A_90 = arith.constant 0 : index
    %get3A_91 = tpu.vector_load %arg9[%get3A_89, %get3A_90] {strides = array<i32>} : memref<16x128xf32, #tpu.memory_space<vmem>>, vector<16xf32>,
    %add3A_92 = arith.addf %add3A_87, %get3A_91 : vector<16xf32>
    %get3A_93 = arith.constant 3 : i32
    %get3A_94 = arith.index_cast %get3A_93 : i32 to index
    %get3A_95 = arith.constant 0 : index
    %get3A_96 = tpu.vector_load %arg9[%get3A_94, %get3A_95] {strides = array<i32>} : memref<16x128xf32, #tpu.memory_space<vmem>>, vector<16xf32>,
    %add3A_97 = arith.addf %add3A_92, %get3A_96 : vector<16xf32>
    %get3A_98 = arith.constant 4 : i32
    %get3A_99 = arith.index_cast %get3A_98 : i32 to index
    %get3A_100 = arith.constant 0 : index
    %get3A_101 = tpu.vector_load %arg9[%get3A_99, %get3A_100] {strides = array<i32>} : memref<16x128xf32, #tpu.memory_space<vmem>>, vector<16xf32>,
    %add3A_102 = arith.addf %add3A_97, %get3A_101 : vector<16xf32>
    %get3A_103 = arith.constant 5 : i32
    %get3A_104 = arith.index_cast %get3A_103 : i32 to index
    %get3A_105 = arith.constant 0 : index
    %get3A_106 = tpu.vector_load %arg9[%get3A_104, %get3A_105] {strides = array<i32>} : memref<16x128xf32, #tpu.memory_space<vmem>>, vector<16xf32>,
    %add3A_107 = arith.addf %add3A_102, %get3A_106 : vector<16xf32>
    %get3A_108 = arith.constant 6 : i32
    %get3A_109 = arith.index_cast %get3A_108 : i32 to index
    %get3A_110 = arith.constant 0 : index
    %get3A_111 = tpu.vector_load %arg9[%get3A_109, %get3A_110] {strides = array<i32>} : memref<16x128xf32, #tpu.memory_space<vmem>>, vector<16xf32>,
    %add3A_112 = arith.addf %add3A_107, %get3A_111 : vector<16xf32>
    %get3A_113 = arith.constant 7 : i32
    %get3A_114 = arith.index_cast %get3A_113 : i32 to index
    %get3A_115 = arith.constant 0 : index
    %get3A_116 = tpu.vector_load %arg9[%get3A_114, %get3A_115] {strides = array<i32>} : memref<16x128xf32, #tpu.memory_space<vmem>>, vector<16xf32>,
    %add3A_117 = arith.addf %add3A_112, %get3A_116 : vector<16xf32>
    %get3A_118 = arith.constant 8 : i32
    %get3A_119 = arith.index_cast %get3A_118 : i32 to index
    %get3A_120 = arith.constant 0 : index
    %get3A_121 = tpu.vector_load %arg9[%get3A_119, %get3A_120] {strides = array<i32>} : memref<16x128xf32, #tpu.memory_space<vmem>>, vector<16xf32>,
    %add3A_122 = arith.addf %add3A_117, %get3A_121 : vector<16xf32>
    %get3A_123 = arith.constant 9 : i32
    %get3A_124 = arith.index_cast %get3A_123 : i32 to index
    %get3A_125 = arith.constant 0 : index
    %get3A_126 = tpu.vector_load %arg9[%get3A_124, %get3A_125] {strides = array<i32>} : memref<16x128xf32, #tpu.memory_space<vmem>>, vector<16xf32>,
    %add3A_127 = arith.addf %add3A_122, %get3A_126 : vector<16xf32>
    %get3A_128 = arith.constant 10 : i32
    %get3A_129 = arith.index_cast %get3A_128 : i32 to index
    %get3A_130 = arith.constant 0 : index
    %get3A_131 = tpu.vector_load %arg9[%get3A_129, %get3A_130] {strides = array<i32>} : memref<16x128xf32, #tpu.memory_space<vmem>>, vector<16xf32>,
    %add3A_132 = arith.addf %add3A_127, %get3A_131 : vector<16xf32>
    %get3A_133 = arith.constant 11 : i32
    %get3A_134 = arith.index_cast %get3A_133 : i32 to index
    %get3A_135 = arith.constant 0 : index
    %get3A_136 = tpu.vector_load %arg9[%get3A_134, %get3A_135] {strides = array<i32>} : memref<16x128xf32, #tpu.memory_space<vmem>>, vector<16xf32>,
    %add3A_137 = arith.addf %add3A_132, %get3A_136 : vector<16xf32>
    %get3A_138 = arith.constant 12 : i32
    %get3A_139 = arith.index_cast %get3A_138 : i32 to index
    %get3A_140 = arith.constant 0 : index
    %get3A_141 = tpu.vector_load %arg9[%get3A_139, %get3A_140] {strides = array<i32>} : memref<16x128xf32, #tpu.memory_space<vmem>>, vector<16xf32>,
    %add3A_142 = arith.addf %add3A_137, %get3A_141 : vector<16xf32>
    %get3A_143 = arith.constant 13 : i32
    %get3A_144 = arith.index_cast %get3A_143 : i32 to index
    %get3A_145 = arith.constant 0 : index
    %get3A_146 = tpu.vector_load %arg9[%get3A_144, %get3A_145] {strides = array<i32>} : memref<16x128xf32, #tpu.memory_space<vmem>>, vector<16xf32>,
    %add3A_147 = arith.addf %add3A_142, %get3A_146 : vector<16xf32>
    %get3A_148 = arith.constant 14 : i32
    %get3A_149 = arith.index_cast %get3A_148 : i32 to index
    %get3A_150 = arith.constant 0 : index
    %get3A_151 = tpu.vector_load %arg9[%get3A_149, %get3A_150] {strides = array<i32>} : memref<16x128xf32, #tpu.memory_space<vmem>>, vector<16xf32>,
    %add3A_152 = arith.addf %add3A_147, %get3A_151 : vector<16xf32>
    %get3A_153 = arith.constant 15 : i32
    %get3A_154 = arith.index_cast %get3A_153 : i32 to index
    %get3A_155 = arith.constant 0 : index
    %get3A_156 = tpu.vector_load %arg9[%get3A_154, %get3A_155] {strides = array<i32>} : memref<16x128xf32, #tpu.memory_space<vmem>>, vector<16xf32>,
    %add3A_157 = arith.addf %add3A_152, %get3A_156 : vector<16xf32>
    %broadcast_in_dim3A = arith.constant 1.000000e+00 : f32
    %broadcast_in_dim3A_158 = vector.broadcast %broadcast_in_dim3A : f32 to vector<16xf32>
    %broadcast_in_dim3A_159 = arith.constant 1.000000e+00 : f32
    %broadcast_in_dim3A_160 = vector.broadcast %broadcast_in_dim3A_159 : f32 to vector<16xf32>
    %max3A = arith.maximumf %add3A_157, %broadcast_in_dim3A_160 : vector<16xf32>
    %div3A = arith.divf %broadcast_in_dim3A_158, %max3A : vector<16xf32>
    %swap3A = arith.constant 0 : index
    %swap3A_161 = tpu.vector_load %arg10[%swap3A] {strides = array<i32>} : memref<128xf32, #tpu.memory_space<vmem>>, vector<16xf32>,
    tpu.vector_store %arg10[%swap3A], %div3A {strides = array<i32>} : memref<128xf32, #tpu.memory_space<vmem>>, vector<16xf32>,
    %get3A_162 = arith.constant 0 : i32
    %get3A_163 = arith.index_cast %get3A_162 : i32 to index
    %get3A_164 = arith.constant 16 : index
    %get3A_165 = tpu.vector_load %arg9[%get3A_163, %get3A_164] {strides = array<i32>} : memref<16x128xf32, #tpu.memory_space<vmem>>, vector<16xf32>,
    %get3A_166 = arith.constant 1 : i32
    %get3A_167 = arith.index_cast %get3A_166 : i32 to index
    %get3A_168 = arith.constant 16 : index
    %get3A_169 = tpu.vector_load %arg9[%get3A_167, %get3A_168] {strides = array<i32>} : memref<16x128xf32, #tpu.memory_space<vmem>>, vector<16xf32>,
    %add3A_170 = arith.addf %get3A_165, %get3A_169 : vector<16xf32>
    %get3A_171 = arith.constant 2 : i32
    %get3A_172 = arith.index_cast %get3A_171 : i32 to index
    %get3A_173 = arith.constant 16 : index
    %get3A_174 = tpu.vector_load %arg9[%get3A_172, %get3A_173] {strides = array<i32>} : memref<16x128xf32, #tpu.memory_space<vmem>>, vector<16xf32>,
    %add3A_175 = arith.addf %add3A_170, %get3A_174 : vector<16xf32>
    %get3A_176 = arith.constant 3 : i32
    %get3A_177 = arith.index_cast %get3A_176 : i32 to index
    %get3A_178 = arith.constant 16 : index
    %get3A_179 = tpu.vector_load %arg9[%get3A_177, %get3A_178] {strides = array<i32>} : memref<16x128xf32, #tpu.memory_space<vmem>>, vector<16xf32>,
    %add3A_180 = arith.addf %add3A_175, %get3A_179 : vector<16xf32>
    %get3A_181 = arith.constant 4 : i32
    %get3A_182 = arith.index_cast %get3A_181 : i32 to index
    %get3A_183 = arith.constant 16 : index
    %get3A_184 = tpu.vector_load %arg9[%get3A_182, %get3A_183] {strides = array<i32>} : memref<16x128xf32, #tpu.memory_space<vmem>>, vector<16xf32>,
    %add3A_185 = arith.addf %add3A_180, %get3A_184 : vector<16xf32>
    %get3A_186 = arith.constant 5 : i32
    %get3A_187 = arith.index_cast %get3A_186 : i32 to index
    %get3A_188 = arith.constant 16 : index
    %get3A_189 = tpu.vector_load %arg9[%get3A_187, %get3A_188] {strides = array<i32>} : memref<16x128xf32, #tpu.memory_space<vmem>>, vector<16xf32>,
    %add3A_190 = arith.addf %add3A_185, %get3A_189 : vector<16xf32>
    %get3A_191 = arith.constant 6 : i32
    %get3A_192 = arith.index_cast %get3A_191 : i32 to index
    %get3A_193 = arith.constant 16 : index
    %get3A_194 = tpu.vector_load %arg9[%get3A_192, %get3A_193] {strides = array<i32>} : memref<16x128xf32, #tpu.memory_space<vmem>>, vector<16xf32>,
    %add3A_195 = arith.addf %add3A_190, %get3A_194 : vector<16xf32>
    %get3A_196 = arith.constant 7 : i32
    %get3A_197 = arith.index_cast %get3A_196 : i32 to index
    %get3A_198 = arith.constant 16 : index
    %get3A_199 = tpu.vector_load %arg9[%get3A_197, %get3A_198] {strides = array<i32>} : memref<16x128xf32, #tpu.memory_space<vmem>>, vector<16xf32>,
    %add3A_200 = arith.addf %add3A_195, %get3A_199 : vector<16xf32>
    %get3A_201 = arith.constant 8 : i32
    %get3A_202 = arith.index_cast %get3A_201 : i32 to index
    %get3A_203 = arith.constant 16 : index
    %get3A_204 = tpu.vector_load %arg9[%get3A_202, %get3A_203] {strides = array<i32>} : memref<16x128xf32, #tpu.memory_space<vmem>>, vector<16xf32>,
    %add3A_205 = arith.addf %add3A_200, %get3A_204 : vector<16xf32>
    %get3A_206 = arith.constant 9 : i32
    %get3A_207 = arith.index_cast %get3A_206 : i32 to index
    %get3A_208 = arith.constant 16 : index
    %get3A_209 = tpu.vector_load %arg9[%get3A_207, %get3A_208] {strides = array<i32>} : memref<16x128xf32, #tpu.memory_space<vmem>>, vector<16xf32>,
    %add3A_210 = arith.addf %add3A_205, %get3A_209 : vector<16xf32>
    %get3A_211 = arith.constant 10 : i32
    %get3A_212 = arith.index_cast %get3A_211 : i32 to index
    %get3A_213 = arith.constant 16 : index
    %get3A_214 = tpu.vector_load %arg9[%get3A_212, %get3A_213] {strides = array<i32>} : memref<16x128xf32, #tpu.memory_space<vmem>>, vector<16xf32>,
    %add3A_215 = arith.addf %add3A_210, %get3A_214 : vector<16xf32>
    %get3A_216 = arith.constant 11 : i32
    %get3A_217 = arith.index_cast %get3A_216 : i32 to index
    %get3A_218 = arith.constant 16 : index
    %get3A_219 = tpu.vector_load %arg9[%get3A_217, %get3A_218] {strides = array<i32>} : memref<16x128xf32, #tpu.memory_space<vmem>>, vector<16xf32>,
    %add3A_220 = arith.addf %add3A_215, %get3A_219 : vector<16xf32>
    %get3A_221 = arith.constant 12 : i32
    %get3A_222 = arith.index_cast %get3A_221 : i32 to index
    %get3A_223 = arith.constant 16 : index
    %get3A_224 = tpu.vector_load %arg9[%get3A_222, %get3A_223] {strides = array<i32>} : memref<16x128xf32, #tpu.memory_space<vmem>>, vector<16xf32>,
    %add3A_225 = arith.addf %add3A_220, %get3A_224 : vector<16xf32>
    %get3A_226 = arith.constant 13 : i32
    %get3A_227 = arith.index_cast %get3A_226 : i32 to index
    %get3A_228 = arith.constant 16 : index
    %get3A_229 = tpu.vector_load %arg9[%get3A_227, %get3A_228] {strides = array<i32>} : memref<16x128xf32, #tpu.memory_space<vmem>>, vector<16xf32>,
    %add3A_230 = arith.addf %add3A_225, %get3A_229 : vector<16xf32>
    %get3A_231 = arith.constant 14 : i32
    %get3A_232 = arith.index_cast %get3A_231 : i32 to index
    %get3A_233 = arith.constant 16 : index
    %get3A_234 = tpu.vector_load %arg9[%get3A_232, %get3A_233] {strides = array<i32>} : memref<16x128xf32, #tpu.memory_space<vmem>>, vector<16xf32>,
    %add3A_235 = arith.addf %add3A_230, %get3A_234 : vector<16xf32>
    %get3A_236 = arith.constant 15 : i32
    %get3A_237 = arith.index_cast %get3A_236 : i32 to index
    %get3A_238 = arith.constant 16 : index
    %get3A_239 = tpu.vector_load %arg9[%get3A_237, %get3A_238] {strides = array<i32>} : memref<16x128xf32, #tpu.memory_space<vmem>>, vector<16xf32>,
    %add3A_240 = arith.addf %add3A_235, %get3A_239 : vector<16xf32>
    %broadcast_in_dim3A_241 = arith.constant 1.000000e+00 : f32
    %broadcast_in_dim3A_242 = vector.broadcast %broadcast_in_dim3A_241 : f32 to vector<16xf32>
    %broadcast_in_dim3A_243 = arith.constant 1.000000e+00 : f32
    %broadcast_in_dim3A_244 = vector.broadcast %broadcast_in_dim3A_243 : f32 to vector<16xf32>
    %max3A_245 = arith.maximumf %add3A_240, %broadcast_in_dim3A_244 : vector<16xf32>
    %div3A_246 = arith.divf %broadcast_in_dim3A_242, %max3A_245 : vector<16xf32>
    %swap3A_247 = arith.constant 16 : index
    %swap3A_248 = tpu.vector_load %arg10[%swap3A_247] {strides = array<i32>} : memref<128xf32, #tpu.memory_space<vmem>>, vector<16xf32>,
    tpu.vector_store %arg10[%swap3A_247], %div3A_246 {strides = array<i32>} : memref<128xf32, #tpu.memory_space<vmem>>, vector<16xf32>,
    %get3A_249 = arith.constant 0 : i32
    %get3A_250 = arith.index_cast %get3A_249 : i32 to index
    %get3A_251 = arith.constant 32 : index
    %get3A_252 = tpu.vector_load %arg9[%get3A_250, %get3A_251] {strides = array<i32>} : memref<16x128xf32, #tpu.memory_space<vmem>>, vector<16xf32>,
    %get3A_253 = arith.constant 1 : i32
    %get3A_254 = arith.index_cast %get3A_253 : i32 to index
    %get3A_255 = arith.constant 32 : index
    %get3A_256 = tpu.vector_load %arg9[%get3A_254, %get3A_255] {strides = array<i32>} : memref<16x128xf32, #tpu.memory_space<vmem>>, vector<16xf32>,
    %add3A_257 = arith.addf %get3A_252, %get3A_256 : vector<16xf32>
    %get3A_258 = arith.constant 2 : i32
    %get3A_259 = arith.index_cast %get3A_258 : i32 to index
    %get3A_260 = arith.constant 32 : index
    %get3A_261 = tpu.vector_load %arg9[%get3A_259, %get3A_260] {strides = array<i32>} : memref<16x128xf32, #tpu.memory_space<vmem>>, vector<16xf32>,
    %add3A_262 = arith.addf %add3A_257, %get3A_261 : vector<16xf32>
    %get3A_263 = arith.constant 3 : i32
    %get3A_264 = arith.index_cast %get3A_263 : i32 to index
    %get3A_265 = arith.constant 32 : index
    %get3A_266 = tpu.vector_load %arg9[%get3A_264, %get3A_265] {strides = array<i32>} : memref<16x128xf32, #tpu.memory_space<vmem>>, vector<16xf32>,
    %add3A_267 = arith.addf %add3A_262, %get3A_266 : vector<16xf32>
    %get3A_268 = arith.constant 4 : i32
    %get3A_269 = arith.index_cast %get3A_268 : i32 to index
    %get3A_270 = arith.constant 32 : index
    %get3A_271 = tpu.vector_load %arg9[%get3A_269, %get3A_270] {strides = array<i32>} : memref<16x128xf32, #tpu.memory_space<vmem>>, vector<16xf32>,
    %add3A_272 = arith.addf %add3A_267, %get3A_271 : vector<16xf32>
    %get3A_273 = arith.constant 5 : i32
    %get3A_274 = arith.index_cast %get3A_273 : i32 to index
    %get3A_275 = arith.constant 32 : index
    %get3A_276 = tpu.vector_load %arg9[%get3A_274, %get3A_275] {strides = array<i32>} : memref<16x128xf32, #tpu.memory_space<vmem>>, vector<16xf32>,
    %add3A_277 = arith.addf %add3A_272, %get3A_276 : vector<16xf32>
    %get3A_278 = arith.constant 6 : i32
    %get3A_279 = arith.index_cast %get3A_278 : i32 to index
    %get3A_280 = arith.constant 32 : index
    %get3A_281 = tpu.vector_load %arg9[%get3A_279, %get3A_280] {strides = array<i32>} : memref<16x128xf32, #tpu.memory_space<vmem>>, vector<16xf32>,
    %add3A_282 = arith.addf %add3A_277, %get3A_281 : vector<16xf32>
    %get3A_283 = arith.constant 7 : i32
    %get3A_284 = arith.index_cast %get3A_283 : i32 to index
    %get3A_285 = arith.constant 32 : index
    %get3A_286 = tpu.vector_load %arg9[%get3A_284, %get3A_285] {strides = array<i32>} : memref<16x128xf32, #tpu.memory_space<vmem>>, vector<16xf32>,
    %add3A_287 = arith.addf %add3A_282, %get3A_286 : vector<16xf32>
    %get3A_288 = arith.constant 8 : i32
    %get3A_289 = arith.index_cast %get3A_288 : i32 to index
    %get3A_290 = arith.constant 32 : index
    %get3A_291 = tpu.vector_load %arg9[%get3A_289, %get3A_290] {strides = array<i32>} : memref<16x128xf32, #tpu.memory_space<vmem>>, vector<16xf32>,
    %add3A_292 = arith.addf %add3A_287, %get3A_291 : vector<16xf32>
    %get3A_293 = arith.constant 9 : i32
    %get3A_294 = arith.index_cast %get3A_293 : i32 to index
    %get3A_295 = arith.constant 32 : index
    %get3A_296 = tpu.vector_load %arg9[%get3A_294, %get3A_295] {strides = array<i32>} : memref<16x128xf32, #tpu.memory_space<vmem>>, vector<16xf32>,
    %add3A_297 = arith.addf %add3A_292, %get3A_296 : vector<16xf32>
    %get3A_298 = arith.constant 10 : i32
    %get3A_299 = arith.index_cast %get3A_298 : i32 to index
    %get3A_300 = arith.constant 32 : index
    %get3A_301 = tpu.vector_load %arg9[%get3A_299, %get3A_300] {strides = array<i32>} : memref<16x128xf32, #tpu.memory_space<vmem>>, vector<16xf32>,
    %add3A_302 = arith.addf %add3A_297, %get3A_301 : vector<16xf32>
    %get3A_303 = arith.constant 11 : i32
    %get3A_304 = arith.index_cast %get3A_303 : i32 to index
    %get3A_305 = arith.constant 32 : index
    %get3A_306 = tpu.vector_load %arg9[%get3A_304, %get3A_305] {strides = array<i32>} : memref<16x128xf32, #tpu.memory_space<vmem>>, vector<16xf32>,
    %add3A_307 = arith.addf %add3A_302, %get3A_306 : vector<16xf32>
    %get3A_308 = arith.constant 12 : i32
    %get3A_309 = arith.index_cast %get3A_308 : i32 to index
    %get3A_310 = arith.constant 32 : index
    %get3A_311 = tpu.vector_load %arg9[%get3A_309, %get3A_310] {strides = array<i32>} : memref<16x128xf32, #tpu.memory_space<vmem>>, vector<16xf32>,
    %add3A_312 = arith.addf %add3A_307, %get3A_311 : vector<16xf32>
    %get3A_313 = arith.constant 13 : i32
    %get3A_314 = arith.index_cast %get3A_313 : i32 to index
    %get3A_315 = arith.constant 32 : index
    %get3A_316 = tpu.vector_load %arg9[%get3A_314, %get3A_315] {strides = array<i32>} : memref<16x128xf32, #tpu.memory_space<vmem>>, vector<16xf32>,
    %add3A_317 = arith.addf %add3A_312, %get3A_316 : vector<16xf32>
    %get3A_318 = arith.constant 14 : i32
    %get3A_319 = arith.index_cast %get3A_318 : i32 to index
    %get3A_320 = arith.constant 32 : index
    %get3A_321 = tpu.vector_load %arg9[%get3A_319, %get3A_320] {strides = array<i32>} : memref<16x128xf32, #tpu.memory_space<vmem>>, vector<16xf32>,
    %add3A_322 = arith.addf %add3A_317, %get3A_321 : vector<16xf32>
    %get3A_323 = arith.constant 15 : i32
    %get3A_324 = arith.index_cast %get3A_323 : i32 to index
    %get3A_325 = arith.constant 32 : index
    %get3A_326 = tpu.vector_load %arg9[%get3A_324, %get3A_325] {strides = array<i32>} : memref<16x128xf32, #tpu.memory_space<vmem>>, vector<16xf32>,
    %add3A_327 = arith.addf %add3A_322, %get3A_326 : vector<16xf32>
    %broadcast_in_dim3A_328 = arith.constant 1.000000e+00 : f32
    %broadcast_in_dim3A_329 = vector.broadcast %broadcast_in_dim3A_328 : f32 to vector<16xf32>
    %broadcast_in_dim3A_330 = arith.constant 1.000000e+00 : f32
    %broadcast_in_dim3A_331 = vector.broadcast %broadcast_in_dim3A_330 : f32 to vector<16xf32>
    %max3A_332 = arith.maximumf %add3A_327, %broadcast_in_dim3A_331 : vector<16xf32>
    %div3A_333 = arith.divf %broadcast_in_dim3A_329, %max3A_332 : vector<16xf32>
    %swap3A_334 = arith.constant 32 : index
    %swap3A_335 = tpu.vector_load %arg10[%swap3A_334] {strides = array<i32>} : memref<128xf32, #tpu.memory_space<vmem>>, vector<16xf32>,
    tpu.vector_store %arg10[%swap3A_334], %div3A_333 {strides = array<i32>} : memref<128xf32, #tpu.memory_space<vmem>>, vector<16xf32>,
    %get3A_336 = arith.constant 0 : i32
    %get3A_337 = arith.index_cast %get3A_336 : i32 to index
    %get3A_338 = arith.constant 48 : index
    %get3A_339 = tpu.vector_load %arg9[%get3A_337, %get3A_338] {strides = array<i32>} : memref<16x128xf32, #tpu.memory_space<vmem>>, vector<16xf32>,
    %get3A_340 = arith.constant 1 : i32
    %get3A_341 = arith.index_cast %get3A_340 : i32 to index
    %get3A_342 = arith.constant 48 : index
    %get3A_343 = tpu.vector_load %arg9[%get3A_341, %get3A_342] {strides = array<i32>} : memref<16x128xf32, #tpu.memory_space<vmem>>, vector<16xf32>,
    %add3A_344 = arith.addf %get3A_339, %get3A_343 : vector<16xf32>
    %get3A_345 = arith.constant 2 : i32
    %get3A_346 = arith.index_cast %get3A_345 : i32 to index
    %get3A_347 = arith.constant 48 : index
    %get3A_348 = tpu.vector_load %arg9[%get3A_346, %get3A_347] {strides = array<i32>} : memref<16x128xf32, #tpu.memory_space<vmem>>, vector<16xf32>,
    %add3A_349 = arith.addf %add3A_344, %get3A_348 : vector<16xf32>
    %get3A_350 = arith.constant 3 : i32
    %get3A_351 = arith.index_cast %get3A_350 : i32 to index
    %get3A_352 = arith.constant 48 : index
    %get3A_353 = tpu.vector_load %arg9[%get3A_351, %get3A_352] {strides = array<i32>} : memref<16x128xf32, #tpu.memory_space<vmem>>, vector<16xf32>,
    %add3A_354 = arith.addf %add3A_349, %get3A_353 : vector<16xf32>
    %get3A_355 = arith.constant 4 : i32
    %get3A_356 = arith.index_cast %get3A_355 : i32 to index
    %get3A_357 = arith.constant 48 : index
    %get3A_358 = tpu.vector_load %arg9[%get3A_356, %get3A_357] {strides = array<i32>} : memref<16x128xf32, #tpu.memory_space<vmem>>, vector<16xf32>,
    %add3A_359 = arith.addf %add3A_354, %get3A_358 : vector<16xf32>
    %get3A_360 = arith.constant 5 : i32
    %get3A_361 = arith.index_cast %get3A_360 : i32 to index
    %get3A_362 = arith.constant 48 : index
    %get3A_363 = tpu.vector_load %arg9[%get3A_361, %get3A_362] {strides = array<i32>} : memref<16x128xf32, #tpu.memory_space<vmem>>, vector<16xf32>,
    %add3A_364 = arith.addf %add3A_359, %get3A_363 : vector<16xf32>
    %get3A_365 = arith.constant 6 : i32
    %get3A_366 = arith.index_cast %get3A_365 : i32 to index
    %get3A_367 = arith.constant 48 : index
    %get3A_368 = tpu.vector_load %arg9[%get3A_366, %get3A_367] {strides = array<i32>} : memref<16x128xf32, #tpu.memory_space<vmem>>, vector<16xf32>,
    %add3A_369 = arith.addf %add3A_364, %get3A_368 : vector<16xf32>
    %get3A_370 = arith.constant 7 : i32
    %get3A_371 = arith.index_cast %get3A_370 : i32 to index
    %get3A_372 = arith.constant 48 : index
    %get3A_373 = tpu.vector_load %arg9[%get3A_371, %get3A_372] {strides = array<i32>} : memref<16x128xf32, #tpu.memory_space<vmem>>, vector<16xf32>,
    %add3A_374 = arith.addf %add3A_369, %get3A_373 : vector<16xf32>
    %get3A_375 = arith.constant 8 : i32
    %get3A_376 = arith.index_cast %get3A_375 : i32 to index
    %get3A_377 = arith.constant 48 : index
    %get3A_378 = tpu.vector_load %arg9[%get3A_376, %get3A_377] {strides = array<i32>} : memref<16x128xf32, #tpu.memory_space<vmem>>, vector<16xf32>,
    %add3A_379 = arith.addf %add3A_374, %get3A_378 : vector<16xf32>
    %get3A_380 = arith.constant 9 : i32
    %get3A_381 = arith.index_cast %get3A_380 : i32 to index
    %get3A_382 = arith.constant 48 : index
    %get3A_383 = tpu.vector_load %arg9[%get3A_381, %get3A_382] {strides = array<i32>} : memref<16x128xf32, #tpu.memory_space<vmem>>, vector<16xf32>,
    %add3A_384 = arith.addf %add3A_379, %get3A_383 : vector<16xf32>
    %get3A_385 = arith.constant 10 : i32
    %get3A_386 = arith.index_cast %get3A_385 : i32 to index
    %get3A_387 = arith.constant 48 : index
    %get3A_388 = tpu.vector_load %arg9[%get3A_386, %get3A_387] {strides = array<i32>} : memref<16x128xf32, #tpu.memory_space<vmem>>, vector<16xf32>,
    %add3A_389 = arith.addf %add3A_384, %get3A_388 : vector<16xf32>
    %get3A_390 = arith.constant 11 : i32
    %get3A_391 = arith.index_cast %get3A_390 : i32 to index
    %get3A_392 = arith.constant 48 : index
    %get3A_393 = tpu.vector_load %arg9[%get3A_391, %get3A_392] {strides = array<i32>} : memref<16x128xf32, #tpu.memory_space<vmem>>, vector<16xf32>,
    %add3A_394 = arith.addf %add3A_389, %get3A_393 : vector<16xf32>
    %get3A_395 = arith.constant 12 : i32
    %get3A_396 = arith.index_cast %get3A_395 : i32 to index
    %get3A_397 = arith.constant 48 : index
    %get3A_398 = tpu.vector_load %arg9[%get3A_396, %get3A_397] {strides = array<i32>} : memref<16x128xf32, #tpu.memory_space<vmem>>, vector<16xf32>,
    %add3A_399 = arith.addf %add3A_394, %get3A_398 : vector<16xf32>
    %get3A_400 = arith.constant 13 : i32
    %get3A_401 = arith.index_cast %get3A_400 : i32 to index
    %get3A_402 = arith.constant 48 : index
    %get3A_403 = tpu.vector_load %arg9[%get3A_401, %get3A_402] {strides = array<i32>} : memref<16x128xf32, #tpu.memory_space<vmem>>, vector<16xf32>,
    %add3A_404 = arith.addf %add3A_399, %get3A_403 : vector<16xf32>
    %get3A_405 = arith.constant 14 : i32
    %get3A_406 = arith.index_cast %get3A_405 : i32 to index
    %get3A_407 = arith.constant 48 : index
    %get3A_408 = tpu.vector_load %arg9[%get3A_406, %get3A_407] {strides = array<i32>} : memref<16x128xf32, #tpu.memory_space<vmem>>, vector<16xf32>,
    %add3A_409 = arith.addf %add3A_404, %get3A_408 : vector<16xf32>
    %get3A_410 = arith.constant 15 : i32
    %get3A_411 = arith.index_cast %get3A_410 : i32 to index
    %get3A_412 = arith.constant 48 : index
    %get3A_413 = tpu.vector_load %arg9[%get3A_411, %get3A_412] {strides = array<i32>} : memref<16x128xf32, #tpu.memory_space<vmem>>, vector<16xf32>,
    %add3A_414 = arith.addf %add3A_409, %get3A_413 : vector<16xf32>
    %broadcast_in_dim3A_415 = arith.constant 1.000000e+00 : f32
    %broadcast_in_dim3A_416 = vector.broadcast %broadcast_in_dim3A_415 : f32 to vector<16xf32>
    %broadcast_in_dim3A_417 = arith.constant 1.000000e+00 : f32
    %broadcast_in_dim3A_418 = vector.broadcast %broadcast_in_dim3A_417 : f32 to vector<16xf32>
    %max3A_419 = arith.maximumf %add3A_414, %broadcast_in_dim3A_418 : vector<16xf32>
    %div3A_420 = arith.divf %broadcast_in_dim3A_416, %max3A_419 : vector<16xf32>
    %swap3A_421 = arith.constant 48 : index
    %swap3A_422 = tpu.vector_load %arg10[%swap3A_421] {strides = array<i32>} : memref<128xf32, #tpu.memory_space<vmem>>, vector<16xf32>,
    tpu.vector_store %arg10[%swap3A_421], %div3A_420 {strides = array<i32>} : memref<128xf32, #tpu.memory_space<vmem>>, vector<16xf32>,
    %get3A_423 = arith.constant 0 : i32
    %get3A_424 = arith.index_cast %get3A_423 : i32 to index
    %get3A_425 = arith.constant 64 : index
    %get3A_426 = tpu.vector_load %arg9[%get3A_424, %get3A_425] {strides = array<i32>} : memref<16x128xf32, #tpu.memory_space<vmem>>, vector<16xf32>,
    %get3A_427 = arith.constant 1 : i32
    %get3A_428 = arith.index_cast %get3A_427 : i32 to index
    %get3A_429 = arith.constant 64 : index
    %get3A_430 = tpu.vector_load %arg9[%get3A_428, %get3A_429] {strides = array<i32>} : memref<16x128xf32, #tpu.memory_space<vmem>>, vector<16xf32>,
    %add3A_431 = arith.addf %get3A_426, %get3A_430 : vector<16xf32>
    %get3A_432 = arith.constant 2 : i32
    %get3A_433 = arith.index_cast %get3A_432 : i32 to index
    %get3A_434 = arith.constant 64 : index
    %get3A_435 = tpu.vector_load %arg9[%get3A_433, %get3A_434] {strides = array<i32>} : memref<16x128xf32, #tpu.memory_space<vmem>>, vector<16xf32>,
    %add3A_436 = arith.addf %add3A_431, %get3A_435 : vector<16xf32>
    %get3A_437 = arith.constant 3 : i32
    %get3A_438 = arith.index_cast %get3A_437 : i32 to index
    %get3A_439 = arith.constant 64 : index
    %get3A_440 = tpu.vector_load %arg9[%get3A_438, %get3A_439] {strides = array<i32>} : memref<16x128xf32, #tpu.memory_space<vmem>>, vector<16xf32>,
    %add3A_441 = arith.addf %add3A_436, %get3A_440 : vector<16xf32>
    %get3A_442 = arith.constant 4 : i32
    %get3A_443 = arith.index_cast %get3A_442 : i32 to index
    %get3A_444 = arith.constant 64 : index
    %get3A_445 = tpu.vector_load %arg9[%get3A_443, %get3A_444] {strides = array<i32>} : memref<16x128xf32, #tpu.memory_space<vmem>>, vector<16xf32>,
    %add3A_446 = arith.addf %add3A_441, %get3A_445 : vector<16xf32>
    %get3A_447 = arith.constant 5 : i32
    %get3A_448 = arith.index_cast %get3A_447 : i32 to index
    %get3A_449 = arith.constant 64 : index
    %get3A_450 = tpu.vector_load %arg9[%get3A_448, %get3A_449] {strides = array<i32>} : memref<16x128xf32, #tpu.memory_space<vmem>>, vector<16xf32>,
    %add3A_451 = arith.addf %add3A_446, %get3A_450 : vector<16xf32>
    %get3A_452 = arith.constant 6 : i32
    %get3A_453 = arith.index_cast %get3A_452 : i32 to index
    %get3A_454 = arith.constant 64 : index
    %get3A_455 = tpu.vector_load %arg9[%get3A_453, %get3A_454] {strides = array<i32>} : memref<16x128xf32, #tpu.memory_space<vmem>>, vector<16xf32>,
    %add3A_456 = arith.addf %add3A_451, %get3A_455 : vector<16xf32>
    %get3A_457 = arith.constant 7 : i32
    %get3A_458 = arith.index_cast %get3A_457 : i32 to index
    %get3A_459 = arith.constant 64 : index
    %get3A_460 = tpu.vector_load %arg9[%get3A_458, %get3A_459] {strides = array<i32>} : memref<16x128xf32, #tpu.memory_space<vmem>>, vector<16xf32>,
    %add3A_461 = arith.addf %add3A_456, %get3A_460 : vector<16xf32>
    %get3A_462 = arith.constant 8 : i32
    %get3A_463 = arith.index_cast %get3A_462 : i32 to index
    %get3A_464 = arith.constant 64 : index
    %get3A_465 = tpu.vector_load %arg9[%get3A_463, %get3A_464] {strides = array<i32>} : memref<16x128xf32, #tpu.memory_space<vmem>>, vector<16xf32>,
    %add3A_466 = arith.addf %add3A_461, %get3A_465 : vector<16xf32>
    %get3A_467 = arith.constant 9 : i32
    %get3A_468 = arith.index_cast %get3A_467 : i32 to index
    %get3A_469 = arith.constant 64 : index
    %get3A_470 = tpu.vector_load %arg9[%get3A_468, %get3A_469] {strides = array<i32>} : memref<16x128xf32, #tpu.memory_space<vmem>>, vector<16xf32>,
    %add3A_471 = arith.addf %add3A_466, %get3A_470 : vector<16xf32>
    %get3A_472 = arith.constant 10 : i32
    %get3A_473 = arith.index_cast %get3A_472 : i32 to index
    %get3A_474 = arith.constant 64 : index
    %get3A_475 = tpu.vector_load %arg9[%get3A_473, %get3A_474] {strides = array<i32>} : memref<16x128xf32, #tpu.memory_space<vmem>>, vector<16xf32>,
    %add3A_476 = arith.addf %add3A_471, %get3A_475 : vector<16xf32>
    %get3A_477 = arith.constant 11 : i32
    %get3A_478 = arith.index_cast %get3A_477 : i32 to index
    %get3A_479 = arith.constant 64 : index
    %get3A_480 = tpu.vector_load %arg9[%get3A_478, %get3A_479] {strides = array<i32>} : memref<16x128xf32, #tpu.memory_space<vmem>>, vector<16xf32>,
    %add3A_481 = arith.addf %add3A_476, %get3A_480 : vector<16xf32>
    %get3A_482 = arith.constant 12 : i32
    %get3A_483 = arith.index_cast %get3A_482 : i32 to index
    %get3A_484 = arith.constant 64 : index
    %get3A_485 = tpu.vector_load %arg9[%get3A_483, %get3A_484] {strides = array<i32>} : memref<16x128xf32, #tpu.memory_space<vmem>>, vector<16xf32>,
    %add3A_486 = arith.addf %add3A_481, %get3A_485 : vector<16xf32>
    %get3A_487 = arith.constant 13 : i32
    %get3A_488 = arith.index_cast %get3A_487 : i32 to index
    %get3A_489 = arith.constant 64 : index
    %get3A_490 = tpu.vector_load %arg9[%get3A_488, %get3A_489] {strides = array<i32>} : memref<16x128xf32, #tpu.memory_space<vmem>>, vector<16xf32>,
    %add3A_491 = arith.addf %add3A_486, %get3A_490 : vector<16xf32>
    %get3A_492 = arith.constant 14 : i32
    %get3A_493 = arith.index_cast %get3A_492 : i32 to index
    %get3A_494 = arith.constant 64 : index
    %get3A_495 = tpu.vector_load %arg9[%get3A_493, %get3A_494] {strides = array<i32>} : memref<16x128xf32, #tpu.memory_space<vmem>>, vector<16xf32>,
    %add3A_496 = arith.addf %add3A_491, %get3A_495 : vector<16xf32>
    %get3A_497 = arith.constant 15 : i32
    %get3A_498 = arith.index_cast %get3A_497 : i32 to index
    %get3A_499 = arith.constant 64 : index
    %get3A_500 = tpu.vector_load %arg9[%get3A_498, %get3A_499] {strides = array<i32>} : memref<16x128xf32, #tpu.memory_space<vmem>>, vector<16xf32>,
    %add3A_501 = arith.addf %add3A_496, %get3A_500 : vector<16xf32>
    %broadcast_in_dim3A_502 = arith.constant 1.000000e+00 : f32
    %broadcast_in_dim3A_503 = vector.broadcast %broadcast_in_dim3A_502 : f32 to vector<16xf32>
    %broadcast_in_dim3A_504 = arith.constant 1.000000e+00 : f32
    %broadcast_in_dim3A_505 = vector.broadcast %broadcast_in_dim3A_504 : f32 to vector<16xf32>
    %max3A_506 = arith.maximumf %add3A_501, %broadcast_in_dim3A_505 : vector<16xf32>
    %div3A_507 = arith.divf %broadcast_in_dim3A_503, %max3A_506 : vector<16xf32>
    %swap3A_508 = arith.constant 64 : index
    %swap3A_509 = tpu.vector_load %arg10[%swap3A_508] {strides = array<i32>} : memref<128xf32, #tpu.memory_space<vmem>>, vector<16xf32>,
    tpu.vector_store %arg10[%swap3A_508], %div3A_507 {strides = array<i32>} : memref<128xf32, #tpu.memory_space<vmem>>, vector<16xf32>,
    %get3A_510 = arith.constant 0 : i32
    %get3A_511 = arith.index_cast %get3A_510 : i32 to index
    %get3A_512 = arith.constant 80 : index
    %get3A_513 = tpu.vector_load %arg9[%get3A_511, %get3A_512] {strides = array<i32>} : memref<16x128xf32, #tpu.memory_space<vmem>>, vector<16xf32>,
    %get3A_514 = arith.constant 1 : i32
    %get3A_515 = arith.index_cast %get3A_514 : i32 to index
    %get3A_516 = arith.constant 80 : index
    %get3A_517 = tpu.vector_load %arg9[%get3A_515, %get3A_516] {strides = array<i32>} : memref<16x128xf32, #tpu.memory_space<vmem>>, vector<16xf32>,
    %add3A_518 = arith.addf %get3A_513, %get3A_517 : vector<16xf32>
    %get3A_519 = arith.constant 2 : i32
    %get3A_520 = arith.index_cast %get3A_519 : i32 to index
    %get3A_521 = arith.constant 80 : index
    %get3A_522 = tpu.vector_load %arg9[%get3A_520, %get3A_521] {strides = array<i32>} : memref<16x128xf32, #tpu.memory_space<vmem>>, vector<16xf32>,
    %add3A_523 = arith.addf %add3A_518, %get3A_522 : vector<16xf32>
    %get3A_524 = arith.constant 3 : i32
    %get3A_525 = arith.index_cast %get3A_524 : i32 to index
    %get3A_526 = arith.constant 80 : index
    %get3A_527 = tpu.vector_load %arg9[%get3A_525, %get3A_526] {strides = array<i32>} : memref<16x128xf32, #tpu.memory_space<vmem>>, vector<16xf32>,
    %add3A_528 = arith.addf %add3A_523, %get3A_527 : vector<16xf32>
    %get3A_529 = arith.constant 4 : i32
    %get3A_530 = arith.index_cast %get3A_529 : i32 to index
    %get3A_531 = arith.constant 80 : index
    %get3A_532 = tpu.vector_load %arg9[%get3A_530, %get3A_531] {strides = array<i32>} : memref<16x128xf32, #tpu.memory_space<vmem>>, vector<16xf32>,
    %add3A_533 = arith.addf %add3A_528, %get3A_532 : vector<16xf32>
    %get3A_534 = arith.constant 5 : i32
    %get3A_535 = arith.index_cast %get3A_534 : i32 to index
    %get3A_536 = arith.constant 80 : index
    %get3A_537 = tpu.vector_load %arg9[%get3A_535, %get3A_536] {strides = array<i32>} : memref<16x128xf32, #tpu.memory_space<vmem>>, vector<16xf32>,
    %add3A_538 = arith.addf %add3A_533, %get3A_537 : vector<16xf32>
    %get3A_539 = arith.constant 6 : i32
    %get3A_540 = arith.index_cast %get3A_539 : i32 to index
    %get3A_541 = arith.constant 80 : index
    %get3A_542 = tpu.vector_load %arg9[%get3A_540, %get3A_541] {strides = array<i32>} : memref<16x128xf32, #tpu.memory_space<vmem>>, vector<16xf32>,
    %add3A_543 = arith.addf %add3A_538, %get3A_542 : vector<16xf32>
    %get3A_544 = arith.constant 7 : i32
    %get3A_545 = arith.index_cast %get3A_544 : i32 to index
    %get3A_546 = arith.constant 80 : index
    %get3A_547 = tpu.vector_load %arg9[%get3A_545, %get3A_546] {strides = array<i32>} : memref<16x128xf32, #tpu.memory_space<vmem>>, vector<16xf32>,
    %add3A_548 = arith.addf %add3A_543, %get3A_547 : vector<16xf32>
    %get3A_549 = arith.constant 8 : i32
    %get3A_550 = arith.index_cast %get3A_549 : i32 to index
    %get3A_551 = arith.constant 80 : index
    %get3A_552 = tpu.vector_load %arg9[%get3A_550, %get3A_551] {strides = array<i32>} : memref<16x128xf32, #tpu.memory_space<vmem>>, vector<16xf32>,
    %add3A_553 = arith.addf %add3A_548, %get3A_552 : vector<16xf32>
    %get3A_554 = arith.constant 9 : i32
    %get3A_555 = arith.index_cast %get3A_554 : i32 to index
    %get3A_556 = arith.constant 80 : index
    %get3A_557 = tpu.vector_load %arg9[%get3A_555, %get3A_556] {strides = array<i32>} : memref<16x128xf32, #tpu.memory_space<vmem>>, vector<16xf32>,
    %add3A_558 = arith.addf %add3A_553, %get3A_557 : vector<16xf32>
    %get3A_559 = arith.constant 10 : i32
    %get3A_560 = arith.index_cast %get3A_559 : i32 to index
    %get3A_561 = arith.constant 80 : index
    %get3A_562 = tpu.vector_load %arg9[%get3A_560, %get3A_561] {strides = array<i32>} : memref<16x128xf32, #tpu.memory_space<vmem>>, vector<16xf32>,
    %add3A_563 = arith.addf %add3A_558, %get3A_562 : vector<16xf32>
    %get3A_564 = arith.constant 11 : i32
    %get3A_565 = arith.index_cast %get3A_564 : i32 to index
    %get3A_566 = arith.constant 80 : index
    %get3A_567 = tpu.vector_load %arg9[%get3A_565, %get3A_566] {strides = array<i32>} : memref<16x128xf32, #tpu.memory_space<vmem>>, vector<16xf32>,
    %add3A_568 = arith.addf %add3A_563, %get3A_567 : vector<16xf32>
    %get3A_569 = arith.constant 12 : i32
    %get3A_570 = arith.index_cast %get3A_569 : i32 to index
    %get3A_571 = arith.constant 80 : index
    %get3A_572 = tpu.vector_load %arg9[%get3A_570, %get3A_571] {strides = array<i32>} : memref<16x128xf32, #tpu.memory_space<vmem>>, vector<16xf32>,
    %add3A_573 = arith.addf %add3A_568, %get3A_572 : vector<16xf32>
    %get3A_574 = arith.constant 13 : i32
    %get3A_575 = arith.index_cast %get3A_574 : i32 to index
    %get3A_576 = arith.constant 80 : index
    %get3A_577 = tpu.vector_load %arg9[%get3A_575, %get3A_576] {strides = array<i32>} : memref<16x128xf32, #tpu.memory_space<vmem>>, vector<16xf32>,
    %add3A_578 = arith.addf %add3A_573, %get3A_577 : vector<16xf32>
    %get3A_579 = arith.constant 14 : i32
    %get3A_580 = arith.index_cast %get3A_579 : i32 to index
    %get3A_581 = arith.constant 80 : index
    %get3A_582 = tpu.vector_load %arg9[%get3A_580, %get3A_581] {strides = array<i32>} : memref<16x128xf32, #tpu.memory_space<vmem>>, vector<16xf32>,
    %add3A_583 = arith.addf %add3A_578, %get3A_582 : vector<16xf32>
    %get3A_584 = arith.constant 15 : i32
    %get3A_585 = arith.index_cast %get3A_584 : i32 to index
    %get3A_586 = arith.constant 80 : index
    %get3A_587 = tpu.vector_load %arg9[%get3A_585, %get3A_586] {strides = array<i32>} : memref<16x128xf32, #tpu.memory_space<vmem>>, vector<16xf32>,
    %add3A_588 = arith.addf %add3A_583, %get3A_587 : vector<16xf32>
    %broadcast_in_dim3A_589 = arith.constant 1.000000e+00 : f32
    %broadcast_in_dim3A_590 = vector.broadcast %broadcast_in_dim3A_589 : f32 to vector<16xf32>
    %broadcast_in_dim3A_591 = arith.constant 1.000000e+00 : f32
    %broadcast_in_dim3A_592 = vector.broadcast %broadcast_in_dim3A_591 : f32 to vector<16xf32>
    %max3A_593 = arith.maximumf %add3A_588, %broadcast_in_dim3A_592 : vector<16xf32>
    %div3A_594 = arith.divf %broadcast_in_dim3A_590, %max3A_593 : vector<16xf32>
    %swap3A_595 = arith.constant 80 : index
    %swap3A_596 = tpu.vector_load %arg10[%swap3A_595] {strides = array<i32>} : memref<128xf32, #tpu.memory_space<vmem>>, vector<16xf32>,
    tpu.vector_store %arg10[%swap3A_595], %div3A_594 {strides = array<i32>} : memref<128xf32, #tpu.memory_space<vmem>>, vector<16xf32>,
    %get3A_597 = arith.constant 0 : i32
    %get3A_598 = arith.index_cast %get3A_597 : i32 to index
    %get3A_599 = arith.constant 96 : index
    %get3A_600 = tpu.vector_load %arg9[%get3A_598, %get3A_599] {strides = array<i32>} : memref<16x128xf32, #tpu.memory_space<vmem>>, vector<16xf32>,
    %get3A_601 = arith.constant 1 : i32
    %get3A_602 = arith.index_cast %get3A_601 : i32 to index
    %get3A_603 = arith.constant 96 : index
    %get3A_604 = tpu.vector_load %arg9[%get3A_602, %get3A_603] {strides = array<i32>} : memref<16x128xf32, #tpu.memory_space<vmem>>, vector<16xf32>,
    %add3A_605 = arith.addf %get3A_600, %get3A_604 : vector<16xf32>
    %get3A_606 = arith.constant 2 : i32
    %get3A_607 = arith.index_cast %get3A_606 : i32 to index
    %get3A_608 = arith.constant 96 : index
    %get3A_609 = tpu.vector_load %arg9[%get3A_607, %get3A_608] {strides = array<i32>} : memref<16x128xf32, #tpu.memory_space<vmem>>, vector<16xf32>,
    %add3A_610 = arith.addf %add3A_605, %get3A_609 : vector<16xf32>
    %get3A_611 = arith.constant 3 : i32
    %get3A_612 = arith.index_cast %get3A_611 : i32 to index
    %get3A_613 = arith.constant 96 : index
    %get3A_614 = tpu.vector_load %arg9[%get3A_612, %get3A_613] {strides = array<i32>} : memref<16x128xf32, #tpu.memory_space<vmem>>, vector<16xf32>,
    %add3A_615 = arith.addf %add3A_610, %get3A_614 : vector<16xf32>
    %get3A_616 = arith.constant 4 : i32
    %get3A_617 = arith.index_cast %get3A_616 : i32 to index
    %get3A_618 = arith.constant 96 : index
    %get3A_619 = tpu.vector_load %arg9[%get3A_617, %get3A_618] {strides = array<i32>} : memref<16x128xf32, #tpu.memory_space<vmem>>, vector<16xf32>,
    %add3A_620 = arith.addf %add3A_615, %get3A_619 : vector<16xf32>
    %get3A_621 = arith.constant 5 : i32
    %get3A_622 = arith.index_cast %get3A_621 : i32 to index
    %get3A_623 = arith.constant 96 : index
    %get3A_624 = tpu.vector_load %arg9[%get3A_622, %get3A_623] {strides = array<i32>} : memref<16x128xf32, #tpu.memory_space<vmem>>, vector<16xf32>,
    %add3A_625 = arith.addf %add3A_620, %get3A_624 : vector<16xf32>
    %get3A_626 = arith.constant 6 : i32
    %get3A_627 = arith.index_cast %get3A_626 : i32 to index
    %get3A_628 = arith.constant 96 : index
    %get3A_629 = tpu.vector_load %arg9[%get3A_627, %get3A_628] {strides = array<i32>} : memref<16x128xf32, #tpu.memory_space<vmem>>, vector<16xf32>,
    %add3A_630 = arith.addf %add3A_625, %get3A_629 : vector<16xf32>
    %get3A_631 = arith.constant 7 : i32
    %get3A_632 = arith.index_cast %get3A_631 : i32 to index
    %get3A_633 = arith.constant 96 : index
    %get3A_634 = tpu.vector_load %arg9[%get3A_632, %get3A_633] {strides = array<i32>} : memref<16x128xf32, #tpu.memory_space<vmem>>, vector<16xf32>,
    %add3A_635 = arith.addf %add3A_630, %get3A_634 : vector<16xf32>
    %get3A_636 = arith.constant 8 : i32
    %get3A_637 = arith.index_cast %get3A_636 : i32 to index
    %get3A_638 = arith.constant 96 : index
    %get3A_639 = tpu.vector_load %arg9[%get3A_637, %get3A_638] {strides = array<i32>} : memref<16x128xf32, #tpu.memory_space<vmem>>, vector<16xf32>,
    %add3A_640 = arith.addf %add3A_635, %get3A_639 : vector<16xf32>
    %get3A_641 = arith.constant 9 : i32
    %get3A_642 = arith.index_cast %get3A_641 : i32 to index
    %get3A_643 = arith.constant 96 : index
    %get3A_644 = tpu.vector_load %arg9[%get3A_642, %get3A_643] {strides = array<i32>} : memref<16x128xf32, #tpu.memory_space<vmem>>, vector<16xf32>,
    %add3A_645 = arith.addf %add3A_640, %get3A_644 : vector<16xf32>
    %get3A_646 = arith.constant 10 : i32
    %get3A_647 = arith.index_cast %get3A_646 : i32 to index
    %get3A_648 = arith.constant 96 : index
    %get3A_649 = tpu.vector_load %arg9[%get3A_647, %get3A_648] {strides = array<i32>} : memref<16x128xf32, #tpu.memory_space<vmem>>, vector<16xf32>,
    %add3A_650 = arith.addf %add3A_645, %get3A_649 : vector<16xf32>
    %get3A_651 = arith.constant 11 : i32
    %get3A_652 = arith.index_cast %get3A_651 : i32 to index
    %get3A_653 = arith.constant 96 : index
    %get3A_654 = tpu.vector_load %arg9[%get3A_652, %get3A_653] {strides = array<i32>} : memref<16x128xf32, #tpu.memory_space<vmem>>, vector<16xf32>,
    %add3A_655 = arith.addf %add3A_650, %get3A_654 : vector<16xf32>
    %get3A_656 = arith.constant 12 : i32
    %get3A_657 = arith.index_cast %get3A_656 : i32 to index
    %get3A_658 = arith.constant 96 : index
    %get3A_659 = tpu.vector_load %arg9[%get3A_657, %get3A_658] {strides = array<i32>} : memref<16x128xf32, #tpu.memory_space<vmem>>, vector<16xf32>,
    %add3A_660 = arith.addf %add3A_655, %get3A_659 : vector<16xf32>
    %get3A_661 = arith.constant 13 : i32
    %get3A_662 = arith.index_cast %get3A_661 : i32 to index
    %get3A_663 = arith.constant 96 : index
    %get3A_664 = tpu.vector_load %arg9[%get3A_662, %get3A_663] {strides = array<i32>} : memref<16x128xf32, #tpu.memory_space<vmem>>, vector<16xf32>,
    %add3A_665 = arith.addf %add3A_660, %get3A_664 : vector<16xf32>
    %get3A_666 = arith.constant 14 : i32
    %get3A_667 = arith.index_cast %get3A_666 : i32 to index
    %get3A_668 = arith.constant 96 : index
    %get3A_669 = tpu.vector_load %arg9[%get3A_667, %get3A_668] {strides = array<i32>} : memref<16x128xf32, #tpu.memory_space<vmem>>, vector<16xf32>,
    %add3A_670 = arith.addf %add3A_665, %get3A_669 : vector<16xf32>
    %get3A_671 = arith.constant 15 : i32
    %get3A_672 = arith.index_cast %get3A_671 : i32 to index
    %get3A_673 = arith.constant 96 : index
    %get3A_674 = tpu.vector_load %arg9[%get3A_672, %get3A_673] {strides = array<i32>} : memref<16x128xf32, #tpu.memory_space<vmem>>, vector<16xf32>,
    %add3A_675 = arith.addf %add3A_670, %get3A_674 : vector<16xf32>
    %broadcast_in_dim3A_676 = arith.constant 1.000000e+00 : f32
    %broadcast_in_dim3A_677 = vector.broadcast %broadcast_in_dim3A_676 : f32 to vector<16xf32>
    %broadcast_in_dim3A_678 = arith.constant 1.000000e+00 : f32
    %broadcast_in_dim3A_679 = vector.broadcast %broadcast_in_dim3A_678 : f32 to vector<16xf32>
    %max3A_680 = arith.maximumf %add3A_675, %broadcast_in_dim3A_679 : vector<16xf32>
    %div3A_681 = arith.divf %broadcast_in_dim3A_677, %max3A_680 : vector<16xf32>
    %swap3A_682 = arith.constant 96 : index
    %swap3A_683 = tpu.vector_load %arg10[%swap3A_682] {strides = array<i32>} : memref<128xf32, #tpu.memory_space<vmem>>, vector<16xf32>,
    tpu.vector_store %arg10[%swap3A_682], %div3A_681 {strides = array<i32>} : memref<128xf32, #tpu.memory_space<vmem>>, vector<16xf32>,
    %get3A_684 = arith.constant 0 : i32
    %get3A_685 = arith.index_cast %get3A_684 : i32 to index
    %get3A_686 = arith.constant 112 : index
    %get3A_687 = tpu.vector_load %arg9[%get3A_685, %get3A_686] {strides = array<i32>} : memref<16x128xf32, #tpu.memory_space<vmem>>, vector<16xf32>,
    %get3A_688 = arith.constant 1 : i32
    %get3A_689 = arith.index_cast %get3A_688 : i32 to index
    %get3A_690 = arith.constant 112 : index
    %get3A_691 = tpu.vector_load %arg9[%get3A_689, %get3A_690] {strides = array<i32>} : memref<16x128xf32, #tpu.memory_space<vmem>>, vector<16xf32>,
    %add3A_692 = arith.addf %get3A_687, %get3A_691 : vector<16xf32>
    %get3A_693 = arith.constant 2 : i32
    %get3A_694 = arith.index_cast %get3A_693 : i32 to index
    %get3A_695 = arith.constant 112 : index
    %get3A_696 = tpu.vector_load %arg9[%get3A_694, %get3A_695] {strides = array<i32>} : memref<16x128xf32, #tpu.memory_space<vmem>>, vector<16xf32>,
    %add3A_697 = arith.addf %add3A_692, %get3A_696 : vector<16xf32>
    %get3A_698 = arith.constant 3 : i32
    %get3A_699 = arith.index_cast %get3A_698 : i32 to index
    %get3A_700 = arith.constant 112 : index
    %get3A_701 = tpu.vector_load %arg9[%get3A_699, %get3A_700] {strides = array<i32>} : memref<16x128xf32, #tpu.memory_space<vmem>>, vector<16xf32>,
    %add3A_702 = arith.addf %add3A_697, %get3A_701 : vector<16xf32>
    %get3A_703 = arith.constant 4 : i32
    %get3A_704 = arith.index_cast %get3A_703 : i32 to index
    %get3A_705 = arith.constant 112 : index
    %get3A_706 = tpu.vector_load %arg9[%get3A_704, %get3A_705] {strides = array<i32>} : memref<16x128xf32, #tpu.memory_space<vmem>>, vector<16xf32>,
    %add3A_707 = arith.addf %add3A_702, %get3A_706 : vector<16xf32>
    %get3A_708 = arith.constant 5 : i32
    %get3A_709 = arith.index_cast %get3A_708 : i32 to index
    %get3A_710 = arith.constant 112 : index
    %get3A_711 = tpu.vector_load %arg9[%get3A_709, %get3A_710] {strides = array<i32>} : memref<16x128xf32, #tpu.memory_space<vmem>>, vector<16xf32>,
    %add3A_712 = arith.addf %add3A_707, %get3A_711 : vector<16xf32>
    %get3A_713 = arith.constant 6 : i32
    %get3A_714 = arith.index_cast %get3A_713 : i32 to index
    %get3A_715 = arith.constant 112 : index
    %get3A_716 = tpu.vector_load %arg9[%get3A_714, %get3A_715] {strides = array<i32>} : memref<16x128xf32, #tpu.memory_space<vmem>>, vector<16xf32>,
    %add3A_717 = arith.addf %add3A_712, %get3A_716 : vector<16xf32>
    %get3A_718 = arith.constant 7 : i32
    %get3A_719 = arith.index_cast %get3A_718 : i32 to index
    %get3A_720 = arith.constant 112 : index
    %get3A_721 = tpu.vector_load %arg9[%get3A_719, %get3A_720] {strides = array<i32>} : memref<16x128xf32, #tpu.memory_space<vmem>>, vector<16xf32>,
    %add3A_722 = arith.addf %add3A_717, %get3A_721 : vector<16xf32>
    %get3A_723 = arith.constant 8 : i32
    %get3A_724 = arith.index_cast %get3A_723 : i32 to index
    %get3A_725 = arith.constant 112 : index
    %get3A_726 = tpu.vector_load %arg9[%get3A_724, %get3A_725] {strides = array<i32>} : memref<16x128xf32, #tpu.memory_space<vmem>>, vector<16xf32>,
    %add3A_727 = arith.addf %add3A_722, %get3A_726 : vector<16xf32>
    %get3A_728 = arith.constant 9 : i32
    %get3A_729 = arith.index_cast %get3A_728 : i32 to index
    %get3A_730 = arith.constant 112 : index
    %get3A_731 = tpu.vector_load %arg9[%get3A_729, %get3A_730] {strides = array<i32>} : memref<16x128xf32, #tpu.memory_space<vmem>>, vector<16xf32>,
    %add3A_732 = arith.addf %add3A_727, %get3A_731 : vector<16xf32>
    %get3A_733 = arith.constant 10 : i32
    %get3A_734 = arith.index_cast %get3A_733 : i32 to index
    %get3A_735 = arith.constant 112 : index
    %get3A_736 = tpu.vector_load %arg9[%get3A_734, %get3A_735] {strides = array<i32>} : memref<16x128xf32, #tpu.memory_space<vmem>>, vector<16xf32>,
    %add3A_737 = arith.addf %add3A_732, %get3A_736 : vector<16xf32>
    %get3A_738 = arith.constant 11 : i32
    %get3A_739 = arith.index_cast %get3A_738 : i32 to index
    %get3A_740 = arith.constant 112 : index
    %get3A_741 = tpu.vector_load %arg9[%get3A_739, %get3A_740] {strides = array<i32>} : memref<16x128xf32, #tpu.memory_space<vmem>>, vector<16xf32>,
    %add3A_742 = arith.addf %add3A_737, %get3A_741 : vector<16xf32>
    %get3A_743 = arith.constant 12 : i32
    %get3A_744 = arith.index_cast %get3A_743 : i32 to index
    %get3A_745 = arith.constant 112 : index
    %get3A_746 = tpu.vector_load %arg9[%get3A_744, %get3A_745] {strides = array<i32>} : memref<16x128xf32, #tpu.memory_space<vmem>>, vector<16xf32>,
    %add3A_747 = arith.addf %add3A_742, %get3A_746 : vector<16xf32>
    %get3A_748 = arith.constant 13 : i32
    %get3A_749 = arith.index_cast %get3A_748 : i32 to index
    %get3A_750 = arith.constant 112 : index
    %get3A_751 = tpu.vector_load %arg9[%get3A_749, %get3A_750] {strides = array<i32>} : memref<16x128xf32, #tpu.memory_space<vmem>>, vector<16xf32>,
    %add3A_752 = arith.addf %add3A_747, %get3A_751 : vector<16xf32>
    %get3A_753 = arith.constant 14 : i32
    %get3A_754 = arith.index_cast %get3A_753 : i32 to index
    %get3A_755 = arith.constant 112 : index
    %get3A_756 = tpu.vector_load %arg9[%get3A_754, %get3A_755] {strides = array<i32>} : memref<16x128xf32, #tpu.memory_space<vmem>>, vector<16xf32>,
    %add3A_757 = arith.addf %add3A_752, %get3A_756 : vector<16xf32>
    %get3A_758 = arith.constant 15 : i32
    %get3A_759 = arith.index_cast %get3A_758 : i32 to index
    %get3A_760 = arith.constant 112 : index
    %get3A_761 = tpu.vector_load %arg9[%get3A_759, %get3A_760] {strides = array<i32>} : memref<16x128xf32, #tpu.memory_space<vmem>>, vector<16xf32>,
    %add3A_762 = arith.addf %add3A_757, %get3A_761 : vector<16xf32>
    %broadcast_in_dim3A_763 = arith.constant 1.000000e+00 : f32
    %broadcast_in_dim3A_764 = vector.broadcast %broadcast_in_dim3A_763 : f32 to vector<16xf32>
    %broadcast_in_dim3A_765 = arith.constant 1.000000e+00 : f32
    %broadcast_in_dim3A_766 = vector.broadcast %broadcast_in_dim3A_765 : f32 to vector<16xf32>
    %max3A_767 = arith.maximumf %add3A_762, %broadcast_in_dim3A_766 : vector<16xf32>
    %div3A_768 = arith.divf %broadcast_in_dim3A_764, %max3A_767 : vector<16xf32>
    %swap3A_769 = arith.constant 112 : index
    %swap3A_770 = tpu.vector_load %arg10[%swap3A_769] {strides = array<i32>} : memref<128xf32, #tpu.memory_space<vmem>>, vector<16xf32>,
    tpu.vector_store %arg10[%swap3A_769], %div3A_768 {strides = array<i32>} : memref<128xf32, #tpu.memory_space<vmem>>, vector<16xf32>,
    "tpu.region"() ({
      %run_scoped3A_771 = tpu.sem_alloc : memref<!tpu.dma_semaphore, #tpu.memory_space<semaphore_mem>>
      %dma_start3A_772 = tpu.memref_slice %arg4[%mul3A_2] : memref<2048xf32, #tpu.memory_space<hbm>> -> memref<128xf32, #tpu.memory_space<hbm>>
      %dma_start3A_773 = tpu.memref_slice %arg4[%mul3A_2] : memref<2048xf32, #tpu.memory_space<hbm>> -> memref<128xf32, #tpu.memory_space<hbm>>
      tpu.enqueue_dma source(%arg10 : memref<128xf32, #tpu.memory_space<vmem>>) target(%dma_start3A_773 : memref<128xf32, #tpu.memory_space<hbm>>) target_semaphore(%run_scoped3A_771 : memref<!tpu.dma_semaphore, #tpu.memory_space<semaphore_mem>>)
      %dma_wait3A_774 = tpu.memref_slice %arg4[%mul3A_2] : memref<2048xf32, #tpu.memory_space<hbm>> -> memref<128xf32, #tpu.memory_space<hbm>>
      %dma_wait3A_775 = tpu.memref_slice %arg4[%mul3A_2] : memref<2048xf32, #tpu.memory_space<hbm>> -> memref<128xf32, #tpu.memory_space<hbm>>
      tpu.wait_dma2 semaphore(%run_scoped3A_771 : memref<!tpu.dma_semaphore, #tpu.memory_space<semaphore_mem>>) src(%arg10 : memref<128xf32, #tpu.memory_space<vmem>>) dst(%dma_wait3A_775 : memref<128xf32, #tpu.memory_space<hbm>>)
      tpu.yield
    }) : () -> ()
    return
  }
}

#map = affine_map<(d0, d1) -> (0)>
module attributes {stable_mosaic.version = 14 : i64} {
  func.func @_sc_conserve_body(%arg0: i32, %arg1: i32, %arg2: memref<100000xi32, #tpu.memory_space<hbm>>, %arg3: memref<100000xf32, #tpu.memory_space<hbm>>, %arg4: memref<2048xf32, #tpu.memory_space<hbm>>, %arg5: memref<100000xf32, #tpu.memory_space<hbm>>, %arg6: memref<6400xi32, #tpu.memory_space<vmem>>, %arg7: memref<6400xf32, #tpu.memory_space<vmem>>, %arg8: memref<6400xf32, #tpu.memory_space<vmem>>, %arg9: memref<6400xi32, #tpu.memory_space<vmem>>, %arg10: memref<2048xf32, #tpu.memory_space<vmem>>, %arg11: memref<16x128xf32, #tpu.memory_space<vmem>>, %arg12: memref<128xf32, #tpu.memory_space<vmem>>, %arg13: memref<128xf32, #tpu.memory_space<vmem>>, %arg14: memref<32768xf32, #tpu.memory_space<vmem_shared>>, %arg15: memref<2048xf32, #tpu.memory_space<vmem_shared>>, %arg16: memref<!tpu.dma_semaphore, #tpu.memory_space<semaphore_mem>>, %arg17: memref<!tpu.dma_semaphore, #tpu.memory_space<semaphore_mem>>) attributes {dimension_semantics = [#tpu.dimension_semantics<core_parallel>, #tpu.dimension_semantics<subcore_parallel>], iteration_bounds = array<i64: 1, 16>, scalar_prefetch = 0 : i64, scratch_operands = 12 : i64, tpu.core_type = #tpu.core_type<sc_vector_subcore>, window_params = [{transform_indices = #map}, {transform_indices = #map}, {transform_indices = #map}, {transform_indices = #map}]} {
    %mul3A = arith.constant 6400 : i32
    %mul3A_0 = arith.muli %arg1, %mul3A : i32
    %mul3A_1 = arith.constant 128 : i32
    %mul3A_2 = arith.muli %arg1, %mul3A_1 : i32
    %eq3A = arith.constant 15 : i32
    %eq3A_3 = arith.cmpi eq, %arg1, %eq3A : i32
    %not3A = arith.constant true
    %not3A_4 = arith.xori %eq3A_3, %not3A : i1
    %convert_element_type3A = arith.extui %not3A_4 : i1 to i32
    %cond3A = arith.constant 0 : i32
    %cond3A_5 = arith.cmpi ne, %convert_element_type3A, %cond3A : i32
    scf.if %cond3A_5 {
      %dma_start3A = tpu.memref_slice %arg2[%mul3A_0] : memref<100000xi32, #tpu.memory_space<hbm>> -> memref<6400xi32, #tpu.memory_space<hbm>>
      %dma_start3A_786 = tpu.memref_slice %arg2[%mul3A_0] : memref<100000xi32, #tpu.memory_space<hbm>> -> memref<6400xi32, #tpu.memory_space<hbm>>
      tpu.enqueue_dma source(%dma_start3A_786 : memref<6400xi32, #tpu.memory_space<hbm>>) target(%arg6 : memref<6400xi32, #tpu.memory_space<vmem>>) target_semaphore(%arg16 : memref<!tpu.dma_semaphore, #tpu.memory_space<semaphore_mem>>)
      %dma_start3A_787 = tpu.memref_slice %arg3[%mul3A_0] : memref<100000xf32, #tpu.memory_space<hbm>> -> memref<6400xf32, #tpu.memory_space<hbm>>
      %dma_start3A_788 = tpu.memref_slice %arg3[%mul3A_0] : memref<100000xf32, #tpu.memory_space<hbm>> -> memref<6400xf32, #tpu.memory_space<hbm>>
      tpu.enqueue_dma source(%dma_start3A_788 : memref<6400xf32, #tpu.memory_space<hbm>>) target(%arg7 : memref<6400xf32, #tpu.memory_space<vmem>>) target_semaphore(%arg17 : memref<!tpu.dma_semaphore, #tpu.memory_space<semaphore_mem>>)
    } else {
    }
    %convert_element_type3A_6 = arith.extui %eq3A_3 : i1 to i32
    %cond3A_7 = arith.constant 0 : i32
    %cond3A_8 = arith.cmpi ne, %convert_element_type3A_6, %cond3A_7 : i32
    scf.if %cond3A_8 {
      %dma_start3A = arith.constant 0 : i32
      %dma_start3A_786 = tpu.memref_slice %arg6[%dma_start3A] : memref<6400xi32, #tpu.memory_space<vmem>> -> memref<4000xi32, #tpu.memory_space<vmem>>
      %dma_start3A_787 = tpu.memref_slice %arg2[%mul3A_0] : memref<100000xi32, #tpu.memory_space<hbm>> -> memref<4000xi32, #tpu.memory_space<hbm>>
      %dma_start3A_788 = arith.constant 0 : i32
      %dma_start3A_789 = tpu.memref_slice %arg6[%dma_start3A_788] : memref<6400xi32, #tpu.memory_space<vmem>> -> memref<4000xi32, #tpu.memory_space<vmem>>
      %dma_start3A_790 = tpu.memref_slice %arg2[%mul3A_0] : memref<100000xi32, #tpu.memory_space<hbm>> -> memref<4000xi32, #tpu.memory_space<hbm>>
      tpu.enqueue_dma source(%dma_start3A_790 : memref<4000xi32, #tpu.memory_space<hbm>>) target(%dma_start3A_789 : memref<4000xi32, #tpu.memory_space<vmem>>) target_semaphore(%arg16 : memref<!tpu.dma_semaphore, #tpu.memory_space<semaphore_mem>>)
      %dma_start3A_791 = arith.constant 0 : i32
      %dma_start3A_792 = tpu.memref_slice %arg7[%dma_start3A_791] : memref<6400xf32, #tpu.memory_space<vmem>> -> memref<4000xf32, #tpu.memory_space<vmem>>
      %dma_start3A_793 = tpu.memref_slice %arg3[%mul3A_0] : memref<100000xf32, #tpu.memory_space<hbm>> -> memref<4000xf32, #tpu.memory_space<hbm>>
      %dma_start3A_794 = arith.constant 0 : i32
      %dma_start3A_795 = tpu.memref_slice %arg7[%dma_start3A_794] : memref<6400xf32, #tpu.memory_space<vmem>> -> memref<4000xf32, #tpu.memory_space<vmem>>
      %dma_start3A_796 = tpu.memref_slice %arg3[%mul3A_0] : memref<100000xf32, #tpu.memory_space<hbm>> -> memref<4000xf32, #tpu.memory_space<hbm>>
      tpu.enqueue_dma source(%dma_start3A_796 : memref<4000xf32, #tpu.memory_space<hbm>>) target(%dma_start3A_795 : memref<4000xf32, #tpu.memory_space<vmem>>) target_semaphore(%arg17 : memref<!tpu.dma_semaphore, #tpu.memory_space<semaphore_mem>>)
    } else {
    }
    %scan3A = arith.constant 0 : i32
    %scan3A_9 = arith.constant 0 : i32
    %scan3A_10 = arith.constant 128 : i32
    %scan3A_11 = arith.addi %scan3A_9, %scan3A_10 : i32
    %scan3A_12 = arith.constant 1 : i32
    %scan3A_13 = scf.for %scan3A_786 = %scan3A_9 to %scan3A_11 step %scan3A_12 iter_args(%scan3A_787 = %scan3A) -> (i32)  : i32 {
      %broadcast_in_dim3A_788 = arith.constant 0.000000e+00 : f32
      %broadcast_in_dim3A_789 = vector.broadcast %broadcast_in_dim3A_788 : f32 to vector<16xf32>
      %mul3A_790 = arith.constant 16 : i32
      %mul3A_791 = arith.muli %scan3A_786, %mul3A_790 : i32
      %swap3A_792 = arith.index_cast %mul3A_791 : i32 to index
      %swap3A_793 = tpu.vector_load %arg10[%swap3A_792] {strides = array<i32>} : memref<2048xf32, #tpu.memory_space<vmem>>, vector<16xf32>,
      tpu.vector_store %arg10[%swap3A_792], %broadcast_in_dim3A_789 {strides = array<i32>} : memref<2048xf32, #tpu.memory_space<vmem>>, vector<16xf32>,
      %scan3A_794 = arith.constant 0 : i32
      scf.yield %scan3A_794 : i32
    }
    %scan3A_14 = arith.constant 128 : i32
    "tpu.region"() ({
      %run_scoped3A_786 = tpu.sem_alloc : memref<!tpu.dma_semaphore, #tpu.memory_space<semaphore_mem>>
      %dma_start3A = tpu.memref_slice %arg4[%mul3A_2] : memref<2048xf32, #tpu.memory_space<hbm>> -> memref<128xf32, #tpu.memory_space<hbm>>
      %dma_start3A_787 = tpu.memref_slice %arg4[%mul3A_2] : memref<2048xf32, #tpu.memory_space<hbm>> -> memref<128xf32, #tpu.memory_space<hbm>>
      tpu.enqueue_dma source(%dma_start3A_787 : memref<128xf32, #tpu.memory_space<hbm>>) target(%arg13 : memref<128xf32, #tpu.memory_space<vmem>>) target_semaphore(%run_scoped3A_786 : memref<!tpu.dma_semaphore, #tpu.memory_space<semaphore_mem>>)
      %dma_wait3A = tpu.memref_slice %arg4[%mul3A_2] : memref<2048xf32, #tpu.memory_space<hbm>> -> memref<128xf32, #tpu.memory_space<hbm>>
      %dma_wait3A_788 = tpu.memref_slice %arg4[%mul3A_2] : memref<2048xf32, #tpu.memory_space<hbm>> -> memref<128xf32, #tpu.memory_space<hbm>>
      tpu.wait_dma2 semaphore(%run_scoped3A_786 : memref<!tpu.dma_semaphore, #tpu.memory_space<semaphore_mem>>) src(%dma_wait3A_788 : memref<128xf32, #tpu.memory_space<hbm>>) dst(%arg13 : memref<128xf32, #tpu.memory_space<vmem>>)
      tpu.yield
    }) : () -> ()
    %not3A_15 = arith.constant true
    %not3A_16 = arith.xori %eq3A_3, %not3A_15 : i1
    %convert_element_type3A_17 = arith.extui %not3A_16 : i1 to i32
    %cond3A_18 = arith.constant 0 : i32
    %cond3A_19 = arith.cmpi ne, %convert_element_type3A_17, %cond3A_18 : i32
    scf.if %cond3A_19 {
      %dma_wait3A = tpu.memref_slice %arg2[%mul3A_0] : memref<100000xi32, #tpu.memory_space<hbm>> -> memref<6400xi32, #tpu.memory_space<hbm>>
      %dma_wait3A_786 = tpu.memref_slice %arg2[%mul3A_0] : memref<100000xi32, #tpu.memory_space<hbm>> -> memref<6400xi32, #tpu.memory_space<hbm>>
      tpu.wait_dma2 semaphore(%arg16 : memref<!tpu.dma_semaphore, #tpu.memory_space<semaphore_mem>>) src(%dma_wait3A_786 : memref<6400xi32, #tpu.memory_space<hbm>>) dst(%arg6 : memref<6400xi32, #tpu.memory_space<vmem>>)
      %dma_wait3A_787 = tpu.memref_slice %arg3[%mul3A_0] : memref<100000xf32, #tpu.memory_space<hbm>> -> memref<6400xf32, #tpu.memory_space<hbm>>
      %dma_wait3A_788 = tpu.memref_slice %arg3[%mul3A_0] : memref<100000xf32, #tpu.memory_space<hbm>> -> memref<6400xf32, #tpu.memory_space<hbm>>
      tpu.wait_dma2 semaphore(%arg17 : memref<!tpu.dma_semaphore, #tpu.memory_space<semaphore_mem>>) src(%dma_wait3A_788 : memref<6400xf32, #tpu.memory_space<hbm>>) dst(%arg7 : memref<6400xf32, #tpu.memory_space<vmem>>)
    } else {
    }
    %convert_element_type3A_20 = arith.extui %eq3A_3 : i1 to i32
    %cond3A_21 = arith.constant 0 : i32
    %cond3A_22 = arith.cmpi ne, %convert_element_type3A_20, %cond3A_21 : i32
    scf.if %cond3A_22 {
      %dma_wait3A = arith.constant 0 : i32
      %dma_wait3A_786 = tpu.memref_slice %arg6[%dma_wait3A] : memref<6400xi32, #tpu.memory_space<vmem>> -> memref<4000xi32, #tpu.memory_space<vmem>>
      %dma_wait3A_787 = tpu.memref_slice %arg2[%mul3A_0] : memref<100000xi32, #tpu.memory_space<hbm>> -> memref<4000xi32, #tpu.memory_space<hbm>>
      %dma_wait3A_788 = arith.constant 0 : i32
      %dma_wait3A_789 = tpu.memref_slice %arg6[%dma_wait3A_788] : memref<6400xi32, #tpu.memory_space<vmem>> -> memref<4000xi32, #tpu.memory_space<vmem>>
      %dma_wait3A_790 = tpu.memref_slice %arg2[%mul3A_0] : memref<100000xi32, #tpu.memory_space<hbm>> -> memref<4000xi32, #tpu.memory_space<hbm>>
      tpu.wait_dma2 semaphore(%arg16 : memref<!tpu.dma_semaphore, #tpu.memory_space<semaphore_mem>>) src(%dma_wait3A_790 : memref<4000xi32, #tpu.memory_space<hbm>>) dst(%dma_wait3A_789 : memref<4000xi32, #tpu.memory_space<vmem>>)
      %dma_wait3A_791 = arith.constant 0 : i32
      %dma_wait3A_792 = tpu.memref_slice %arg7[%dma_wait3A_791] : memref<6400xf32, #tpu.memory_space<vmem>> -> memref<4000xf32, #tpu.memory_space<vmem>>
      %dma_wait3A_793 = tpu.memref_slice %arg3[%mul3A_0] : memref<100000xf32, #tpu.memory_space<hbm>> -> memref<4000xf32, #tpu.memory_space<hbm>>
      %dma_wait3A_794 = arith.constant 0 : i32
      %dma_wait3A_795 = tpu.memref_slice %arg7[%dma_wait3A_794] : memref<6400xf32, #tpu.memory_space<vmem>> -> memref<4000xf32, #tpu.memory_space<vmem>>
      %dma_wait3A_796 = tpu.memref_slice %arg3[%mul3A_0] : memref<100000xf32, #tpu.memory_space<hbm>> -> memref<4000xf32, #tpu.memory_space<hbm>>
      tpu.wait_dma2 semaphore(%arg17 : memref<!tpu.dma_semaphore, #tpu.memory_space<semaphore_mem>>) src(%dma_wait3A_796 : memref<4000xf32, #tpu.memory_space<hbm>>) dst(%dma_wait3A_795 : memref<4000xf32, #tpu.memory_space<vmem>>)
      %scan3A_797 = arith.constant 0 : i32
      %scan3A_798 = arith.constant 0 : i32
      %scan3A_799 = arith.constant 150 : i32
      %scan3A_800 = arith.addi %scan3A_798, %scan3A_799 : i32
      %scan3A_801 = arith.constant 1 : i32
      %scan3A_802 = scf.for %scan3A_804 = %scan3A_798 to %scan3A_800 step %scan3A_801 iter_args(%scan3A_805 = %scan3A_797) -> (i32)  : i32 {
        %mul3A_806 = arith.constant 16 : i32
        %mul3A_807 = arith.muli %scan3A_804, %mul3A_806 : i32
        %add3A_808 = arith.constant 4000 : i32
        %add3A_809 = arith.addi %add3A_808, %mul3A_807 : i32
        %broadcast_in_dim3A_810 = arith.constant 0 : i32
        %broadcast_in_dim3A_811 = vector.broadcast %broadcast_in_dim3A_810 : i32 to vector<16xi32>
        %swap3A_812 = arith.index_cast %add3A_809 : i32 to index
        %swap3A_813 = tpu.vector_load %arg6[%swap3A_812] {strides = array<i32>} : memref<6400xi32, #tpu.memory_space<vmem>>, vector<16xi32>,
        tpu.vector_store %arg6[%swap3A_812], %broadcast_in_dim3A_811 {strides = array<i32>} : memref<6400xi32, #tpu.memory_space<vmem>>, vector<16xi32>,
        %broadcast_in_dim3A_814 = arith.constant 0.000000e+00 : f32
        %broadcast_in_dim3A_815 = vector.broadcast %broadcast_in_dim3A_814 : f32 to vector<16xf32>
        %swap3A_816 = arith.index_cast %add3A_809 : i32 to index
        %swap3A_817 = tpu.vector_load %arg7[%swap3A_816] {strides = array<i32>} : memref<6400xf32, #tpu.memory_space<vmem>>, vector<16xf32>,
        tpu.vector_store %arg7[%swap3A_816], %broadcast_in_dim3A_815 {strides = array<i32>} : memref<6400xf32, #tpu.memory_space<vmem>>, vector<16xf32>,
        %scan3A_818 = arith.constant 0 : i32
        scf.yield %scan3A_818 : i32
      }
      %scan3A_803 = arith.constant 150 : i32
    } else {
    }
    %mul3A_23 = arith.constant 2048 : i32
    %mul3A_24 = arith.muli %arg1, %mul3A_23 : i32
    "tpu.region"() ({
      %run_scoped3A_786 = tpu.sem_alloc : memref<!tpu.dma_semaphore, #tpu.memory_space<semaphore_mem>>
      %dma_start3A = tpu.memref_slice %arg14[%mul3A_24] : memref<32768xf32, #tpu.memory_space<vmem_shared>> -> memref<2048xf32, #tpu.memory_space<vmem_shared>>
      %dma_start3A_787 = tpu.memref_slice %arg14[%mul3A_24] : memref<32768xf32, #tpu.memory_space<vmem_shared>> -> memref<2048xf32, #tpu.memory_space<vmem_shared>>
      tpu.enqueue_dma source(%arg10 : memref<2048xf32, #tpu.memory_space<vmem>>) target(%dma_start3A_787 : memref<2048xf32, #tpu.memory_space<vmem_shared>>) target_semaphore(%run_scoped3A_786 : memref<!tpu.dma_semaphore, #tpu.memory_space<semaphore_mem>>)
      %dma_wait3A = tpu.memref_slice %arg14[%mul3A_24] : memref<32768xf32, #tpu.memory_space<vmem_shared>> -> memref<2048xf32, #tpu.memory_space<vmem_shared>>
      %dma_wait3A_788 = tpu.memref_slice %arg14[%mul3A_24] : memref<32768xf32, #tpu.memory_space<vmem_shared>> -> memref<2048xf32, #tpu.memory_space<vmem_shared>>
      tpu.wait_dma2 semaphore(%run_scoped3A_786 : memref<!tpu.dma_semaphore, #tpu.memory_space<semaphore_mem>>) src(%arg10 : memref<2048xf32, #tpu.memory_space<vmem>>) dst(%dma_wait3A_788 : memref<2048xf32, #tpu.memory_space<vmem_shared>>)
      tpu.yield
    }) : () -> ()
    %scan3A_25 = arith.constant 0 : i32
    %scan3A_26 = arith.constant 0 : i32
    %scan3A_27 = arith.constant 400 : i32
    %scan3A_28 = arith.addi %scan3A_26, %scan3A_27 : i32
    %scan3A_29 = arith.constant 1 : i32
    %scan3A_30 = scf.for %scan3A_786 = %scan3A_26 to %scan3A_28 step %scan3A_29 iter_args(%scan3A_787 = %scan3A_25) -> (i32)  : i32 {
      %mul3A_788 = arith.constant 16 : i32
      %mul3A_789 = arith.muli %scan3A_786, %mul3A_788 : i32
      %get3A_790 = arith.index_cast %mul3A_789 : i32 to index
      %get3A_791 = tpu.vector_load %arg6[%get3A_790] {strides = array<i32>} : memref<6400xi32, #tpu.memory_space<vmem>>, vector<16xi32>,
      %mul3A_792 = arith.constant 2048 : i32
      %mul3A_793 = arith.muli %arg1, %mul3A_792 : i32
      %add3A_794 = vector.broadcast %mul3A_793 : i32 to vector<16xi32>
      %add3A_795 = arith.addi %get3A_791, %add3A_794 : vector<16xi32>
      %swap3A_796 = arith.index_cast %mul3A_789 : i32 to index
      %swap3A_797 = tpu.vector_load %arg9[%swap3A_796] {strides = array<i32>} : memref<6400xi32, #tpu.memory_space<vmem>>, vector<16xi32>,
      tpu.vector_store %arg9[%swap3A_796], %add3A_795 {strides = array<i32>} : memref<6400xi32, #tpu.memory_space<vmem>>, vector<16xi32>,
      %scan3A_798 = arith.constant 0 : i32
      scf.yield %scan3A_798 : i32
    }
    %scan3A_31 = arith.constant 400 : i32
    "tpu.region"() ({
      %run_scoped3A_786 = tpu.sem_alloc : memref<!tpu.dma_semaphore, #tpu.memory_space<semaphore_mem>>
      %dma_start3A = arith.constant 0 : i32
      %dma_start3A_787 = tpu.memref_slice %arg14[%dma_start3A] : memref<32768xf32, #tpu.memory_space<vmem_shared>> -> memref<32768xf32, #tpu.memory_space<vmem_shared>>
      tpu.enqueue_indirect_dma source(%arg7 : memref<6400xf32, #tpu.memory_space<vmem>>) target(%dma_start3A_787 : memref<32768xf32, #tpu.memory_space<vmem_shared>>) offsets(%arg9 : memref<6400xi32, #tpu.memory_space<vmem>>) semaphore(%run_scoped3A_786 : memref<!tpu.dma_semaphore, #tpu.memory_space<semaphore_mem>>) {add = true}
      %dma_wait3A = arith.constant 0 : i32
      %dma_wait3A_788 = tpu.memref_slice %arg14[%dma_wait3A] : memref<32768xf32, #tpu.memory_space<vmem_shared>> -> memref<32768xf32, #tpu.memory_space<vmem_shared>>
      tpu.wait_indirect_dma semaphore(%run_scoped3A_786 : memref<!tpu.dma_semaphore, #tpu.memory_space<semaphore_mem>>) src(%arg7 : memref<6400xf32, #tpu.memory_space<vmem>>) dst(%dma_wait3A_788 : memref<32768xf32, #tpu.memory_space<vmem_shared>>)
      tpu.yield
    }) : () -> ()
    %barrier3A = arith.constant 0 : index
    tpu.barrier barrier_id(%barrier3A)
    %add3A = arith.constant 0 : i32
    %add3A_32 = arith.addi %add3A, %mul3A_2 : i32
    %run_scoped3A = arith.constant 0 : i32
    "tpu.region"() ({
      %run_scoped3A_786 = tpu.sem_alloc : memref<!tpu.dma_semaphore, #tpu.memory_space<semaphore_mem>>
      %dma_start3A = arith.constant 0 : i32
      %dma_start3A_787 = tpu.memref_slice %arg11[%run_scoped3A, %dma_start3A] : memref<16x128xf32, #tpu.memory_space<vmem>> -> memref<1x128xf32, #tpu.memory_space<vmem>>
      %dma_start3A_788 = tpu.memref_squeeze %dma_start3A_787 : memref<1x128xf32, #tpu.memory_space<vmem>> -> memref<128xf32, #tpu.memory_space<vmem>>
      %dma_start3A_789 = tpu.memref_slice %arg14[%add3A_32] : memref<32768xf32, #tpu.memory_space<vmem_shared>> -> memref<128xf32, #tpu.memory_space<vmem_shared>>
      %dma_start3A_790 = arith.constant 0 : i32
      %dma_start3A_791 = tpu.memref_slice %arg11[%run_scoped3A, %dma_start3A_790] : memref<16x128xf32, #tpu.memory_space<vmem>> -> memref<1x128xf32, #tpu.memory_space<vmem>>
      %dma_start3A_792 = tpu.memref_squeeze %dma_start3A_791 : memref<1x128xf32, #tpu.memory_space<vmem>> -> memref<128xf32, #tpu.memory_space<vmem>>
      %dma_start3A_793 = tpu.memref_slice %arg14[%add3A_32] : memref<32768xf32, #tpu.memory_space<vmem_shared>> -> memref<128xf32, #tpu.memory_space<vmem_shared>>
      tpu.enqueue_dma source(%dma_start3A_793 : memref<128xf32, #tpu.memory_space<vmem_shared>>) target(%dma_start3A_792 : memref<128xf32, #tpu.memory_space<vmem>>) target_semaphore(%run_scoped3A_786 : memref<!tpu.dma_semaphore, #tpu.memory_space<semaphore_mem>>)
      %dma_wait3A = arith.constant 0 : i32
      %dma_wait3A_794 = tpu.memref_slice %arg11[%run_scoped3A, %dma_wait3A] : memref<16x128xf32, #tpu.memory_space<vmem>> -> memref<1x128xf32, #tpu.memory_space<vmem>>
      %dma_wait3A_795 = tpu.memref_squeeze %dma_wait3A_794 : memref<1x128xf32, #tpu.memory_space<vmem>> -> memref<128xf32, #tpu.memory_space<vmem>>
      %dma_wait3A_796 = tpu.memref_slice %arg14[%add3A_32] : memref<32768xf32, #tpu.memory_space<vmem_shared>> -> memref<128xf32, #tpu.memory_space<vmem_shared>>
      %dma_wait3A_797 = arith.constant 0 : i32
      %dma_wait3A_798 = tpu.memref_slice %arg11[%run_scoped3A, %dma_wait3A_797] : memref<16x128xf32, #tpu.memory_space<vmem>> -> memref<1x128xf32, #tpu.memory_space<vmem>>
      %dma_wait3A_799 = tpu.memref_squeeze %dma_wait3A_798 : memref<1x128xf32, #tpu.memory_space<vmem>> -> memref<128xf32, #tpu.memory_space<vmem>>
      %dma_wait3A_800 = tpu.memref_slice %arg14[%add3A_32] : memref<32768xf32, #tpu.memory_space<vmem_shared>> -> memref<128xf32, #tpu.memory_space<vmem_shared>>
      tpu.wait_dma2 semaphore(%run_scoped3A_786 : memref<!tpu.dma_semaphore, #tpu.memory_space<semaphore_mem>>) src(%dma_wait3A_800 : memref<128xf32, #tpu.memory_space<vmem_shared>>) dst(%dma_wait3A_799 : memref<128xf32, #tpu.memory_space<vmem>>)
      tpu.yield
    }) : () -> ()
    %add3A_33 = arith.constant 2048 : i32
    %add3A_34 = arith.addi %add3A_33, %mul3A_2 : i32
    %run_scoped3A_35 = arith.constant 1 : i32
    "tpu.region"() ({
      %run_scoped3A_786 = tpu.sem_alloc : memref<!tpu.dma_semaphore, #tpu.memory_space<semaphore_mem>>
      %dma_start3A = arith.constant 0 : i32
      %dma_start3A_787 = tpu.memref_slice %arg11[%run_scoped3A_35, %dma_start3A] : memref<16x128xf32, #tpu.memory_space<vmem>> -> memref<1x128xf32, #tpu.memory_space<vmem>>
      %dma_start3A_788 = tpu.memref_squeeze %dma_start3A_787 : memref<1x128xf32, #tpu.memory_space<vmem>> -> memref<128xf32, #tpu.memory_space<vmem>>
      %dma_start3A_789 = tpu.memref_slice %arg14[%add3A_34] : memref<32768xf32, #tpu.memory_space<vmem_shared>> -> memref<128xf32, #tpu.memory_space<vmem_shared>>
      %dma_start3A_790 = arith.constant 0 : i32
      %dma_start3A_791 = tpu.memref_slice %arg11[%run_scoped3A_35, %dma_start3A_790] : memref<16x128xf32, #tpu.memory_space<vmem>> -> memref<1x128xf32, #tpu.memory_space<vmem>>
      %dma_start3A_792 = tpu.memref_squeeze %dma_start3A_791 : memref<1x128xf32, #tpu.memory_space<vmem>> -> memref<128xf32, #tpu.memory_space<vmem>>
      %dma_start3A_793 = tpu.memref_slice %arg14[%add3A_34] : memref<32768xf32, #tpu.memory_space<vmem_shared>> -> memref<128xf32, #tpu.memory_space<vmem_shared>>
      tpu.enqueue_dma source(%dma_start3A_793 : memref<128xf32, #tpu.memory_space<vmem_shared>>) target(%dma_start3A_792 : memref<128xf32, #tpu.memory_space<vmem>>) target_semaphore(%run_scoped3A_786 : memref<!tpu.dma_semaphore, #tpu.memory_space<semaphore_mem>>)
      %dma_wait3A = arith.constant 0 : i32
      %dma_wait3A_794 = tpu.memref_slice %arg11[%run_scoped3A_35, %dma_wait3A] : memref<16x128xf32, #tpu.memory_space<vmem>> -> memref<1x128xf32, #tpu.memory_space<vmem>>
      %dma_wait3A_795 = tpu.memref_squeeze %dma_wait3A_794 : memref<1x128xf32, #tpu.memory_space<vmem>> -> memref<128xf32, #tpu.memory_space<vmem>>
      %dma_wait3A_796 = tpu.memref_slice %arg14[%add3A_34] : memref<32768xf32, #tpu.memory_space<vmem_shared>> -> memref<128xf32, #tpu.memory_space<vmem_shared>>
      %dma_wait3A_797 = arith.constant 0 : i32
      %dma_wait3A_798 = tpu.memref_slice %arg11[%run_scoped3A_35, %dma_wait3A_797] : memref<16x128xf32, #tpu.memory_space<vmem>> -> memref<1x128xf32, #tpu.memory_space<vmem>>
      %dma_wait3A_799 = tpu.memref_squeeze %dma_wait3A_798 : memref<1x128xf32, #tpu.memory_space<vmem>> -> memref<128xf32, #tpu.memory_space<vmem>>
      %dma_wait3A_800 = tpu.memref_slice %arg14[%add3A_34] : memref<32768xf32, #tpu.memory_space<vmem_shared>> -> memref<128xf32, #tpu.memory_space<vmem_shared>>
      tpu.wait_dma2 semaphore(%run_scoped3A_786 : memref<!tpu.dma_semaphore, #tpu.memory_space<semaphore_mem>>) src(%dma_wait3A_800 : memref<128xf32, #tpu.memory_space<vmem_shared>>) dst(%dma_wait3A_799 : memref<128xf32, #tpu.memory_space<vmem>>)
      tpu.yield
    }) : () -> ()
    %add3A_36 = arith.constant 4096 : i32
    %add3A_37 = arith.addi %add3A_36, %mul3A_2 : i32
    %run_scoped3A_38 = arith.constant 2 : i32
    "tpu.region"() ({
      %run_scoped3A_786 = tpu.sem_alloc : memref<!tpu.dma_semaphore, #tpu.memory_space<semaphore_mem>>
      %dma_start3A = arith.constant 0 : i32
      %dma_start3A_787 = tpu.memref_slice %arg11[%run_scoped3A_38, %dma_start3A] : memref<16x128xf32, #tpu.memory_space<vmem>> -> memref<1x128xf32, #tpu.memory_space<vmem>>
      %dma_start3A_788 = tpu.memref_squeeze %dma_start3A_787 : memref<1x128xf32, #tpu.memory_space<vmem>> -> memref<128xf32, #tpu.memory_space<vmem>>
      %dma_start3A_789 = tpu.memref_slice %arg14[%add3A_37] : memref<32768xf32, #tpu.memory_space<vmem_shared>> -> memref<128xf32, #tpu.memory_space<vmem_shared>>
      %dma_start3A_790 = arith.constant 0 : i32
      %dma_start3A_791 = tpu.memref_slice %arg11[%run_scoped3A_38, %dma_start3A_790] : memref<16x128xf32, #tpu.memory_space<vmem>> -> memref<1x128xf32, #tpu.memory_space<vmem>>
      %dma_start3A_792 = tpu.memref_squeeze %dma_start3A_791 : memref<1x128xf32, #tpu.memory_space<vmem>> -> memref<128xf32, #tpu.memory_space<vmem>>
      %dma_start3A_793 = tpu.memref_slice %arg14[%add3A_37] : memref<32768xf32, #tpu.memory_space<vmem_shared>> -> memref<128xf32, #tpu.memory_space<vmem_shared>>
      tpu.enqueue_dma source(%dma_start3A_793 : memref<128xf32, #tpu.memory_space<vmem_shared>>) target(%dma_start3A_792 : memref<128xf32, #tpu.memory_space<vmem>>) target_semaphore(%run_scoped3A_786 : memref<!tpu.dma_semaphore, #tpu.memory_space<semaphore_mem>>)
      %dma_wait3A = arith.constant 0 : i32
      %dma_wait3A_794 = tpu.memref_slice %arg11[%run_scoped3A_38, %dma_wait3A] : memref<16x128xf32, #tpu.memory_space<vmem>> -> memref<1x128xf32, #tpu.memory_space<vmem>>
      %dma_wait3A_795 = tpu.memref_squeeze %dma_wait3A_794 : memref<1x128xf32, #tpu.memory_space<vmem>> -> memref<128xf32, #tpu.memory_space<vmem>>
      %dma_wait3A_796 = tpu.memref_slice %arg14[%add3A_37] : memref<32768xf32, #tpu.memory_space<vmem_shared>> -> memref<128xf32, #tpu.memory_space<vmem_shared>>
      %dma_wait3A_797 = arith.constant 0 : i32
      %dma_wait3A_798 = tpu.memref_slice %arg11[%run_scoped3A_38, %dma_wait3A_797] : memref<16x128xf32, #tpu.memory_space<vmem>> -> memref<1x128xf32, #tpu.memory_space<vmem>>
      %dma_wait3A_799 = tpu.memref_squeeze %dma_wait3A_798 : memref<1x128xf32, #tpu.memory_space<vmem>> -> memref<128xf32, #tpu.memory_space<vmem>>
      %dma_wait3A_800 = tpu.memref_slice %arg14[%add3A_37] : memref<32768xf32, #tpu.memory_space<vmem_shared>> -> memref<128xf32, #tpu.memory_space<vmem_shared>>
      tpu.wait_dma2 semaphore(%run_scoped3A_786 : memref<!tpu.dma_semaphore, #tpu.memory_space<semaphore_mem>>) src(%dma_wait3A_800 : memref<128xf32, #tpu.memory_space<vmem_shared>>) dst(%dma_wait3A_799 : memref<128xf32, #tpu.memory_space<vmem>>)
      tpu.yield
    }) : () -> ()
    %add3A_39 = arith.constant 6144 : i32
    %add3A_40 = arith.addi %add3A_39, %mul3A_2 : i32
    %run_scoped3A_41 = arith.constant 3 : i32
    "tpu.region"() ({
      %run_scoped3A_786 = tpu.sem_alloc : memref<!tpu.dma_semaphore, #tpu.memory_space<semaphore_mem>>
      %dma_start3A = arith.constant 0 : i32
      %dma_start3A_787 = tpu.memref_slice %arg11[%run_scoped3A_41, %dma_start3A] : memref<16x128xf32, #tpu.memory_space<vmem>> -> memref<1x128xf32, #tpu.memory_space<vmem>>
      %dma_start3A_788 = tpu.memref_squeeze %dma_start3A_787 : memref<1x128xf32, #tpu.memory_space<vmem>> -> memref<128xf32, #tpu.memory_space<vmem>>
      %dma_start3A_789 = tpu.memref_slice %arg14[%add3A_40] : memref<32768xf32, #tpu.memory_space<vmem_shared>> -> memref<128xf32, #tpu.memory_space<vmem_shared>>
      %dma_start3A_790 = arith.constant 0 : i32
      %dma_start3A_791 = tpu.memref_slice %arg11[%run_scoped3A_41, %dma_start3A_790] : memref<16x128xf32, #tpu.memory_space<vmem>> -> memref<1x128xf32, #tpu.memory_space<vmem>>
      %dma_start3A_792 = tpu.memref_squeeze %dma_start3A_791 : memref<1x128xf32, #tpu.memory_space<vmem>> -> memref<128xf32, #tpu.memory_space<vmem>>
      %dma_start3A_793 = tpu.memref_slice %arg14[%add3A_40] : memref<32768xf32, #tpu.memory_space<vmem_shared>> -> memref<128xf32, #tpu.memory_space<vmem_shared>>
      tpu.enqueue_dma source(%dma_start3A_793 : memref<128xf32, #tpu.memory_space<vmem_shared>>) target(%dma_start3A_792 : memref<128xf32, #tpu.memory_space<vmem>>) target_semaphore(%run_scoped3A_786 : memref<!tpu.dma_semaphore, #tpu.memory_space<semaphore_mem>>)
      %dma_wait3A = arith.constant 0 : i32
      %dma_wait3A_794 = tpu.memref_slice %arg11[%run_scoped3A_41, %dma_wait3A] : memref<16x128xf32, #tpu.memory_space<vmem>> -> memref<1x128xf32, #tpu.memory_space<vmem>>
      %dma_wait3A_795 = tpu.memref_squeeze %dma_wait3A_794 : memref<1x128xf32, #tpu.memory_space<vmem>> -> memref<128xf32, #tpu.memory_space<vmem>>
      %dma_wait3A_796 = tpu.memref_slice %arg14[%add3A_40] : memref<32768xf32, #tpu.memory_space<vmem_shared>> -> memref<128xf32, #tpu.memory_space<vmem_shared>>
      %dma_wait3A_797 = arith.constant 0 : i32
      %dma_wait3A_798 = tpu.memref_slice %arg11[%run_scoped3A_41, %dma_wait3A_797] : memref<16x128xf32, #tpu.memory_space<vmem>> -> memref<1x128xf32, #tpu.memory_space<vmem>>
      %dma_wait3A_799 = tpu.memref_squeeze %dma_wait3A_798 : memref<1x128xf32, #tpu.memory_space<vmem>> -> memref<128xf32, #tpu.memory_space<vmem>>
      %dma_wait3A_800 = tpu.memref_slice %arg14[%add3A_40] : memref<32768xf32, #tpu.memory_space<vmem_shared>> -> memref<128xf32, #tpu.memory_space<vmem_shared>>
      tpu.wait_dma2 semaphore(%run_scoped3A_786 : memref<!tpu.dma_semaphore, #tpu.memory_space<semaphore_mem>>) src(%dma_wait3A_800 : memref<128xf32, #tpu.memory_space<vmem_shared>>) dst(%dma_wait3A_799 : memref<128xf32, #tpu.memory_space<vmem>>)
      tpu.yield
    }) : () -> ()
    %add3A_42 = arith.constant 8192 : i32
    %add3A_43 = arith.addi %add3A_42, %mul3A_2 : i32
    %run_scoped3A_44 = arith.constant 4 : i32
    "tpu.region"() ({
      %run_scoped3A_786 = tpu.sem_alloc : memref<!tpu.dma_semaphore, #tpu.memory_space<semaphore_mem>>
      %dma_start3A = arith.constant 0 : i32
      %dma_start3A_787 = tpu.memref_slice %arg11[%run_scoped3A_44, %dma_start3A] : memref<16x128xf32, #tpu.memory_space<vmem>> -> memref<1x128xf32, #tpu.memory_space<vmem>>
      %dma_start3A_788 = tpu.memref_squeeze %dma_start3A_787 : memref<1x128xf32, #tpu.memory_space<vmem>> -> memref<128xf32, #tpu.memory_space<vmem>>
      %dma_start3A_789 = tpu.memref_slice %arg14[%add3A_43] : memref<32768xf32, #tpu.memory_space<vmem_shared>> -> memref<128xf32, #tpu.memory_space<vmem_shared>>
      %dma_start3A_790 = arith.constant 0 : i32
      %dma_start3A_791 = tpu.memref_slice %arg11[%run_scoped3A_44, %dma_start3A_790] : memref<16x128xf32, #tpu.memory_space<vmem>> -> memref<1x128xf32, #tpu.memory_space<vmem>>
      %dma_start3A_792 = tpu.memref_squeeze %dma_start3A_791 : memref<1x128xf32, #tpu.memory_space<vmem>> -> memref<128xf32, #tpu.memory_space<vmem>>
      %dma_start3A_793 = tpu.memref_slice %arg14[%add3A_43] : memref<32768xf32, #tpu.memory_space<vmem_shared>> -> memref<128xf32, #tpu.memory_space<vmem_shared>>
      tpu.enqueue_dma source(%dma_start3A_793 : memref<128xf32, #tpu.memory_space<vmem_shared>>) target(%dma_start3A_792 : memref<128xf32, #tpu.memory_space<vmem>>) target_semaphore(%run_scoped3A_786 : memref<!tpu.dma_semaphore, #tpu.memory_space<semaphore_mem>>)
      %dma_wait3A = arith.constant 0 : i32
      %dma_wait3A_794 = tpu.memref_slice %arg11[%run_scoped3A_44, %dma_wait3A] : memref<16x128xf32, #tpu.memory_space<vmem>> -> memref<1x128xf32, #tpu.memory_space<vmem>>
      %dma_wait3A_795 = tpu.memref_squeeze %dma_wait3A_794 : memref<1x128xf32, #tpu.memory_space<vmem>> -> memref<128xf32, #tpu.memory_space<vmem>>
      %dma_wait3A_796 = tpu.memref_slice %arg14[%add3A_43] : memref<32768xf32, #tpu.memory_space<vmem_shared>> -> memref<128xf32, #tpu.memory_space<vmem_shared>>
      %dma_wait3A_797 = arith.constant 0 : i32
      %dma_wait3A_798 = tpu.memref_slice %arg11[%run_scoped3A_44, %dma_wait3A_797] : memref<16x128xf32, #tpu.memory_space<vmem>> -> memref<1x128xf32, #tpu.memory_space<vmem>>
      %dma_wait3A_799 = tpu.memref_squeeze %dma_wait3A_798 : memref<1x128xf32, #tpu.memory_space<vmem>> -> memref<128xf32, #tpu.memory_space<vmem>>
      %dma_wait3A_800 = tpu.memref_slice %arg14[%add3A_43] : memref<32768xf32, #tpu.memory_space<vmem_shared>> -> memref<128xf32, #tpu.memory_space<vmem_shared>>
      tpu.wait_dma2 semaphore(%run_scoped3A_786 : memref<!tpu.dma_semaphore, #tpu.memory_space<semaphore_mem>>) src(%dma_wait3A_800 : memref<128xf32, #tpu.memory_space<vmem_shared>>) dst(%dma_wait3A_799 : memref<128xf32, #tpu.memory_space<vmem>>)
      tpu.yield
    }) : () -> ()
    %add3A_45 = arith.constant 10240 : i32
    %add3A_46 = arith.addi %add3A_45, %mul3A_2 : i32
    %run_scoped3A_47 = arith.constant 5 : i32
    "tpu.region"() ({
      %run_scoped3A_786 = tpu.sem_alloc : memref<!tpu.dma_semaphore, #tpu.memory_space<semaphore_mem>>
      %dma_start3A = arith.constant 0 : i32
      %dma_start3A_787 = tpu.memref_slice %arg11[%run_scoped3A_47, %dma_start3A] : memref<16x128xf32, #tpu.memory_space<vmem>> -> memref<1x128xf32, #tpu.memory_space<vmem>>
      %dma_start3A_788 = tpu.memref_squeeze %dma_start3A_787 : memref<1x128xf32, #tpu.memory_space<vmem>> -> memref<128xf32, #tpu.memory_space<vmem>>
      %dma_start3A_789 = tpu.memref_slice %arg14[%add3A_46] : memref<32768xf32, #tpu.memory_space<vmem_shared>> -> memref<128xf32, #tpu.memory_space<vmem_shared>>
      %dma_start3A_790 = arith.constant 0 : i32
      %dma_start3A_791 = tpu.memref_slice %arg11[%run_scoped3A_47, %dma_start3A_790] : memref<16x128xf32, #tpu.memory_space<vmem>> -> memref<1x128xf32, #tpu.memory_space<vmem>>
      %dma_start3A_792 = tpu.memref_squeeze %dma_start3A_791 : memref<1x128xf32, #tpu.memory_space<vmem>> -> memref<128xf32, #tpu.memory_space<vmem>>
      %dma_start3A_793 = tpu.memref_slice %arg14[%add3A_46] : memref<32768xf32, #tpu.memory_space<vmem_shared>> -> memref<128xf32, #tpu.memory_space<vmem_shared>>
      tpu.enqueue_dma source(%dma_start3A_793 : memref<128xf32, #tpu.memory_space<vmem_shared>>) target(%dma_start3A_792 : memref<128xf32, #tpu.memory_space<vmem>>) target_semaphore(%run_scoped3A_786 : memref<!tpu.dma_semaphore, #tpu.memory_space<semaphore_mem>>)
      %dma_wait3A = arith.constant 0 : i32
      %dma_wait3A_794 = tpu.memref_slice %arg11[%run_scoped3A_47, %dma_wait3A] : memref<16x128xf32, #tpu.memory_space<vmem>> -> memref<1x128xf32, #tpu.memory_space<vmem>>
      %dma_wait3A_795 = tpu.memref_squeeze %dma_wait3A_794 : memref<1x128xf32, #tpu.memory_space<vmem>> -> memref<128xf32, #tpu.memory_space<vmem>>
      %dma_wait3A_796 = tpu.memref_slice %arg14[%add3A_46] : memref<32768xf32, #tpu.memory_space<vmem_shared>> -> memref<128xf32, #tpu.memory_space<vmem_shared>>
      %dma_wait3A_797 = arith.constant 0 : i32
      %dma_wait3A_798 = tpu.memref_slice %arg11[%run_scoped3A_47, %dma_wait3A_797] : memref<16x128xf32, #tpu.memory_space<vmem>> -> memref<1x128xf32, #tpu.memory_space<vmem>>
      %dma_wait3A_799 = tpu.memref_squeeze %dma_wait3A_798 : memref<1x128xf32, #tpu.memory_space<vmem>> -> memref<128xf32, #tpu.memory_space<vmem>>
      %dma_wait3A_800 = tpu.memref_slice %arg14[%add3A_46] : memref<32768xf32, #tpu.memory_space<vmem_shared>> -> memref<128xf32, #tpu.memory_space<vmem_shared>>
      tpu.wait_dma2 semaphore(%run_scoped3A_786 : memref<!tpu.dma_semaphore, #tpu.memory_space<semaphore_mem>>) src(%dma_wait3A_800 : memref<128xf32, #tpu.memory_space<vmem_shared>>) dst(%dma_wait3A_799 : memref<128xf32, #tpu.memory_space<vmem>>)
      tpu.yield
    }) : () -> ()
    %add3A_48 = arith.constant 12288 : i32
    %add3A_49 = arith.addi %add3A_48, %mul3A_2 : i32
    %run_scoped3A_50 = arith.constant 6 : i32
    "tpu.region"() ({
      %run_scoped3A_786 = tpu.sem_alloc : memref<!tpu.dma_semaphore, #tpu.memory_space<semaphore_mem>>
      %dma_start3A = arith.constant 0 : i32
      %dma_start3A_787 = tpu.memref_slice %arg11[%run_scoped3A_50, %dma_start3A] : memref<16x128xf32, #tpu.memory_space<vmem>> -> memref<1x128xf32, #tpu.memory_space<vmem>>
      %dma_start3A_788 = tpu.memref_squeeze %dma_start3A_787 : memref<1x128xf32, #tpu.memory_space<vmem>> -> memref<128xf32, #tpu.memory_space<vmem>>
      %dma_start3A_789 = tpu.memref_slice %arg14[%add3A_49] : memref<32768xf32, #tpu.memory_space<vmem_shared>> -> memref<128xf32, #tpu.memory_space<vmem_shared>>
      %dma_start3A_790 = arith.constant 0 : i32
      %dma_start3A_791 = tpu.memref_slice %arg11[%run_scoped3A_50, %dma_start3A_790] : memref<16x128xf32, #tpu.memory_space<vmem>> -> memref<1x128xf32, #tpu.memory_space<vmem>>
      %dma_start3A_792 = tpu.memref_squeeze %dma_start3A_791 : memref<1x128xf32, #tpu.memory_space<vmem>> -> memref<128xf32, #tpu.memory_space<vmem>>
      %dma_start3A_793 = tpu.memref_slice %arg14[%add3A_49] : memref<32768xf32, #tpu.memory_space<vmem_shared>> -> memref<128xf32, #tpu.memory_space<vmem_shared>>
      tpu.enqueue_dma source(%dma_start3A_793 : memref<128xf32, #tpu.memory_space<vmem_shared>>) target(%dma_start3A_792 : memref<128xf32, #tpu.memory_space<vmem>>) target_semaphore(%run_scoped3A_786 : memref<!tpu.dma_semaphore, #tpu.memory_space<semaphore_mem>>)
      %dma_wait3A = arith.constant 0 : i32
      %dma_wait3A_794 = tpu.memref_slice %arg11[%run_scoped3A_50, %dma_wait3A] : memref<16x128xf32, #tpu.memory_space<vmem>> -> memref<1x128xf32, #tpu.memory_space<vmem>>
      %dma_wait3A_795 = tpu.memref_squeeze %dma_wait3A_794 : memref<1x128xf32, #tpu.memory_space<vmem>> -> memref<128xf32, #tpu.memory_space<vmem>>
      %dma_wait3A_796 = tpu.memref_slice %arg14[%add3A_49] : memref<32768xf32, #tpu.memory_space<vmem_shared>> -> memref<128xf32, #tpu.memory_space<vmem_shared>>
      %dma_wait3A_797 = arith.constant 0 : i32
      %dma_wait3A_798 = tpu.memref_slice %arg11[%run_scoped3A_50, %dma_wait3A_797] : memref<16x128xf32, #tpu.memory_space<vmem>> -> memref<1x128xf32, #tpu.memory_space<vmem>>
      %dma_wait3A_799 = tpu.memref_squeeze %dma_wait3A_798 : memref<1x128xf32, #tpu.memory_space<vmem>> -> memref<128xf32, #tpu.memory_space<vmem>>
      %dma_wait3A_800 = tpu.memref_slice %arg14[%add3A_49] : memref<32768xf32, #tpu.memory_space<vmem_shared>> -> memref<128xf32, #tpu.memory_space<vmem_shared>>
      tpu.wait_dma2 semaphore(%run_scoped3A_786 : memref<!tpu.dma_semaphore, #tpu.memory_space<semaphore_mem>>) src(%dma_wait3A_800 : memref<128xf32, #tpu.memory_space<vmem_shared>>) dst(%dma_wait3A_799 : memref<128xf32, #tpu.memory_space<vmem>>)
      tpu.yield
    }) : () -> ()
    %add3A_51 = arith.constant 14336 : i32
    %add3A_52 = arith.addi %add3A_51, %mul3A_2 : i32
    %run_scoped3A_53 = arith.constant 7 : i32
    "tpu.region"() ({
      %run_scoped3A_786 = tpu.sem_alloc : memref<!tpu.dma_semaphore, #tpu.memory_space<semaphore_mem>>
      %dma_start3A = arith.constant 0 : i32
      %dma_start3A_787 = tpu.memref_slice %arg11[%run_scoped3A_53, %dma_start3A] : memref<16x128xf32, #tpu.memory_space<vmem>> -> memref<1x128xf32, #tpu.memory_space<vmem>>
      %dma_start3A_788 = tpu.memref_squeeze %dma_start3A_787 : memref<1x128xf32, #tpu.memory_space<vmem>> -> memref<128xf32, #tpu.memory_space<vmem>>
      %dma_start3A_789 = tpu.memref_slice %arg14[%add3A_52] : memref<32768xf32, #tpu.memory_space<vmem_shared>> -> memref<128xf32, #tpu.memory_space<vmem_shared>>
      %dma_start3A_790 = arith.constant 0 : i32
      %dma_start3A_791 = tpu.memref_slice %arg11[%run_scoped3A_53, %dma_start3A_790] : memref<16x128xf32, #tpu.memory_space<vmem>> -> memref<1x128xf32, #tpu.memory_space<vmem>>
      %dma_start3A_792 = tpu.memref_squeeze %dma_start3A_791 : memref<1x128xf32, #tpu.memory_space<vmem>> -> memref<128xf32, #tpu.memory_space<vmem>>
      %dma_start3A_793 = tpu.memref_slice %arg14[%add3A_52] : memref<32768xf32, #tpu.memory_space<vmem_shared>> -> memref<128xf32, #tpu.memory_space<vmem_shared>>
      tpu.enqueue_dma source(%dma_start3A_793 : memref<128xf32, #tpu.memory_space<vmem_shared>>) target(%dma_start3A_792 : memref<128xf32, #tpu.memory_space<vmem>>) target_semaphore(%run_scoped3A_786 : memref<!tpu.dma_semaphore, #tpu.memory_space<semaphore_mem>>)
      %dma_wait3A = arith.constant 0 : i32
      %dma_wait3A_794 = tpu.memref_slice %arg11[%run_scoped3A_53, %dma_wait3A] : memref<16x128xf32, #tpu.memory_space<vmem>> -> memref<1x128xf32, #tpu.memory_space<vmem>>
      %dma_wait3A_795 = tpu.memref_squeeze %dma_wait3A_794 : memref<1x128xf32, #tpu.memory_space<vmem>> -> memref<128xf32, #tpu.memory_space<vmem>>
      %dma_wait3A_796 = tpu.memref_slice %arg14[%add3A_52] : memref<32768xf32, #tpu.memory_space<vmem_shared>> -> memref<128xf32, #tpu.memory_space<vmem_shared>>
      %dma_wait3A_797 = arith.constant 0 : i32
      %dma_wait3A_798 = tpu.memref_slice %arg11[%run_scoped3A_53, %dma_wait3A_797] : memref<16x128xf32, #tpu.memory_space<vmem>> -> memref<1x128xf32, #tpu.memory_space<vmem>>
      %dma_wait3A_799 = tpu.memref_squeeze %dma_wait3A_798 : memref<1x128xf32, #tpu.memory_space<vmem>> -> memref<128xf32, #tpu.memory_space<vmem>>
      %dma_wait3A_800 = tpu.memref_slice %arg14[%add3A_52] : memref<32768xf32, #tpu.memory_space<vmem_shared>> -> memref<128xf32, #tpu.memory_space<vmem_shared>>
      tpu.wait_dma2 semaphore(%run_scoped3A_786 : memref<!tpu.dma_semaphore, #tpu.memory_space<semaphore_mem>>) src(%dma_wait3A_800 : memref<128xf32, #tpu.memory_space<vmem_shared>>) dst(%dma_wait3A_799 : memref<128xf32, #tpu.memory_space<vmem>>)
      tpu.yield
    }) : () -> ()
    %add3A_54 = arith.constant 16384 : i32
    %add3A_55 = arith.addi %add3A_54, %mul3A_2 : i32
    %run_scoped3A_56 = arith.constant 8 : i32
    "tpu.region"() ({
      %run_scoped3A_786 = tpu.sem_alloc : memref<!tpu.dma_semaphore, #tpu.memory_space<semaphore_mem>>
      %dma_start3A = arith.constant 0 : i32
      %dma_start3A_787 = tpu.memref_slice %arg11[%run_scoped3A_56, %dma_start3A] : memref<16x128xf32, #tpu.memory_space<vmem>> -> memref<1x128xf32, #tpu.memory_space<vmem>>
      %dma_start3A_788 = tpu.memref_squeeze %dma_start3A_787 : memref<1x128xf32, #tpu.memory_space<vmem>> -> memref<128xf32, #tpu.memory_space<vmem>>
      %dma_start3A_789 = tpu.memref_slice %arg14[%add3A_55] : memref<32768xf32, #tpu.memory_space<vmem_shared>> -> memref<128xf32, #tpu.memory_space<vmem_shared>>
      %dma_start3A_790 = arith.constant 0 : i32
      %dma_start3A_791 = tpu.memref_slice %arg11[%run_scoped3A_56, %dma_start3A_790] : memref<16x128xf32, #tpu.memory_space<vmem>> -> memref<1x128xf32, #tpu.memory_space<vmem>>
      %dma_start3A_792 = tpu.memref_squeeze %dma_start3A_791 : memref<1x128xf32, #tpu.memory_space<vmem>> -> memref<128xf32, #tpu.memory_space<vmem>>
      %dma_start3A_793 = tpu.memref_slice %arg14[%add3A_55] : memref<32768xf32, #tpu.memory_space<vmem_shared>> -> memref<128xf32, #tpu.memory_space<vmem_shared>>
      tpu.enqueue_dma source(%dma_start3A_793 : memref<128xf32, #tpu.memory_space<vmem_shared>>) target(%dma_start3A_792 : memref<128xf32, #tpu.memory_space<vmem>>) target_semaphore(%run_scoped3A_786 : memref<!tpu.dma_semaphore, #tpu.memory_space<semaphore_mem>>)
      %dma_wait3A = arith.constant 0 : i32
      %dma_wait3A_794 = tpu.memref_slice %arg11[%run_scoped3A_56, %dma_wait3A] : memref<16x128xf32, #tpu.memory_space<vmem>> -> memref<1x128xf32, #tpu.memory_space<vmem>>
      %dma_wait3A_795 = tpu.memref_squeeze %dma_wait3A_794 : memref<1x128xf32, #tpu.memory_space<vmem>> -> memref<128xf32, #tpu.memory_space<vmem>>
      %dma_wait3A_796 = tpu.memref_slice %arg14[%add3A_55] : memref<32768xf32, #tpu.memory_space<vmem_shared>> -> memref<128xf32, #tpu.memory_space<vmem_shared>>
      %dma_wait3A_797 = arith.constant 0 : i32
      %dma_wait3A_798 = tpu.memref_slice %arg11[%run_scoped3A_56, %dma_wait3A_797] : memref<16x128xf32, #tpu.memory_space<vmem>> -> memref<1x128xf32, #tpu.memory_space<vmem>>
      %dma_wait3A_799 = tpu.memref_squeeze %dma_wait3A_798 : memref<1x128xf32, #tpu.memory_space<vmem>> -> memref<128xf32, #tpu.memory_space<vmem>>
      %dma_wait3A_800 = tpu.memref_slice %arg14[%add3A_55] : memref<32768xf32, #tpu.memory_space<vmem_shared>> -> memref<128xf32, #tpu.memory_space<vmem_shared>>
      tpu.wait_dma2 semaphore(%run_scoped3A_786 : memref<!tpu.dma_semaphore, #tpu.memory_space<semaphore_mem>>) src(%dma_wait3A_800 : memref<128xf32, #tpu.memory_space<vmem_shared>>) dst(%dma_wait3A_799 : memref<128xf32, #tpu.memory_space<vmem>>)
      tpu.yield
    }) : () -> ()
    %add3A_57 = arith.constant 18432 : i32
    %add3A_58 = arith.addi %add3A_57, %mul3A_2 : i32
    %run_scoped3A_59 = arith.constant 9 : i32
    "tpu.region"() ({
      %run_scoped3A_786 = tpu.sem_alloc : memref<!tpu.dma_semaphore, #tpu.memory_space<semaphore_mem>>
      %dma_start3A = arith.constant 0 : i32
      %dma_start3A_787 = tpu.memref_slice %arg11[%run_scoped3A_59, %dma_start3A] : memref<16x128xf32, #tpu.memory_space<vmem>> -> memref<1x128xf32, #tpu.memory_space<vmem>>
      %dma_start3A_788 = tpu.memref_squeeze %dma_start3A_787 : memref<1x128xf32, #tpu.memory_space<vmem>> -> memref<128xf32, #tpu.memory_space<vmem>>
      %dma_start3A_789 = tpu.memref_slice %arg14[%add3A_58] : memref<32768xf32, #tpu.memory_space<vmem_shared>> -> memref<128xf32, #tpu.memory_space<vmem_shared>>
      %dma_start3A_790 = arith.constant 0 : i32
      %dma_start3A_791 = tpu.memref_slice %arg11[%run_scoped3A_59, %dma_start3A_790] : memref<16x128xf32, #tpu.memory_space<vmem>> -> memref<1x128xf32, #tpu.memory_space<vmem>>
      %dma_start3A_792 = tpu.memref_squeeze %dma_start3A_791 : memref<1x128xf32, #tpu.memory_space<vmem>> -> memref<128xf32, #tpu.memory_space<vmem>>
      %dma_start3A_793 = tpu.memref_slice %arg14[%add3A_58] : memref<32768xf32, #tpu.memory_space<vmem_shared>> -> memref<128xf32, #tpu.memory_space<vmem_shared>>
      tpu.enqueue_dma source(%dma_start3A_793 : memref<128xf32, #tpu.memory_space<vmem_shared>>) target(%dma_start3A_792 : memref<128xf32, #tpu.memory_space<vmem>>) target_semaphore(%run_scoped3A_786 : memref<!tpu.dma_semaphore, #tpu.memory_space<semaphore_mem>>)
      %dma_wait3A = arith.constant 0 : i32
      %dma_wait3A_794 = tpu.memref_slice %arg11[%run_scoped3A_59, %dma_wait3A] : memref<16x128xf32, #tpu.memory_space<vmem>> -> memref<1x128xf32, #tpu.memory_space<vmem>>
      %dma_wait3A_795 = tpu.memref_squeeze %dma_wait3A_794 : memref<1x128xf32, #tpu.memory_space<vmem>> -> memref<128xf32, #tpu.memory_space<vmem>>
      %dma_wait3A_796 = tpu.memref_slice %arg14[%add3A_58] : memref<32768xf32, #tpu.memory_space<vmem_shared>> -> memref<128xf32, #tpu.memory_space<vmem_shared>>
      %dma_wait3A_797 = arith.constant 0 : i32
      %dma_wait3A_798 = tpu.memref_slice %arg11[%run_scoped3A_59, %dma_wait3A_797] : memref<16x128xf32, #tpu.memory_space<vmem>> -> memref<1x128xf32, #tpu.memory_space<vmem>>
      %dma_wait3A_799 = tpu.memref_squeeze %dma_wait3A_798 : memref<1x128xf32, #tpu.memory_space<vmem>> -> memref<128xf32, #tpu.memory_space<vmem>>
      %dma_wait3A_800 = tpu.memref_slice %arg14[%add3A_58] : memref<32768xf32, #tpu.memory_space<vmem_shared>> -> memref<128xf32, #tpu.memory_space<vmem_shared>>
      tpu.wait_dma2 semaphore(%run_scoped3A_786 : memref<!tpu.dma_semaphore, #tpu.memory_space<semaphore_mem>>) src(%dma_wait3A_800 : memref<128xf32, #tpu.memory_space<vmem_shared>>) dst(%dma_wait3A_799 : memref<128xf32, #tpu.memory_space<vmem>>)
      tpu.yield
    }) : () -> ()
    %add3A_60 = arith.constant 20480 : i32
    %add3A_61 = arith.addi %add3A_60, %mul3A_2 : i32
    %run_scoped3A_62 = arith.constant 10 : i32
    "tpu.region"() ({
      %run_scoped3A_786 = tpu.sem_alloc : memref<!tpu.dma_semaphore, #tpu.memory_space<semaphore_mem>>
      %dma_start3A = arith.constant 0 : i32
      %dma_start3A_787 = tpu.memref_slice %arg11[%run_scoped3A_62, %dma_start3A] : memref<16x128xf32, #tpu.memory_space<vmem>> -> memref<1x128xf32, #tpu.memory_space<vmem>>
      %dma_start3A_788 = tpu.memref_squeeze %dma_start3A_787 : memref<1x128xf32, #tpu.memory_space<vmem>> -> memref<128xf32, #tpu.memory_space<vmem>>
      %dma_start3A_789 = tpu.memref_slice %arg14[%add3A_61] : memref<32768xf32, #tpu.memory_space<vmem_shared>> -> memref<128xf32, #tpu.memory_space<vmem_shared>>
      %dma_start3A_790 = arith.constant 0 : i32
      %dma_start3A_791 = tpu.memref_slice %arg11[%run_scoped3A_62, %dma_start3A_790] : memref<16x128xf32, #tpu.memory_space<vmem>> -> memref<1x128xf32, #tpu.memory_space<vmem>>
      %dma_start3A_792 = tpu.memref_squeeze %dma_start3A_791 : memref<1x128xf32, #tpu.memory_space<vmem>> -> memref<128xf32, #tpu.memory_space<vmem>>
      %dma_start3A_793 = tpu.memref_slice %arg14[%add3A_61] : memref<32768xf32, #tpu.memory_space<vmem_shared>> -> memref<128xf32, #tpu.memory_space<vmem_shared>>
      tpu.enqueue_dma source(%dma_start3A_793 : memref<128xf32, #tpu.memory_space<vmem_shared>>) target(%dma_start3A_792 : memref<128xf32, #tpu.memory_space<vmem>>) target_semaphore(%run_scoped3A_786 : memref<!tpu.dma_semaphore, #tpu.memory_space<semaphore_mem>>)
      %dma_wait3A = arith.constant 0 : i32
      %dma_wait3A_794 = tpu.memref_slice %arg11[%run_scoped3A_62, %dma_wait3A] : memref<16x128xf32, #tpu.memory_space<vmem>> -> memref<1x128xf32, #tpu.memory_space<vmem>>
      %dma_wait3A_795 = tpu.memref_squeeze %dma_wait3A_794 : memref<1x128xf32, #tpu.memory_space<vmem>> -> memref<128xf32, #tpu.memory_space<vmem>>
      %dma_wait3A_796 = tpu.memref_slice %arg14[%add3A_61] : memref<32768xf32, #tpu.memory_space<vmem_shared>> -> memref<128xf32, #tpu.memory_space<vmem_shared>>
      %dma_wait3A_797 = arith.constant 0 : i32
      %dma_wait3A_798 = tpu.memref_slice %arg11[%run_scoped3A_62, %dma_wait3A_797] : memref<16x128xf32, #tpu.memory_space<vmem>> -> memref<1x128xf32, #tpu.memory_space<vmem>>
      %dma_wait3A_799 = tpu.memref_squeeze %dma_wait3A_798 : memref<1x128xf32, #tpu.memory_space<vmem>> -> memref<128xf32, #tpu.memory_space<vmem>>
      %dma_wait3A_800 = tpu.memref_slice %arg14[%add3A_61] : memref<32768xf32, #tpu.memory_space<vmem_shared>> -> memref<128xf32, #tpu.memory_space<vmem_shared>>
      tpu.wait_dma2 semaphore(%run_scoped3A_786 : memref<!tpu.dma_semaphore, #tpu.memory_space<semaphore_mem>>) src(%dma_wait3A_800 : memref<128xf32, #tpu.memory_space<vmem_shared>>) dst(%dma_wait3A_799 : memref<128xf32, #tpu.memory_space<vmem>>)
      tpu.yield
    }) : () -> ()
    %add3A_63 = arith.constant 22528 : i32
    %add3A_64 = arith.addi %add3A_63, %mul3A_2 : i32
    %run_scoped3A_65 = arith.constant 11 : i32
    "tpu.region"() ({
      %run_scoped3A_786 = tpu.sem_alloc : memref<!tpu.dma_semaphore, #tpu.memory_space<semaphore_mem>>
      %dma_start3A = arith.constant 0 : i32
      %dma_start3A_787 = tpu.memref_slice %arg11[%run_scoped3A_65, %dma_start3A] : memref<16x128xf32, #tpu.memory_space<vmem>> -> memref<1x128xf32, #tpu.memory_space<vmem>>
      %dma_start3A_788 = tpu.memref_squeeze %dma_start3A_787 : memref<1x128xf32, #tpu.memory_space<vmem>> -> memref<128xf32, #tpu.memory_space<vmem>>
      %dma_start3A_789 = tpu.memref_slice %arg14[%add3A_64] : memref<32768xf32, #tpu.memory_space<vmem_shared>> -> memref<128xf32, #tpu.memory_space<vmem_shared>>
      %dma_start3A_790 = arith.constant 0 : i32
      %dma_start3A_791 = tpu.memref_slice %arg11[%run_scoped3A_65, %dma_start3A_790] : memref<16x128xf32, #tpu.memory_space<vmem>> -> memref<1x128xf32, #tpu.memory_space<vmem>>
      %dma_start3A_792 = tpu.memref_squeeze %dma_start3A_791 : memref<1x128xf32, #tpu.memory_space<vmem>> -> memref<128xf32, #tpu.memory_space<vmem>>
      %dma_start3A_793 = tpu.memref_slice %arg14[%add3A_64] : memref<32768xf32, #tpu.memory_space<vmem_shared>> -> memref<128xf32, #tpu.memory_space<vmem_shared>>
      tpu.enqueue_dma source(%dma_start3A_793 : memref<128xf32, #tpu.memory_space<vmem_shared>>) target(%dma_start3A_792 : memref<128xf32, #tpu.memory_space<vmem>>) target_semaphore(%run_scoped3A_786 : memref<!tpu.dma_semaphore, #tpu.memory_space<semaphore_mem>>)
      %dma_wait3A = arith.constant 0 : i32
      %dma_wait3A_794 = tpu.memref_slice %arg11[%run_scoped3A_65, %dma_wait3A] : memref<16x128xf32, #tpu.memory_space<vmem>> -> memref<1x128xf32, #tpu.memory_space<vmem>>
      %dma_wait3A_795 = tpu.memref_squeeze %dma_wait3A_794 : memref<1x128xf32, #tpu.memory_space<vmem>> -> memref<128xf32, #tpu.memory_space<vmem>>
      %dma_wait3A_796 = tpu.memref_slice %arg14[%add3A_64] : memref<32768xf32, #tpu.memory_space<vmem_shared>> -> memref<128xf32, #tpu.memory_space<vmem_shared>>
      %dma_wait3A_797 = arith.constant 0 : i32
      %dma_wait3A_798 = tpu.memref_slice %arg11[%run_scoped3A_65, %dma_wait3A_797] : memref<16x128xf32, #tpu.memory_space<vmem>> -> memref<1x128xf32, #tpu.memory_space<vmem>>
      %dma_wait3A_799 = tpu.memref_squeeze %dma_wait3A_798 : memref<1x128xf32, #tpu.memory_space<vmem>> -> memref<128xf32, #tpu.memory_space<vmem>>
      %dma_wait3A_800 = tpu.memref_slice %arg14[%add3A_64] : memref<32768xf32, #tpu.memory_space<vmem_shared>> -> memref<128xf32, #tpu.memory_space<vmem_shared>>
      tpu.wait_dma2 semaphore(%run_scoped3A_786 : memref<!tpu.dma_semaphore, #tpu.memory_space<semaphore_mem>>) src(%dma_wait3A_800 : memref<128xf32, #tpu.memory_space<vmem_shared>>) dst(%dma_wait3A_799 : memref<128xf32, #tpu.memory_space<vmem>>)
      tpu.yield
    }) : () -> ()
    %add3A_66 = arith.constant 24576 : i32
    %add3A_67 = arith.addi %add3A_66, %mul3A_2 : i32
    %run_scoped3A_68 = arith.constant 12 : i32
    "tpu.region"() ({
      %run_scoped3A_786 = tpu.sem_alloc : memref<!tpu.dma_semaphore, #tpu.memory_space<semaphore_mem>>
      %dma_start3A = arith.constant 0 : i32
      %dma_start3A_787 = tpu.memref_slice %arg11[%run_scoped3A_68, %dma_start3A] : memref<16x128xf32, #tpu.memory_space<vmem>> -> memref<1x128xf32, #tpu.memory_space<vmem>>
      %dma_start3A_788 = tpu.memref_squeeze %dma_start3A_787 : memref<1x128xf32, #tpu.memory_space<vmem>> -> memref<128xf32, #tpu.memory_space<vmem>>
      %dma_start3A_789 = tpu.memref_slice %arg14[%add3A_67] : memref<32768xf32, #tpu.memory_space<vmem_shared>> -> memref<128xf32, #tpu.memory_space<vmem_shared>>
      %dma_start3A_790 = arith.constant 0 : i32
      %dma_start3A_791 = tpu.memref_slice %arg11[%run_scoped3A_68, %dma_start3A_790] : memref<16x128xf32, #tpu.memory_space<vmem>> -> memref<1x128xf32, #tpu.memory_space<vmem>>
      %dma_start3A_792 = tpu.memref_squeeze %dma_start3A_791 : memref<1x128xf32, #tpu.memory_space<vmem>> -> memref<128xf32, #tpu.memory_space<vmem>>
      %dma_start3A_793 = tpu.memref_slice %arg14[%add3A_67] : memref<32768xf32, #tpu.memory_space<vmem_shared>> -> memref<128xf32, #tpu.memory_space<vmem_shared>>
      tpu.enqueue_dma source(%dma_start3A_793 : memref<128xf32, #tpu.memory_space<vmem_shared>>) target(%dma_start3A_792 : memref<128xf32, #tpu.memory_space<vmem>>) target_semaphore(%run_scoped3A_786 : memref<!tpu.dma_semaphore, #tpu.memory_space<semaphore_mem>>)
      %dma_wait3A = arith.constant 0 : i32
      %dma_wait3A_794 = tpu.memref_slice %arg11[%run_scoped3A_68, %dma_wait3A] : memref<16x128xf32, #tpu.memory_space<vmem>> -> memref<1x128xf32, #tpu.memory_space<vmem>>
      %dma_wait3A_795 = tpu.memref_squeeze %dma_wait3A_794 : memref<1x128xf32, #tpu.memory_space<vmem>> -> memref<128xf32, #tpu.memory_space<vmem>>
      %dma_wait3A_796 = tpu.memref_slice %arg14[%add3A_67] : memref<32768xf32, #tpu.memory_space<vmem_shared>> -> memref<128xf32, #tpu.memory_space<vmem_shared>>
      %dma_wait3A_797 = arith.constant 0 : i32
      %dma_wait3A_798 = tpu.memref_slice %arg11[%run_scoped3A_68, %dma_wait3A_797] : memref<16x128xf32, #tpu.memory_space<vmem>> -> memref<1x128xf32, #tpu.memory_space<vmem>>
      %dma_wait3A_799 = tpu.memref_squeeze %dma_wait3A_798 : memref<1x128xf32, #tpu.memory_space<vmem>> -> memref<128xf32, #tpu.memory_space<vmem>>
      %dma_wait3A_800 = tpu.memref_slice %arg14[%add3A_67] : memref<32768xf32, #tpu.memory_space<vmem_shared>> -> memref<128xf32, #tpu.memory_space<vmem_shared>>
      tpu.wait_dma2 semaphore(%run_scoped3A_786 : memref<!tpu.dma_semaphore, #tpu.memory_space<semaphore_mem>>) src(%dma_wait3A_800 : memref<128xf32, #tpu.memory_space<vmem_shared>>) dst(%dma_wait3A_799 : memref<128xf32, #tpu.memory_space<vmem>>)
      tpu.yield
    }) : () -> ()
    %add3A_69 = arith.constant 26624 : i32
    %add3A_70 = arith.addi %add3A_69, %mul3A_2 : i32
    %run_scoped3A_71 = arith.constant 13 : i32
    "tpu.region"() ({
      %run_scoped3A_786 = tpu.sem_alloc : memref<!tpu.dma_semaphore, #tpu.memory_space<semaphore_mem>>
      %dma_start3A = arith.constant 0 : i32
      %dma_start3A_787 = tpu.memref_slice %arg11[%run_scoped3A_71, %dma_start3A] : memref<16x128xf32, #tpu.memory_space<vmem>> -> memref<1x128xf32, #tpu.memory_space<vmem>>
      %dma_start3A_788 = tpu.memref_squeeze %dma_start3A_787 : memref<1x128xf32, #tpu.memory_space<vmem>> -> memref<128xf32, #tpu.memory_space<vmem>>
      %dma_start3A_789 = tpu.memref_slice %arg14[%add3A_70] : memref<32768xf32, #tpu.memory_space<vmem_shared>> -> memref<128xf32, #tpu.memory_space<vmem_shared>>
      %dma_start3A_790 = arith.constant 0 : i32
      %dma_start3A_791 = tpu.memref_slice %arg11[%run_scoped3A_71, %dma_start3A_790] : memref<16x128xf32, #tpu.memory_space<vmem>> -> memref<1x128xf32, #tpu.memory_space<vmem>>
      %dma_start3A_792 = tpu.memref_squeeze %dma_start3A_791 : memref<1x128xf32, #tpu.memory_space<vmem>> -> memref<128xf32, #tpu.memory_space<vmem>>
      %dma_start3A_793 = tpu.memref_slice %arg14[%add3A_70] : memref<32768xf32, #tpu.memory_space<vmem_shared>> -> memref<128xf32, #tpu.memory_space<vmem_shared>>
      tpu.enqueue_dma source(%dma_start3A_793 : memref<128xf32, #tpu.memory_space<vmem_shared>>) target(%dma_start3A_792 : memref<128xf32, #tpu.memory_space<vmem>>) target_semaphore(%run_scoped3A_786 : memref<!tpu.dma_semaphore, #tpu.memory_space<semaphore_mem>>)
      %dma_wait3A = arith.constant 0 : i32
      %dma_wait3A_794 = tpu.memref_slice %arg11[%run_scoped3A_71, %dma_wait3A] : memref<16x128xf32, #tpu.memory_space<vmem>> -> memref<1x128xf32, #tpu.memory_space<vmem>>
      %dma_wait3A_795 = tpu.memref_squeeze %dma_wait3A_794 : memref<1x128xf32, #tpu.memory_space<vmem>> -> memref<128xf32, #tpu.memory_space<vmem>>
      %dma_wait3A_796 = tpu.memref_slice %arg14[%add3A_70] : memref<32768xf32, #tpu.memory_space<vmem_shared>> -> memref<128xf32, #tpu.memory_space<vmem_shared>>
      %dma_wait3A_797 = arith.constant 0 : i32
      %dma_wait3A_798 = tpu.memref_slice %arg11[%run_scoped3A_71, %dma_wait3A_797] : memref<16x128xf32, #tpu.memory_space<vmem>> -> memref<1x128xf32, #tpu.memory_space<vmem>>
      %dma_wait3A_799 = tpu.memref_squeeze %dma_wait3A_798 : memref<1x128xf32, #tpu.memory_space<vmem>> -> memref<128xf32, #tpu.memory_space<vmem>>
      %dma_wait3A_800 = tpu.memref_slice %arg14[%add3A_70] : memref<32768xf32, #tpu.memory_space<vmem_shared>> -> memref<128xf32, #tpu.memory_space<vmem_shared>>
      tpu.wait_dma2 semaphore(%run_scoped3A_786 : memref<!tpu.dma_semaphore, #tpu.memory_space<semaphore_mem>>) src(%dma_wait3A_800 : memref<128xf32, #tpu.memory_space<vmem_shared>>) dst(%dma_wait3A_799 : memref<128xf32, #tpu.memory_space<vmem>>)
      tpu.yield
    }) : () -> ()
    %add3A_72 = arith.constant 28672 : i32
    %add3A_73 = arith.addi %add3A_72, %mul3A_2 : i32
    %run_scoped3A_74 = arith.constant 14 : i32
    "tpu.region"() ({
      %run_scoped3A_786 = tpu.sem_alloc : memref<!tpu.dma_semaphore, #tpu.memory_space<semaphore_mem>>
      %dma_start3A = arith.constant 0 : i32
      %dma_start3A_787 = tpu.memref_slice %arg11[%run_scoped3A_74, %dma_start3A] : memref<16x128xf32, #tpu.memory_space<vmem>> -> memref<1x128xf32, #tpu.memory_space<vmem>>
      %dma_start3A_788 = tpu.memref_squeeze %dma_start3A_787 : memref<1x128xf32, #tpu.memory_space<vmem>> -> memref<128xf32, #tpu.memory_space<vmem>>
      %dma_start3A_789 = tpu.memref_slice %arg14[%add3A_73] : memref<32768xf32, #tpu.memory_space<vmem_shared>> -> memref<128xf32, #tpu.memory_space<vmem_shared>>
      %dma_start3A_790 = arith.constant 0 : i32
      %dma_start3A_791 = tpu.memref_slice %arg11[%run_scoped3A_74, %dma_start3A_790] : memref<16x128xf32, #tpu.memory_space<vmem>> -> memref<1x128xf32, #tpu.memory_space<vmem>>
      %dma_start3A_792 = tpu.memref_squeeze %dma_start3A_791 : memref<1x128xf32, #tpu.memory_space<vmem>> -> memref<128xf32, #tpu.memory_space<vmem>>
      %dma_start3A_793 = tpu.memref_slice %arg14[%add3A_73] : memref<32768xf32, #tpu.memory_space<vmem_shared>> -> memref<128xf32, #tpu.memory_space<vmem_shared>>
      tpu.enqueue_dma source(%dma_start3A_793 : memref<128xf32, #tpu.memory_space<vmem_shared>>) target(%dma_start3A_792 : memref<128xf32, #tpu.memory_space<vmem>>) target_semaphore(%run_scoped3A_786 : memref<!tpu.dma_semaphore, #tpu.memory_space<semaphore_mem>>)
      %dma_wait3A = arith.constant 0 : i32
      %dma_wait3A_794 = tpu.memref_slice %arg11[%run_scoped3A_74, %dma_wait3A] : memref<16x128xf32, #tpu.memory_space<vmem>> -> memref<1x128xf32, #tpu.memory_space<vmem>>
      %dma_wait3A_795 = tpu.memref_squeeze %dma_wait3A_794 : memref<1x128xf32, #tpu.memory_space<vmem>> -> memref<128xf32, #tpu.memory_space<vmem>>
      %dma_wait3A_796 = tpu.memref_slice %arg14[%add3A_73] : memref<32768xf32, #tpu.memory_space<vmem_shared>> -> memref<128xf32, #tpu.memory_space<vmem_shared>>
      %dma_wait3A_797 = arith.constant 0 : i32
      %dma_wait3A_798 = tpu.memref_slice %arg11[%run_scoped3A_74, %dma_wait3A_797] : memref<16x128xf32, #tpu.memory_space<vmem>> -> memref<1x128xf32, #tpu.memory_space<vmem>>
      %dma_wait3A_799 = tpu.memref_squeeze %dma_wait3A_798 : memref<1x128xf32, #tpu.memory_space<vmem>> -> memref<128xf32, #tpu.memory_space<vmem>>
      %dma_wait3A_800 = tpu.memref_slice %arg14[%add3A_73] : memref<32768xf32, #tpu.memory_space<vmem_shared>> -> memref<128xf32, #tpu.memory_space<vmem_shared>>
      tpu.wait_dma2 semaphore(%run_scoped3A_786 : memref<!tpu.dma_semaphore, #tpu.memory_space<semaphore_mem>>) src(%dma_wait3A_800 : memref<128xf32, #tpu.memory_space<vmem_shared>>) dst(%dma_wait3A_799 : memref<128xf32, #tpu.memory_space<vmem>>)
      tpu.yield
    }) : () -> ()
    %add3A_75 = arith.constant 30720 : i32
    %add3A_76 = arith.addi %add3A_75, %mul3A_2 : i32
    %run_scoped3A_77 = arith.constant 15 : i32
    "tpu.region"() ({
      %run_scoped3A_786 = tpu.sem_alloc : memref<!tpu.dma_semaphore, #tpu.memory_space<semaphore_mem>>
      %dma_start3A = arith.constant 0 : i32
      %dma_start3A_787 = tpu.memref_slice %arg11[%run_scoped3A_77, %dma_start3A] : memref<16x128xf32, #tpu.memory_space<vmem>> -> memref<1x128xf32, #tpu.memory_space<vmem>>
      %dma_start3A_788 = tpu.memref_squeeze %dma_start3A_787 : memref<1x128xf32, #tpu.memory_space<vmem>> -> memref<128xf32, #tpu.memory_space<vmem>>
      %dma_start3A_789 = tpu.memref_slice %arg14[%add3A_76] : memref<32768xf32, #tpu.memory_space<vmem_shared>> -> memref<128xf32, #tpu.memory_space<vmem_shared>>
      %dma_start3A_790 = arith.constant 0 : i32
      %dma_start3A_791 = tpu.memref_slice %arg11[%run_scoped3A_77, %dma_start3A_790] : memref<16x128xf32, #tpu.memory_space<vmem>> -> memref<1x128xf32, #tpu.memory_space<vmem>>
      %dma_start3A_792 = tpu.memref_squeeze %dma_start3A_791 : memref<1x128xf32, #tpu.memory_space<vmem>> -> memref<128xf32, #tpu.memory_space<vmem>>
      %dma_start3A_793 = tpu.memref_slice %arg14[%add3A_76] : memref<32768xf32, #tpu.memory_space<vmem_shared>> -> memref<128xf32, #tpu.memory_space<vmem_shared>>
      tpu.enqueue_dma source(%dma_start3A_793 : memref<128xf32, #tpu.memory_space<vmem_shared>>) target(%dma_start3A_792 : memref<128xf32, #tpu.memory_space<vmem>>) target_semaphore(%run_scoped3A_786 : memref<!tpu.dma_semaphore, #tpu.memory_space<semaphore_mem>>)
      %dma_wait3A = arith.constant 0 : i32
      %dma_wait3A_794 = tpu.memref_slice %arg11[%run_scoped3A_77, %dma_wait3A] : memref<16x128xf32, #tpu.memory_space<vmem>> -> memref<1x128xf32, #tpu.memory_space<vmem>>
      %dma_wait3A_795 = tpu.memref_squeeze %dma_wait3A_794 : memref<1x128xf32, #tpu.memory_space<vmem>> -> memref<128xf32, #tpu.memory_space<vmem>>
      %dma_wait3A_796 = tpu.memref_slice %arg14[%add3A_76] : memref<32768xf32, #tpu.memory_space<vmem_shared>> -> memref<128xf32, #tpu.memory_space<vmem_shared>>
      %dma_wait3A_797 = arith.constant 0 : i32
      %dma_wait3A_798 = tpu.memref_slice %arg11[%run_scoped3A_77, %dma_wait3A_797] : memref<16x128xf32, #tpu.memory_space<vmem>> -> memref<1x128xf32, #tpu.memory_space<vmem>>
      %dma_wait3A_799 = tpu.memref_squeeze %dma_wait3A_798 : memref<1x128xf32, #tpu.memory_space<vmem>> -> memref<128xf32, #tpu.memory_space<vmem>>
      %dma_wait3A_800 = tpu.memref_slice %arg14[%add3A_76] : memref<32768xf32, #tpu.memory_space<vmem_shared>> -> memref<128xf32, #tpu.memory_space<vmem_shared>>
      tpu.wait_dma2 semaphore(%run_scoped3A_786 : memref<!tpu.dma_semaphore, #tpu.memory_space<semaphore_mem>>) src(%dma_wait3A_800 : memref<128xf32, #tpu.memory_space<vmem_shared>>) dst(%dma_wait3A_799 : memref<128xf32, #tpu.memory_space<vmem>>)
      tpu.yield
    }) : () -> ()
    %get3A = arith.constant 0 : i32
    %get3A_78 = arith.index_cast %get3A : i32 to index
    %get3A_79 = arith.constant 0 : index
    %get3A_80 = tpu.vector_load %arg11[%get3A_78, %get3A_79] {strides = array<i32>} : memref<16x128xf32, #tpu.memory_space<vmem>>, vector<16xf32>,
    %get3A_81 = arith.constant 1 : i32
    %get3A_82 = arith.index_cast %get3A_81 : i32 to index
    %get3A_83 = arith.constant 0 : index
    %get3A_84 = tpu.vector_load %arg11[%get3A_82, %get3A_83] {strides = array<i32>} : memref<16x128xf32, #tpu.memory_space<vmem>>, vector<16xf32>,
    %add3A_85 = arith.addf %get3A_80, %get3A_84 : vector<16xf32>
    %get3A_86 = arith.constant 2 : i32
    %get3A_87 = arith.index_cast %get3A_86 : i32 to index
    %get3A_88 = arith.constant 0 : index
    %get3A_89 = tpu.vector_load %arg11[%get3A_87, %get3A_88] {strides = array<i32>} : memref<16x128xf32, #tpu.memory_space<vmem>>, vector<16xf32>,
    %add3A_90 = arith.addf %add3A_85, %get3A_89 : vector<16xf32>
    %get3A_91 = arith.constant 3 : i32
    %get3A_92 = arith.index_cast %get3A_91 : i32 to index
    %get3A_93 = arith.constant 0 : index
    %get3A_94 = tpu.vector_load %arg11[%get3A_92, %get3A_93] {strides = array<i32>} : memref<16x128xf32, #tpu.memory_space<vmem>>, vector<16xf32>,
    %add3A_95 = arith.addf %add3A_90, %get3A_94 : vector<16xf32>
    %get3A_96 = arith.constant 4 : i32
    %get3A_97 = arith.index_cast %get3A_96 : i32 to index
    %get3A_98 = arith.constant 0 : index
    %get3A_99 = tpu.vector_load %arg11[%get3A_97, %get3A_98] {strides = array<i32>} : memref<16x128xf32, #tpu.memory_space<vmem>>, vector<16xf32>,
    %add3A_100 = arith.addf %add3A_95, %get3A_99 : vector<16xf32>
    %get3A_101 = arith.constant 5 : i32
    %get3A_102 = arith.index_cast %get3A_101 : i32 to index
    %get3A_103 = arith.constant 0 : index
    %get3A_104 = tpu.vector_load %arg11[%get3A_102, %get3A_103] {strides = array<i32>} : memref<16x128xf32, #tpu.memory_space<vmem>>, vector<16xf32>,
    %add3A_105 = arith.addf %add3A_100, %get3A_104 : vector<16xf32>
    %get3A_106 = arith.constant 6 : i32
    %get3A_107 = arith.index_cast %get3A_106 : i32 to index
    %get3A_108 = arith.constant 0 : index
    %get3A_109 = tpu.vector_load %arg11[%get3A_107, %get3A_108] {strides = array<i32>} : memref<16x128xf32, #tpu.memory_space<vmem>>, vector<16xf32>,
    %add3A_110 = arith.addf %add3A_105, %get3A_109 : vector<16xf32>
    %get3A_111 = arith.constant 7 : i32
    %get3A_112 = arith.index_cast %get3A_111 : i32 to index
    %get3A_113 = arith.constant 0 : index
    %get3A_114 = tpu.vector_load %arg11[%get3A_112, %get3A_113] {strides = array<i32>} : memref<16x128xf32, #tpu.memory_space<vmem>>, vector<16xf32>,
    %add3A_115 = arith.addf %add3A_110, %get3A_114 : vector<16xf32>
    %get3A_116 = arith.constant 8 : i32
    %get3A_117 = arith.index_cast %get3A_116 : i32 to index
    %get3A_118 = arith.constant 0 : index
    %get3A_119 = tpu.vector_load %arg11[%get3A_117, %get3A_118] {strides = array<i32>} : memref<16x128xf32, #tpu.memory_space<vmem>>, vector<16xf32>,
    %add3A_120 = arith.addf %add3A_115, %get3A_119 : vector<16xf32>
    %get3A_121 = arith.constant 9 : i32
    %get3A_122 = arith.index_cast %get3A_121 : i32 to index
    %get3A_123 = arith.constant 0 : index
    %get3A_124 = tpu.vector_load %arg11[%get3A_122, %get3A_123] {strides = array<i32>} : memref<16x128xf32, #tpu.memory_space<vmem>>, vector<16xf32>,
    %add3A_125 = arith.addf %add3A_120, %get3A_124 : vector<16xf32>
    %get3A_126 = arith.constant 10 : i32
    %get3A_127 = arith.index_cast %get3A_126 : i32 to index
    %get3A_128 = arith.constant 0 : index
    %get3A_129 = tpu.vector_load %arg11[%get3A_127, %get3A_128] {strides = array<i32>} : memref<16x128xf32, #tpu.memory_space<vmem>>, vector<16xf32>,
    %add3A_130 = arith.addf %add3A_125, %get3A_129 : vector<16xf32>
    %get3A_131 = arith.constant 11 : i32
    %get3A_132 = arith.index_cast %get3A_131 : i32 to index
    %get3A_133 = arith.constant 0 : index
    %get3A_134 = tpu.vector_load %arg11[%get3A_132, %get3A_133] {strides = array<i32>} : memref<16x128xf32, #tpu.memory_space<vmem>>, vector<16xf32>,
    %add3A_135 = arith.addf %add3A_130, %get3A_134 : vector<16xf32>
    %get3A_136 = arith.constant 12 : i32
    %get3A_137 = arith.index_cast %get3A_136 : i32 to index
    %get3A_138 = arith.constant 0 : index
    %get3A_139 = tpu.vector_load %arg11[%get3A_137, %get3A_138] {strides = array<i32>} : memref<16x128xf32, #tpu.memory_space<vmem>>, vector<16xf32>,
    %add3A_140 = arith.addf %add3A_135, %get3A_139 : vector<16xf32>
    %get3A_141 = arith.constant 13 : i32
    %get3A_142 = arith.index_cast %get3A_141 : i32 to index
    %get3A_143 = arith.constant 0 : index
    %get3A_144 = tpu.vector_load %arg11[%get3A_142, %get3A_143] {strides = array<i32>} : memref<16x128xf32, #tpu.memory_space<vmem>>, vector<16xf32>,
    %add3A_145 = arith.addf %add3A_140, %get3A_144 : vector<16xf32>
    %get3A_146 = arith.constant 14 : i32
    %get3A_147 = arith.index_cast %get3A_146 : i32 to index
    %get3A_148 = arith.constant 0 : index
    %get3A_149 = tpu.vector_load %arg11[%get3A_147, %get3A_148] {strides = array<i32>} : memref<16x128xf32, #tpu.memory_space<vmem>>, vector<16xf32>,
    %add3A_150 = arith.addf %add3A_145, %get3A_149 : vector<16xf32>
    %get3A_151 = arith.constant 15 : i32
    %get3A_152 = arith.index_cast %get3A_151 : i32 to index
    %get3A_153 = arith.constant 0 : index
    %get3A_154 = tpu.vector_load %arg11[%get3A_152, %get3A_153] {strides = array<i32>} : memref<16x128xf32, #tpu.memory_space<vmem>>, vector<16xf32>,
    %add3A_155 = arith.addf %add3A_150, %get3A_154 : vector<16xf32>
    %broadcast_in_dim3A = arith.constant 0.000000e+00 : f32
    %broadcast_in_dim3A_156 = vector.broadcast %broadcast_in_dim3A : f32 to vector<16xf32>
    %sub3A = arith.subf %broadcast_in_dim3A_156, %add3A_155 : vector<16xf32>
    %get3A_157 = arith.constant 0 : index
    %get3A_158 = tpu.vector_load %arg13[%get3A_157] {strides = array<i32>} : memref<128xf32, #tpu.memory_space<vmem>>, vector<16xf32>,
    %mul3A_159 = arith.mulf %sub3A, %get3A_158 : vector<16xf32>
    %swap3A = arith.constant 0 : index
    %swap3A_160 = tpu.vector_load %arg12[%swap3A] {strides = array<i32>} : memref<128xf32, #tpu.memory_space<vmem>>, vector<16xf32>,
    tpu.vector_store %arg12[%swap3A], %mul3A_159 {strides = array<i32>} : memref<128xf32, #tpu.memory_space<vmem>>, vector<16xf32>,
    %get3A_161 = arith.constant 0 : i32
    %get3A_162 = arith.index_cast %get3A_161 : i32 to index
    %get3A_163 = arith.constant 16 : index
    %get3A_164 = tpu.vector_load %arg11[%get3A_162, %get3A_163] {strides = array<i32>} : memref<16x128xf32, #tpu.memory_space<vmem>>, vector<16xf32>,
    %get3A_165 = arith.constant 1 : i32
    %get3A_166 = arith.index_cast %get3A_165 : i32 to index
    %get3A_167 = arith.constant 16 : index
    %get3A_168 = tpu.vector_load %arg11[%get3A_166, %get3A_167] {strides = array<i32>} : memref<16x128xf32, #tpu.memory_space<vmem>>, vector<16xf32>,
    %add3A_169 = arith.addf %get3A_164, %get3A_168 : vector<16xf32>
    %get3A_170 = arith.constant 2 : i32
    %get3A_171 = arith.index_cast %get3A_170 : i32 to index
    %get3A_172 = arith.constant 16 : index
    %get3A_173 = tpu.vector_load %arg11[%get3A_171, %get3A_172] {strides = array<i32>} : memref<16x128xf32, #tpu.memory_space<vmem>>, vector<16xf32>,
    %add3A_174 = arith.addf %add3A_169, %get3A_173 : vector<16xf32>
    %get3A_175 = arith.constant 3 : i32
    %get3A_176 = arith.index_cast %get3A_175 : i32 to index
    %get3A_177 = arith.constant 16 : index
    %get3A_178 = tpu.vector_load %arg11[%get3A_176, %get3A_177] {strides = array<i32>} : memref<16x128xf32, #tpu.memory_space<vmem>>, vector<16xf32>,
    %add3A_179 = arith.addf %add3A_174, %get3A_178 : vector<16xf32>
    %get3A_180 = arith.constant 4 : i32
    %get3A_181 = arith.index_cast %get3A_180 : i32 to index
    %get3A_182 = arith.constant 16 : index
    %get3A_183 = tpu.vector_load %arg11[%get3A_181, %get3A_182] {strides = array<i32>} : memref<16x128xf32, #tpu.memory_space<vmem>>, vector<16xf32>,
    %add3A_184 = arith.addf %add3A_179, %get3A_183 : vector<16xf32>
    %get3A_185 = arith.constant 5 : i32
    %get3A_186 = arith.index_cast %get3A_185 : i32 to index
    %get3A_187 = arith.constant 16 : index
    %get3A_188 = tpu.vector_load %arg11[%get3A_186, %get3A_187] {strides = array<i32>} : memref<16x128xf32, #tpu.memory_space<vmem>>, vector<16xf32>,
    %add3A_189 = arith.addf %add3A_184, %get3A_188 : vector<16xf32>
    %get3A_190 = arith.constant 6 : i32
    %get3A_191 = arith.index_cast %get3A_190 : i32 to index
    %get3A_192 = arith.constant 16 : index
    %get3A_193 = tpu.vector_load %arg11[%get3A_191, %get3A_192] {strides = array<i32>} : memref<16x128xf32, #tpu.memory_space<vmem>>, vector<16xf32>,
    %add3A_194 = arith.addf %add3A_189, %get3A_193 : vector<16xf32>
    %get3A_195 = arith.constant 7 : i32
    %get3A_196 = arith.index_cast %get3A_195 : i32 to index
    %get3A_197 = arith.constant 16 : index
    %get3A_198 = tpu.vector_load %arg11[%get3A_196, %get3A_197] {strides = array<i32>} : memref<16x128xf32, #tpu.memory_space<vmem>>, vector<16xf32>,
    %add3A_199 = arith.addf %add3A_194, %get3A_198 : vector<16xf32>
    %get3A_200 = arith.constant 8 : i32
    %get3A_201 = arith.index_cast %get3A_200 : i32 to index
    %get3A_202 = arith.constant 16 : index
    %get3A_203 = tpu.vector_load %arg11[%get3A_201, %get3A_202] {strides = array<i32>} : memref<16x128xf32, #tpu.memory_space<vmem>>, vector<16xf32>,
    %add3A_204 = arith.addf %add3A_199, %get3A_203 : vector<16xf32>
    %get3A_205 = arith.constant 9 : i32
    %get3A_206 = arith.index_cast %get3A_205 : i32 to index
    %get3A_207 = arith.constant 16 : index
    %get3A_208 = tpu.vector_load %arg11[%get3A_206, %get3A_207] {strides = array<i32>} : memref<16x128xf32, #tpu.memory_space<vmem>>, vector<16xf32>,
    %add3A_209 = arith.addf %add3A_204, %get3A_208 : vector<16xf32>
    %get3A_210 = arith.constant 10 : i32
    %get3A_211 = arith.index_cast %get3A_210 : i32 to index
    %get3A_212 = arith.constant 16 : index
    %get3A_213 = tpu.vector_load %arg11[%get3A_211, %get3A_212] {strides = array<i32>} : memref<16x128xf32, #tpu.memory_space<vmem>>, vector<16xf32>,
    %add3A_214 = arith.addf %add3A_209, %get3A_213 : vector<16xf32>
    %get3A_215 = arith.constant 11 : i32
    %get3A_216 = arith.index_cast %get3A_215 : i32 to index
    %get3A_217 = arith.constant 16 : index
    %get3A_218 = tpu.vector_load %arg11[%get3A_216, %get3A_217] {strides = array<i32>} : memref<16x128xf32, #tpu.memory_space<vmem>>, vector<16xf32>,
    %add3A_219 = arith.addf %add3A_214, %get3A_218 : vector<16xf32>
    %get3A_220 = arith.constant 12 : i32
    %get3A_221 = arith.index_cast %get3A_220 : i32 to index
    %get3A_222 = arith.constant 16 : index
    %get3A_223 = tpu.vector_load %arg11[%get3A_221, %get3A_222] {strides = array<i32>} : memref<16x128xf32, #tpu.memory_space<vmem>>, vector<16xf32>,
    %add3A_224 = arith.addf %add3A_219, %get3A_223 : vector<16xf32>
    %get3A_225 = arith.constant 13 : i32
    %get3A_226 = arith.index_cast %get3A_225 : i32 to index
    %get3A_227 = arith.constant 16 : index
    %get3A_228 = tpu.vector_load %arg11[%get3A_226, %get3A_227] {strides = array<i32>} : memref<16x128xf32, #tpu.memory_space<vmem>>, vector<16xf32>,
    %add3A_229 = arith.addf %add3A_224, %get3A_228 : vector<16xf32>
    %get3A_230 = arith.constant 14 : i32
    %get3A_231 = arith.index_cast %get3A_230 : i32 to index
    %get3A_232 = arith.constant 16 : index
    %get3A_233 = tpu.vector_load %arg11[%get3A_231, %get3A_232] {strides = array<i32>} : memref<16x128xf32, #tpu.memory_space<vmem>>, vector<16xf32>,
    %add3A_234 = arith.addf %add3A_229, %get3A_233 : vector<16xf32>
    %get3A_235 = arith.constant 15 : i32
    %get3A_236 = arith.index_cast %get3A_235 : i32 to index
    %get3A_237 = arith.constant 16 : index
    %get3A_238 = tpu.vector_load %arg11[%get3A_236, %get3A_237] {strides = array<i32>} : memref<16x128xf32, #tpu.memory_space<vmem>>, vector<16xf32>,
    %add3A_239 = arith.addf %add3A_234, %get3A_238 : vector<16xf32>
    %broadcast_in_dim3A_240 = arith.constant 0.000000e+00 : f32
    %broadcast_in_dim3A_241 = vector.broadcast %broadcast_in_dim3A_240 : f32 to vector<16xf32>
    %sub3A_242 = arith.subf %broadcast_in_dim3A_241, %add3A_239 : vector<16xf32>
    %get3A_243 = arith.constant 16 : index
    %get3A_244 = tpu.vector_load %arg13[%get3A_243] {strides = array<i32>} : memref<128xf32, #tpu.memory_space<vmem>>, vector<16xf32>,
    %mul3A_245 = arith.mulf %sub3A_242, %get3A_244 : vector<16xf32>
    %swap3A_246 = arith.constant 16 : index
    %swap3A_247 = tpu.vector_load %arg12[%swap3A_246] {strides = array<i32>} : memref<128xf32, #tpu.memory_space<vmem>>, vector<16xf32>,
    tpu.vector_store %arg12[%swap3A_246], %mul3A_245 {strides = array<i32>} : memref<128xf32, #tpu.memory_space<vmem>>, vector<16xf32>,
    %get3A_248 = arith.constant 0 : i32
    %get3A_249 = arith.index_cast %get3A_248 : i32 to index
    %get3A_250 = arith.constant 32 : index
    %get3A_251 = tpu.vector_load %arg11[%get3A_249, %get3A_250] {strides = array<i32>} : memref<16x128xf32, #tpu.memory_space<vmem>>, vector<16xf32>,
    %get3A_252 = arith.constant 1 : i32
    %get3A_253 = arith.index_cast %get3A_252 : i32 to index
    %get3A_254 = arith.constant 32 : index
    %get3A_255 = tpu.vector_load %arg11[%get3A_253, %get3A_254] {strides = array<i32>} : memref<16x128xf32, #tpu.memory_space<vmem>>, vector<16xf32>,
    %add3A_256 = arith.addf %get3A_251, %get3A_255 : vector<16xf32>
    %get3A_257 = arith.constant 2 : i32
    %get3A_258 = arith.index_cast %get3A_257 : i32 to index
    %get3A_259 = arith.constant 32 : index
    %get3A_260 = tpu.vector_load %arg11[%get3A_258, %get3A_259] {strides = array<i32>} : memref<16x128xf32, #tpu.memory_space<vmem>>, vector<16xf32>,
    %add3A_261 = arith.addf %add3A_256, %get3A_260 : vector<16xf32>
    %get3A_262 = arith.constant 3 : i32
    %get3A_263 = arith.index_cast %get3A_262 : i32 to index
    %get3A_264 = arith.constant 32 : index
    %get3A_265 = tpu.vector_load %arg11[%get3A_263, %get3A_264] {strides = array<i32>} : memref<16x128xf32, #tpu.memory_space<vmem>>, vector<16xf32>,
    %add3A_266 = arith.addf %add3A_261, %get3A_265 : vector<16xf32>
    %get3A_267 = arith.constant 4 : i32
    %get3A_268 = arith.index_cast %get3A_267 : i32 to index
    %get3A_269 = arith.constant 32 : index
    %get3A_270 = tpu.vector_load %arg11[%get3A_268, %get3A_269] {strides = array<i32>} : memref<16x128xf32, #tpu.memory_space<vmem>>, vector<16xf32>,
    %add3A_271 = arith.addf %add3A_266, %get3A_270 : vector<16xf32>
    %get3A_272 = arith.constant 5 : i32
    %get3A_273 = arith.index_cast %get3A_272 : i32 to index
    %get3A_274 = arith.constant 32 : index
    %get3A_275 = tpu.vector_load %arg11[%get3A_273, %get3A_274] {strides = array<i32>} : memref<16x128xf32, #tpu.memory_space<vmem>>, vector<16xf32>,
    %add3A_276 = arith.addf %add3A_271, %get3A_275 : vector<16xf32>
    %get3A_277 = arith.constant 6 : i32
    %get3A_278 = arith.index_cast %get3A_277 : i32 to index
    %get3A_279 = arith.constant 32 : index
    %get3A_280 = tpu.vector_load %arg11[%get3A_278, %get3A_279] {strides = array<i32>} : memref<16x128xf32, #tpu.memory_space<vmem>>, vector<16xf32>,
    %add3A_281 = arith.addf %add3A_276, %get3A_280 : vector<16xf32>
    %get3A_282 = arith.constant 7 : i32
    %get3A_283 = arith.index_cast %get3A_282 : i32 to index
    %get3A_284 = arith.constant 32 : index
    %get3A_285 = tpu.vector_load %arg11[%get3A_283, %get3A_284] {strides = array<i32>} : memref<16x128xf32, #tpu.memory_space<vmem>>, vector<16xf32>,
    %add3A_286 = arith.addf %add3A_281, %get3A_285 : vector<16xf32>
    %get3A_287 = arith.constant 8 : i32
    %get3A_288 = arith.index_cast %get3A_287 : i32 to index
    %get3A_289 = arith.constant 32 : index
    %get3A_290 = tpu.vector_load %arg11[%get3A_288, %get3A_289] {strides = array<i32>} : memref<16x128xf32, #tpu.memory_space<vmem>>, vector<16xf32>,
    %add3A_291 = arith.addf %add3A_286, %get3A_290 : vector<16xf32>
    %get3A_292 = arith.constant 9 : i32
    %get3A_293 = arith.index_cast %get3A_292 : i32 to index
    %get3A_294 = arith.constant 32 : index
    %get3A_295 = tpu.vector_load %arg11[%get3A_293, %get3A_294] {strides = array<i32>} : memref<16x128xf32, #tpu.memory_space<vmem>>, vector<16xf32>,
    %add3A_296 = arith.addf %add3A_291, %get3A_295 : vector<16xf32>
    %get3A_297 = arith.constant 10 : i32
    %get3A_298 = arith.index_cast %get3A_297 : i32 to index
    %get3A_299 = arith.constant 32 : index
    %get3A_300 = tpu.vector_load %arg11[%get3A_298, %get3A_299] {strides = array<i32>} : memref<16x128xf32, #tpu.memory_space<vmem>>, vector<16xf32>,
    %add3A_301 = arith.addf %add3A_296, %get3A_300 : vector<16xf32>
    %get3A_302 = arith.constant 11 : i32
    %get3A_303 = arith.index_cast %get3A_302 : i32 to index
    %get3A_304 = arith.constant 32 : index
    %get3A_305 = tpu.vector_load %arg11[%get3A_303, %get3A_304] {strides = array<i32>} : memref<16x128xf32, #tpu.memory_space<vmem>>, vector<16xf32>,
    %add3A_306 = arith.addf %add3A_301, %get3A_305 : vector<16xf32>
    %get3A_307 = arith.constant 12 : i32
    %get3A_308 = arith.index_cast %get3A_307 : i32 to index
    %get3A_309 = arith.constant 32 : index
    %get3A_310 = tpu.vector_load %arg11[%get3A_308, %get3A_309] {strides = array<i32>} : memref<16x128xf32, #tpu.memory_space<vmem>>, vector<16xf32>,
    %add3A_311 = arith.addf %add3A_306, %get3A_310 : vector<16xf32>
    %get3A_312 = arith.constant 13 : i32
    %get3A_313 = arith.index_cast %get3A_312 : i32 to index
    %get3A_314 = arith.constant 32 : index
    %get3A_315 = tpu.vector_load %arg11[%get3A_313, %get3A_314] {strides = array<i32>} : memref<16x128xf32, #tpu.memory_space<vmem>>, vector<16xf32>,
    %add3A_316 = arith.addf %add3A_311, %get3A_315 : vector<16xf32>
    %get3A_317 = arith.constant 14 : i32
    %get3A_318 = arith.index_cast %get3A_317 : i32 to index
    %get3A_319 = arith.constant 32 : index
    %get3A_320 = tpu.vector_load %arg11[%get3A_318, %get3A_319] {strides = array<i32>} : memref<16x128xf32, #tpu.memory_space<vmem>>, vector<16xf32>,
    %add3A_321 = arith.addf %add3A_316, %get3A_320 : vector<16xf32>
    %get3A_322 = arith.constant 15 : i32
    %get3A_323 = arith.index_cast %get3A_322 : i32 to index
    %get3A_324 = arith.constant 32 : index
    %get3A_325 = tpu.vector_load %arg11[%get3A_323, %get3A_324] {strides = array<i32>} : memref<16x128xf32, #tpu.memory_space<vmem>>, vector<16xf32>,
    %add3A_326 = arith.addf %add3A_321, %get3A_325 : vector<16xf32>
    %broadcast_in_dim3A_327 = arith.constant 0.000000e+00 : f32
    %broadcast_in_dim3A_328 = vector.broadcast %broadcast_in_dim3A_327 : f32 to vector<16xf32>
    %sub3A_329 = arith.subf %broadcast_in_dim3A_328, %add3A_326 : vector<16xf32>
    %get3A_330 = arith.constant 32 : index
    %get3A_331 = tpu.vector_load %arg13[%get3A_330] {strides = array<i32>} : memref<128xf32, #tpu.memory_space<vmem>>, vector<16xf32>,
    %mul3A_332 = arith.mulf %sub3A_329, %get3A_331 : vector<16xf32>
    %swap3A_333 = arith.constant 32 : index
    %swap3A_334 = tpu.vector_load %arg12[%swap3A_333] {strides = array<i32>} : memref<128xf32, #tpu.memory_space<vmem>>, vector<16xf32>,
    tpu.vector_store %arg12[%swap3A_333], %mul3A_332 {strides = array<i32>} : memref<128xf32, #tpu.memory_space<vmem>>, vector<16xf32>,
    %get3A_335 = arith.constant 0 : i32
    %get3A_336 = arith.index_cast %get3A_335 : i32 to index
    %get3A_337 = arith.constant 48 : index
    %get3A_338 = tpu.vector_load %arg11[%get3A_336, %get3A_337] {strides = array<i32>} : memref<16x128xf32, #tpu.memory_space<vmem>>, vector<16xf32>,
    %get3A_339 = arith.constant 1 : i32
    %get3A_340 = arith.index_cast %get3A_339 : i32 to index
    %get3A_341 = arith.constant 48 : index
    %get3A_342 = tpu.vector_load %arg11[%get3A_340, %get3A_341] {strides = array<i32>} : memref<16x128xf32, #tpu.memory_space<vmem>>, vector<16xf32>,
    %add3A_343 = arith.addf %get3A_338, %get3A_342 : vector<16xf32>
    %get3A_344 = arith.constant 2 : i32
    %get3A_345 = arith.index_cast %get3A_344 : i32 to index
    %get3A_346 = arith.constant 48 : index
    %get3A_347 = tpu.vector_load %arg11[%get3A_345, %get3A_346] {strides = array<i32>} : memref<16x128xf32, #tpu.memory_space<vmem>>, vector<16xf32>,
    %add3A_348 = arith.addf %add3A_343, %get3A_347 : vector<16xf32>
    %get3A_349 = arith.constant 3 : i32
    %get3A_350 = arith.index_cast %get3A_349 : i32 to index
    %get3A_351 = arith.constant 48 : index
    %get3A_352 = tpu.vector_load %arg11[%get3A_350, %get3A_351] {strides = array<i32>} : memref<16x128xf32, #tpu.memory_space<vmem>>, vector<16xf32>,
    %add3A_353 = arith.addf %add3A_348, %get3A_352 : vector<16xf32>
    %get3A_354 = arith.constant 4 : i32
    %get3A_355 = arith.index_cast %get3A_354 : i32 to index
    %get3A_356 = arith.constant 48 : index
    %get3A_357 = tpu.vector_load %arg11[%get3A_355, %get3A_356] {strides = array<i32>} : memref<16x128xf32, #tpu.memory_space<vmem>>, vector<16xf32>,
    %add3A_358 = arith.addf %add3A_353, %get3A_357 : vector<16xf32>
    %get3A_359 = arith.constant 5 : i32
    %get3A_360 = arith.index_cast %get3A_359 : i32 to index
    %get3A_361 = arith.constant 48 : index
    %get3A_362 = tpu.vector_load %arg11[%get3A_360, %get3A_361] {strides = array<i32>} : memref<16x128xf32, #tpu.memory_space<vmem>>, vector<16xf32>,
    %add3A_363 = arith.addf %add3A_358, %get3A_362 : vector<16xf32>
    %get3A_364 = arith.constant 6 : i32
    %get3A_365 = arith.index_cast %get3A_364 : i32 to index
    %get3A_366 = arith.constant 48 : index
    %get3A_367 = tpu.vector_load %arg11[%get3A_365, %get3A_366] {strides = array<i32>} : memref<16x128xf32, #tpu.memory_space<vmem>>, vector<16xf32>,
    %add3A_368 = arith.addf %add3A_363, %get3A_367 : vector<16xf32>
    %get3A_369 = arith.constant 7 : i32
    %get3A_370 = arith.index_cast %get3A_369 : i32 to index
    %get3A_371 = arith.constant 48 : index
    %get3A_372 = tpu.vector_load %arg11[%get3A_370, %get3A_371] {strides = array<i32>} : memref<16x128xf32, #tpu.memory_space<vmem>>, vector<16xf32>,
    %add3A_373 = arith.addf %add3A_368, %get3A_372 : vector<16xf32>
    %get3A_374 = arith.constant 8 : i32
    %get3A_375 = arith.index_cast %get3A_374 : i32 to index
    %get3A_376 = arith.constant 48 : index
    %get3A_377 = tpu.vector_load %arg11[%get3A_375, %get3A_376] {strides = array<i32>} : memref<16x128xf32, #tpu.memory_space<vmem>>, vector<16xf32>,
    %add3A_378 = arith.addf %add3A_373, %get3A_377 : vector<16xf32>
    %get3A_379 = arith.constant 9 : i32
    %get3A_380 = arith.index_cast %get3A_379 : i32 to index
    %get3A_381 = arith.constant 48 : index
    %get3A_382 = tpu.vector_load %arg11[%get3A_380, %get3A_381] {strides = array<i32>} : memref<16x128xf32, #tpu.memory_space<vmem>>, vector<16xf32>,
    %add3A_383 = arith.addf %add3A_378, %get3A_382 : vector<16xf32>
    %get3A_384 = arith.constant 10 : i32
    %get3A_385 = arith.index_cast %get3A_384 : i32 to index
    %get3A_386 = arith.constant 48 : index
    %get3A_387 = tpu.vector_load %arg11[%get3A_385, %get3A_386] {strides = array<i32>} : memref<16x128xf32, #tpu.memory_space<vmem>>, vector<16xf32>,
    %add3A_388 = arith.addf %add3A_383, %get3A_387 : vector<16xf32>
    %get3A_389 = arith.constant 11 : i32
    %get3A_390 = arith.index_cast %get3A_389 : i32 to index
    %get3A_391 = arith.constant 48 : index
    %get3A_392 = tpu.vector_load %arg11[%get3A_390, %get3A_391] {strides = array<i32>} : memref<16x128xf32, #tpu.memory_space<vmem>>, vector<16xf32>,
    %add3A_393 = arith.addf %add3A_388, %get3A_392 : vector<16xf32>
    %get3A_394 = arith.constant 12 : i32
    %get3A_395 = arith.index_cast %get3A_394 : i32 to index
    %get3A_396 = arith.constant 48 : index
    %get3A_397 = tpu.vector_load %arg11[%get3A_395, %get3A_396] {strides = array<i32>} : memref<16x128xf32, #tpu.memory_space<vmem>>, vector<16xf32>,
    %add3A_398 = arith.addf %add3A_393, %get3A_397 : vector<16xf32>
    %get3A_399 = arith.constant 13 : i32
    %get3A_400 = arith.index_cast %get3A_399 : i32 to index
    %get3A_401 = arith.constant 48 : index
    %get3A_402 = tpu.vector_load %arg11[%get3A_400, %get3A_401] {strides = array<i32>} : memref<16x128xf32, #tpu.memory_space<vmem>>, vector<16xf32>,
    %add3A_403 = arith.addf %add3A_398, %get3A_402 : vector<16xf32>
    %get3A_404 = arith.constant 14 : i32
    %get3A_405 = arith.index_cast %get3A_404 : i32 to index
    %get3A_406 = arith.constant 48 : index
    %get3A_407 = tpu.vector_load %arg11[%get3A_405, %get3A_406] {strides = array<i32>} : memref<16x128xf32, #tpu.memory_space<vmem>>, vector<16xf32>,
    %add3A_408 = arith.addf %add3A_403, %get3A_407 : vector<16xf32>
    %get3A_409 = arith.constant 15 : i32
    %get3A_410 = arith.index_cast %get3A_409 : i32 to index
    %get3A_411 = arith.constant 48 : index
    %get3A_412 = tpu.vector_load %arg11[%get3A_410, %get3A_411] {strides = array<i32>} : memref<16x128xf32, #tpu.memory_space<vmem>>, vector<16xf32>,
    %add3A_413 = arith.addf %add3A_408, %get3A_412 : vector<16xf32>
    %broadcast_in_dim3A_414 = arith.constant 0.000000e+00 : f32
    %broadcast_in_dim3A_415 = vector.broadcast %broadcast_in_dim3A_414 : f32 to vector<16xf32>
    %sub3A_416 = arith.subf %broadcast_in_dim3A_415, %add3A_413 : vector<16xf32>
    %get3A_417 = arith.constant 48 : index
    %get3A_418 = tpu.vector_load %arg13[%get3A_417] {strides = array<i32>} : memref<128xf32, #tpu.memory_space<vmem>>, vector<16xf32>,
    %mul3A_419 = arith.mulf %sub3A_416, %get3A_418 : vector<16xf32>
    %swap3A_420 = arith.constant 48 : index
    %swap3A_421 = tpu.vector_load %arg12[%swap3A_420] {strides = array<i32>} : memref<128xf32, #tpu.memory_space<vmem>>, vector<16xf32>,
    tpu.vector_store %arg12[%swap3A_420], %mul3A_419 {strides = array<i32>} : memref<128xf32, #tpu.memory_space<vmem>>, vector<16xf32>,
    %get3A_422 = arith.constant 0 : i32
    %get3A_423 = arith.index_cast %get3A_422 : i32 to index
    %get3A_424 = arith.constant 64 : index
    %get3A_425 = tpu.vector_load %arg11[%get3A_423, %get3A_424] {strides = array<i32>} : memref<16x128xf32, #tpu.memory_space<vmem>>, vector<16xf32>,
    %get3A_426 = arith.constant 1 : i32
    %get3A_427 = arith.index_cast %get3A_426 : i32 to index
    %get3A_428 = arith.constant 64 : index
    %get3A_429 = tpu.vector_load %arg11[%get3A_427, %get3A_428] {strides = array<i32>} : memref<16x128xf32, #tpu.memory_space<vmem>>, vector<16xf32>,
    %add3A_430 = arith.addf %get3A_425, %get3A_429 : vector<16xf32>
    %get3A_431 = arith.constant 2 : i32
    %get3A_432 = arith.index_cast %get3A_431 : i32 to index
    %get3A_433 = arith.constant 64 : index
    %get3A_434 = tpu.vector_load %arg11[%get3A_432, %get3A_433] {strides = array<i32>} : memref<16x128xf32, #tpu.memory_space<vmem>>, vector<16xf32>,
    %add3A_435 = arith.addf %add3A_430, %get3A_434 : vector<16xf32>
    %get3A_436 = arith.constant 3 : i32
    %get3A_437 = arith.index_cast %get3A_436 : i32 to index
    %get3A_438 = arith.constant 64 : index
    %get3A_439 = tpu.vector_load %arg11[%get3A_437, %get3A_438] {strides = array<i32>} : memref<16x128xf32, #tpu.memory_space<vmem>>, vector<16xf32>,
    %add3A_440 = arith.addf %add3A_435, %get3A_439 : vector<16xf32>
    %get3A_441 = arith.constant 4 : i32
    %get3A_442 = arith.index_cast %get3A_441 : i32 to index
    %get3A_443 = arith.constant 64 : index
    %get3A_444 = tpu.vector_load %arg11[%get3A_442, %get3A_443] {strides = array<i32>} : memref<16x128xf32, #tpu.memory_space<vmem>>, vector<16xf32>,
    %add3A_445 = arith.addf %add3A_440, %get3A_444 : vector<16xf32>
    %get3A_446 = arith.constant 5 : i32
    %get3A_447 = arith.index_cast %get3A_446 : i32 to index
    %get3A_448 = arith.constant 64 : index
    %get3A_449 = tpu.vector_load %arg11[%get3A_447, %get3A_448] {strides = array<i32>} : memref<16x128xf32, #tpu.memory_space<vmem>>, vector<16xf32>,
    %add3A_450 = arith.addf %add3A_445, %get3A_449 : vector<16xf32>
    %get3A_451 = arith.constant 6 : i32
    %get3A_452 = arith.index_cast %get3A_451 : i32 to index
    %get3A_453 = arith.constant 64 : index
    %get3A_454 = tpu.vector_load %arg11[%get3A_452, %get3A_453] {strides = array<i32>} : memref<16x128xf32, #tpu.memory_space<vmem>>, vector<16xf32>,
    %add3A_455 = arith.addf %add3A_450, %get3A_454 : vector<16xf32>
    %get3A_456 = arith.constant 7 : i32
    %get3A_457 = arith.index_cast %get3A_456 : i32 to index
    %get3A_458 = arith.constant 64 : index
    %get3A_459 = tpu.vector_load %arg11[%get3A_457, %get3A_458] {strides = array<i32>} : memref<16x128xf32, #tpu.memory_space<vmem>>, vector<16xf32>,
    %add3A_460 = arith.addf %add3A_455, %get3A_459 : vector<16xf32>
    %get3A_461 = arith.constant 8 : i32
    %get3A_462 = arith.index_cast %get3A_461 : i32 to index
    %get3A_463 = arith.constant 64 : index
    %get3A_464 = tpu.vector_load %arg11[%get3A_462, %get3A_463] {strides = array<i32>} : memref<16x128xf32, #tpu.memory_space<vmem>>, vector<16xf32>,
    %add3A_465 = arith.addf %add3A_460, %get3A_464 : vector<16xf32>
    %get3A_466 = arith.constant 9 : i32
    %get3A_467 = arith.index_cast %get3A_466 : i32 to index
    %get3A_468 = arith.constant 64 : index
    %get3A_469 = tpu.vector_load %arg11[%get3A_467, %get3A_468] {strides = array<i32>} : memref<16x128xf32, #tpu.memory_space<vmem>>, vector<16xf32>,
    %add3A_470 = arith.addf %add3A_465, %get3A_469 : vector<16xf32>
    %get3A_471 = arith.constant 10 : i32
    %get3A_472 = arith.index_cast %get3A_471 : i32 to index
    %get3A_473 = arith.constant 64 : index
    %get3A_474 = tpu.vector_load %arg11[%get3A_472, %get3A_473] {strides = array<i32>} : memref<16x128xf32, #tpu.memory_space<vmem>>, vector<16xf32>,
    %add3A_475 = arith.addf %add3A_470, %get3A_474 : vector<16xf32>
    %get3A_476 = arith.constant 11 : i32
    %get3A_477 = arith.index_cast %get3A_476 : i32 to index
    %get3A_478 = arith.constant 64 : index
    %get3A_479 = tpu.vector_load %arg11[%get3A_477, %get3A_478] {strides = array<i32>} : memref<16x128xf32, #tpu.memory_space<vmem>>, vector<16xf32>,
    %add3A_480 = arith.addf %add3A_475, %get3A_479 : vector<16xf32>
    %get3A_481 = arith.constant 12 : i32
    %get3A_482 = arith.index_cast %get3A_481 : i32 to index
    %get3A_483 = arith.constant 64 : index
    %get3A_484 = tpu.vector_load %arg11[%get3A_482, %get3A_483] {strides = array<i32>} : memref<16x128xf32, #tpu.memory_space<vmem>>, vector<16xf32>,
    %add3A_485 = arith.addf %add3A_480, %get3A_484 : vector<16xf32>
    %get3A_486 = arith.constant 13 : i32
    %get3A_487 = arith.index_cast %get3A_486 : i32 to index
    %get3A_488 = arith.constant 64 : index
    %get3A_489 = tpu.vector_load %arg11[%get3A_487, %get3A_488] {strides = array<i32>} : memref<16x128xf32, #tpu.memory_space<vmem>>, vector<16xf32>,
    %add3A_490 = arith.addf %add3A_485, %get3A_489 : vector<16xf32>
    %get3A_491 = arith.constant 14 : i32
    %get3A_492 = arith.index_cast %get3A_491 : i32 to index
    %get3A_493 = arith.constant 64 : index
    %get3A_494 = tpu.vector_load %arg11[%get3A_492, %get3A_493] {strides = array<i32>} : memref<16x128xf32, #tpu.memory_space<vmem>>, vector<16xf32>,
    %add3A_495 = arith.addf %add3A_490, %get3A_494 : vector<16xf32>
    %get3A_496 = arith.constant 15 : i32
    %get3A_497 = arith.index_cast %get3A_496 : i32 to index
    %get3A_498 = arith.constant 64 : index
    %get3A_499 = tpu.vector_load %arg11[%get3A_497, %get3A_498] {strides = array<i32>} : memref<16x128xf32, #tpu.memory_space<vmem>>, vector<16xf32>,
    %add3A_500 = arith.addf %add3A_495, %get3A_499 : vector<16xf32>
    %broadcast_in_dim3A_501 = arith.constant 0.000000e+00 : f32
    %broadcast_in_dim3A_502 = vector.broadcast %broadcast_in_dim3A_501 : f32 to vector<16xf32>
    %sub3A_503 = arith.subf %broadcast_in_dim3A_502, %add3A_500 : vector<16xf32>
    %get3A_504 = arith.constant 64 : index
    %get3A_505 = tpu.vector_load %arg13[%get3A_504] {strides = array<i32>} : memref<128xf32, #tpu.memory_space<vmem>>, vector<16xf32>,
    %mul3A_506 = arith.mulf %sub3A_503, %get3A_505 : vector<16xf32>
    %swap3A_507 = arith.constant 64 : index
    %swap3A_508 = tpu.vector_load %arg12[%swap3A_507] {strides = array<i32>} : memref<128xf32, #tpu.memory_space<vmem>>, vector<16xf32>,
    tpu.vector_store %arg12[%swap3A_507], %mul3A_506 {strides = array<i32>} : memref<128xf32, #tpu.memory_space<vmem>>, vector<16xf32>,
    %get3A_509 = arith.constant 0 : i32
    %get3A_510 = arith.index_cast %get3A_509 : i32 to index
    %get3A_511 = arith.constant 80 : index
    %get3A_512 = tpu.vector_load %arg11[%get3A_510, %get3A_511] {strides = array<i32>} : memref<16x128xf32, #tpu.memory_space<vmem>>, vector<16xf32>,
    %get3A_513 = arith.constant 1 : i32
    %get3A_514 = arith.index_cast %get3A_513 : i32 to index
    %get3A_515 = arith.constant 80 : index
    %get3A_516 = tpu.vector_load %arg11[%get3A_514, %get3A_515] {strides = array<i32>} : memref<16x128xf32, #tpu.memory_space<vmem>>, vector<16xf32>,
    %add3A_517 = arith.addf %get3A_512, %get3A_516 : vector<16xf32>
    %get3A_518 = arith.constant 2 : i32
    %get3A_519 = arith.index_cast %get3A_518 : i32 to index
    %get3A_520 = arith.constant 80 : index
    %get3A_521 = tpu.vector_load %arg11[%get3A_519, %get3A_520] {strides = array<i32>} : memref<16x128xf32, #tpu.memory_space<vmem>>, vector<16xf32>,
    %add3A_522 = arith.addf %add3A_517, %get3A_521 : vector<16xf32>
    %get3A_523 = arith.constant 3 : i32
    %get3A_524 = arith.index_cast %get3A_523 : i32 to index
    %get3A_525 = arith.constant 80 : index
    %get3A_526 = tpu.vector_load %arg11[%get3A_524, %get3A_525] {strides = array<i32>} : memref<16x128xf32, #tpu.memory_space<vmem>>, vector<16xf32>,
    %add3A_527 = arith.addf %add3A_522, %get3A_526 : vector<16xf32>
    %get3A_528 = arith.constant 4 : i32
    %get3A_529 = arith.index_cast %get3A_528 : i32 to index
    %get3A_530 = arith.constant 80 : index
    %get3A_531 = tpu.vector_load %arg11[%get3A_529, %get3A_530] {strides = array<i32>} : memref<16x128xf32, #tpu.memory_space<vmem>>, vector<16xf32>,
    %add3A_532 = arith.addf %add3A_527, %get3A_531 : vector<16xf32>
    %get3A_533 = arith.constant 5 : i32
    %get3A_534 = arith.index_cast %get3A_533 : i32 to index
    %get3A_535 = arith.constant 80 : index
    %get3A_536 = tpu.vector_load %arg11[%get3A_534, %get3A_535] {strides = array<i32>} : memref<16x128xf32, #tpu.memory_space<vmem>>, vector<16xf32>,
    %add3A_537 = arith.addf %add3A_532, %get3A_536 : vector<16xf32>
    %get3A_538 = arith.constant 6 : i32
    %get3A_539 = arith.index_cast %get3A_538 : i32 to index
    %get3A_540 = arith.constant 80 : index
    %get3A_541 = tpu.vector_load %arg11[%get3A_539, %get3A_540] {strides = array<i32>} : memref<16x128xf32, #tpu.memory_space<vmem>>, vector<16xf32>,
    %add3A_542 = arith.addf %add3A_537, %get3A_541 : vector<16xf32>
    %get3A_543 = arith.constant 7 : i32
    %get3A_544 = arith.index_cast %get3A_543 : i32 to index
    %get3A_545 = arith.constant 80 : index
    %get3A_546 = tpu.vector_load %arg11[%get3A_544, %get3A_545] {strides = array<i32>} : memref<16x128xf32, #tpu.memory_space<vmem>>, vector<16xf32>,
    %add3A_547 = arith.addf %add3A_542, %get3A_546 : vector<16xf32>
    %get3A_548 = arith.constant 8 : i32
    %get3A_549 = arith.index_cast %get3A_548 : i32 to index
    %get3A_550 = arith.constant 80 : index
    %get3A_551 = tpu.vector_load %arg11[%get3A_549, %get3A_550] {strides = array<i32>} : memref<16x128xf32, #tpu.memory_space<vmem>>, vector<16xf32>,
    %add3A_552 = arith.addf %add3A_547, %get3A_551 : vector<16xf32>
    %get3A_553 = arith.constant 9 : i32
    %get3A_554 = arith.index_cast %get3A_553 : i32 to index
    %get3A_555 = arith.constant 80 : index
    %get3A_556 = tpu.vector_load %arg11[%get3A_554, %get3A_555] {strides = array<i32>} : memref<16x128xf32, #tpu.memory_space<vmem>>, vector<16xf32>,
    %add3A_557 = arith.addf %add3A_552, %get3A_556 : vector<16xf32>
    %get3A_558 = arith.constant 10 : i32
    %get3A_559 = arith.index_cast %get3A_558 : i32 to index
    %get3A_560 = arith.constant 80 : index
    %get3A_561 = tpu.vector_load %arg11[%get3A_559, %get3A_560] {strides = array<i32>} : memref<16x128xf32, #tpu.memory_space<vmem>>, vector<16xf32>,
    %add3A_562 = arith.addf %add3A_557, %get3A_561 : vector<16xf32>
    %get3A_563 = arith.constant 11 : i32
    %get3A_564 = arith.index_cast %get3A_563 : i32 to index
    %get3A_565 = arith.constant 80 : index
    %get3A_566 = tpu.vector_load %arg11[%get3A_564, %get3A_565] {strides = array<i32>} : memref<16x128xf32, #tpu.memory_space<vmem>>, vector<16xf32>,
    %add3A_567 = arith.addf %add3A_562, %get3A_566 : vector<16xf32>
    %get3A_568 = arith.constant 12 : i32
    %get3A_569 = arith.index_cast %get3A_568 : i32 to index
    %get3A_570 = arith.constant 80 : index
    %get3A_571 = tpu.vector_load %arg11[%get3A_569, %get3A_570] {strides = array<i32>} : memref<16x128xf32, #tpu.memory_space<vmem>>, vector<16xf32>,
    %add3A_572 = arith.addf %add3A_567, %get3A_571 : vector<16xf32>
    %get3A_573 = arith.constant 13 : i32
    %get3A_574 = arith.index_cast %get3A_573 : i32 to index
    %get3A_575 = arith.constant 80 : index
    %get3A_576 = tpu.vector_load %arg11[%get3A_574, %get3A_575] {strides = array<i32>} : memref<16x128xf32, #tpu.memory_space<vmem>>, vector<16xf32>,
    %add3A_577 = arith.addf %add3A_572, %get3A_576 : vector<16xf32>
    %get3A_578 = arith.constant 14 : i32
    %get3A_579 = arith.index_cast %get3A_578 : i32 to index
    %get3A_580 = arith.constant 80 : index
    %get3A_581 = tpu.vector_load %arg11[%get3A_579, %get3A_580] {strides = array<i32>} : memref<16x128xf32, #tpu.memory_space<vmem>>, vector<16xf32>,
    %add3A_582 = arith.addf %add3A_577, %get3A_581 : vector<16xf32>
    %get3A_583 = arith.constant 15 : i32
    %get3A_584 = arith.index_cast %get3A_583 : i32 to index
    %get3A_585 = arith.constant 80 : index
    %get3A_586 = tpu.vector_load %arg11[%get3A_584, %get3A_585] {strides = array<i32>} : memref<16x128xf32, #tpu.memory_space<vmem>>, vector<16xf32>,
    %add3A_587 = arith.addf %add3A_582, %get3A_586 : vector<16xf32>
    %broadcast_in_dim3A_588 = arith.constant 0.000000e+00 : f32
    %broadcast_in_dim3A_589 = vector.broadcast %broadcast_in_dim3A_588 : f32 to vector<16xf32>
    %sub3A_590 = arith.subf %broadcast_in_dim3A_589, %add3A_587 : vector<16xf32>
    %get3A_591 = arith.constant 80 : index
    %get3A_592 = tpu.vector_load %arg13[%get3A_591] {strides = array<i32>} : memref<128xf32, #tpu.memory_space<vmem>>, vector<16xf32>,
    %mul3A_593 = arith.mulf %sub3A_590, %get3A_592 : vector<16xf32>
    %swap3A_594 = arith.constant 80 : index
    %swap3A_595 = tpu.vector_load %arg12[%swap3A_594] {strides = array<i32>} : memref<128xf32, #tpu.memory_space<vmem>>, vector<16xf32>,
    tpu.vector_store %arg12[%swap3A_594], %mul3A_593 {strides = array<i32>} : memref<128xf32, #tpu.memory_space<vmem>>, vector<16xf32>,
    %get3A_596 = arith.constant 0 : i32
    %get3A_597 = arith.index_cast %get3A_596 : i32 to index
    %get3A_598 = arith.constant 96 : index
    %get3A_599 = tpu.vector_load %arg11[%get3A_597, %get3A_598] {strides = array<i32>} : memref<16x128xf32, #tpu.memory_space<vmem>>, vector<16xf32>,
    %get3A_600 = arith.constant 1 : i32
    %get3A_601 = arith.index_cast %get3A_600 : i32 to index
    %get3A_602 = arith.constant 96 : index
    %get3A_603 = tpu.vector_load %arg11[%get3A_601, %get3A_602] {strides = array<i32>} : memref<16x128xf32, #tpu.memory_space<vmem>>, vector<16xf32>,
    %add3A_604 = arith.addf %get3A_599, %get3A_603 : vector<16xf32>
    %get3A_605 = arith.constant 2 : i32
    %get3A_606 = arith.index_cast %get3A_605 : i32 to index
    %get3A_607 = arith.constant 96 : index
    %get3A_608 = tpu.vector_load %arg11[%get3A_606, %get3A_607] {strides = array<i32>} : memref<16x128xf32, #tpu.memory_space<vmem>>, vector<16xf32>,
    %add3A_609 = arith.addf %add3A_604, %get3A_608 : vector<16xf32>
    %get3A_610 = arith.constant 3 : i32
    %get3A_611 = arith.index_cast %get3A_610 : i32 to index
    %get3A_612 = arith.constant 96 : index
    %get3A_613 = tpu.vector_load %arg11[%get3A_611, %get3A_612] {strides = array<i32>} : memref<16x128xf32, #tpu.memory_space<vmem>>, vector<16xf32>,
    %add3A_614 = arith.addf %add3A_609, %get3A_613 : vector<16xf32>
    %get3A_615 = arith.constant 4 : i32
    %get3A_616 = arith.index_cast %get3A_615 : i32 to index
    %get3A_617 = arith.constant 96 : index
    %get3A_618 = tpu.vector_load %arg11[%get3A_616, %get3A_617] {strides = array<i32>} : memref<16x128xf32, #tpu.memory_space<vmem>>, vector<16xf32>,
    %add3A_619 = arith.addf %add3A_614, %get3A_618 : vector<16xf32>
    %get3A_620 = arith.constant 5 : i32
    %get3A_621 = arith.index_cast %get3A_620 : i32 to index
    %get3A_622 = arith.constant 96 : index
    %get3A_623 = tpu.vector_load %arg11[%get3A_621, %get3A_622] {strides = array<i32>} : memref<16x128xf32, #tpu.memory_space<vmem>>, vector<16xf32>,
    %add3A_624 = arith.addf %add3A_619, %get3A_623 : vector<16xf32>
    %get3A_625 = arith.constant 6 : i32
    %get3A_626 = arith.index_cast %get3A_625 : i32 to index
    %get3A_627 = arith.constant 96 : index
    %get3A_628 = tpu.vector_load %arg11[%get3A_626, %get3A_627] {strides = array<i32>} : memref<16x128xf32, #tpu.memory_space<vmem>>, vector<16xf32>,
    %add3A_629 = arith.addf %add3A_624, %get3A_628 : vector<16xf32>
    %get3A_630 = arith.constant 7 : i32
    %get3A_631 = arith.index_cast %get3A_630 : i32 to index
    %get3A_632 = arith.constant 96 : index
    %get3A_633 = tpu.vector_load %arg11[%get3A_631, %get3A_632] {strides = array<i32>} : memref<16x128xf32, #tpu.memory_space<vmem>>, vector<16xf32>,
    %add3A_634 = arith.addf %add3A_629, %get3A_633 : vector<16xf32>
    %get3A_635 = arith.constant 8 : i32
    %get3A_636 = arith.index_cast %get3A_635 : i32 to index
    %get3A_637 = arith.constant 96 : index
    %get3A_638 = tpu.vector_load %arg11[%get3A_636, %get3A_637] {strides = array<i32>} : memref<16x128xf32, #tpu.memory_space<vmem>>, vector<16xf32>,
    %add3A_639 = arith.addf %add3A_634, %get3A_638 : vector<16xf32>
    %get3A_640 = arith.constant 9 : i32
    %get3A_641 = arith.index_cast %get3A_640 : i32 to index
    %get3A_642 = arith.constant 96 : index
    %get3A_643 = tpu.vector_load %arg11[%get3A_641, %get3A_642] {strides = array<i32>} : memref<16x128xf32, #tpu.memory_space<vmem>>, vector<16xf32>,
    %add3A_644 = arith.addf %add3A_639, %get3A_643 : vector<16xf32>
    %get3A_645 = arith.constant 10 : i32
    %get3A_646 = arith.index_cast %get3A_645 : i32 to index
    %get3A_647 = arith.constant 96 : index
    %get3A_648 = tpu.vector_load %arg11[%get3A_646, %get3A_647] {strides = array<i32>} : memref<16x128xf32, #tpu.memory_space<vmem>>, vector<16xf32>,
    %add3A_649 = arith.addf %add3A_644, %get3A_648 : vector<16xf32>
    %get3A_650 = arith.constant 11 : i32
    %get3A_651 = arith.index_cast %get3A_650 : i32 to index
    %get3A_652 = arith.constant 96 : index
    %get3A_653 = tpu.vector_load %arg11[%get3A_651, %get3A_652] {strides = array<i32>} : memref<16x128xf32, #tpu.memory_space<vmem>>, vector<16xf32>,
    %add3A_654 = arith.addf %add3A_649, %get3A_653 : vector<16xf32>
    %get3A_655 = arith.constant 12 : i32
    %get3A_656 = arith.index_cast %get3A_655 : i32 to index
    %get3A_657 = arith.constant 96 : index
    %get3A_658 = tpu.vector_load %arg11[%get3A_656, %get3A_657] {strides = array<i32>} : memref<16x128xf32, #tpu.memory_space<vmem>>, vector<16xf32>,
    %add3A_659 = arith.addf %add3A_654, %get3A_658 : vector<16xf32>
    %get3A_660 = arith.constant 13 : i32
    %get3A_661 = arith.index_cast %get3A_660 : i32 to index
    %get3A_662 = arith.constant 96 : index
    %get3A_663 = tpu.vector_load %arg11[%get3A_661, %get3A_662] {strides = array<i32>} : memref<16x128xf32, #tpu.memory_space<vmem>>, vector<16xf32>,
    %add3A_664 = arith.addf %add3A_659, %get3A_663 : vector<16xf32>
    %get3A_665 = arith.constant 14 : i32
    %get3A_666 = arith.index_cast %get3A_665 : i32 to index
    %get3A_667 = arith.constant 96 : index
    %get3A_668 = tpu.vector_load %arg11[%get3A_666, %get3A_667] {strides = array<i32>} : memref<16x128xf32, #tpu.memory_space<vmem>>, vector<16xf32>,
    %add3A_669 = arith.addf %add3A_664, %get3A_668 : vector<16xf32>
    %get3A_670 = arith.constant 15 : i32
    %get3A_671 = arith.index_cast %get3A_670 : i32 to index
    %get3A_672 = arith.constant 96 : index
    %get3A_673 = tpu.vector_load %arg11[%get3A_671, %get3A_672] {strides = array<i32>} : memref<16x128xf32, #tpu.memory_space<vmem>>, vector<16xf32>,
    %add3A_674 = arith.addf %add3A_669, %get3A_673 : vector<16xf32>
    %broadcast_in_dim3A_675 = arith.constant 0.000000e+00 : f32
    %broadcast_in_dim3A_676 = vector.broadcast %broadcast_in_dim3A_675 : f32 to vector<16xf32>
    %sub3A_677 = arith.subf %broadcast_in_dim3A_676, %add3A_674 : vector<16xf32>
    %get3A_678 = arith.constant 96 : index
    %get3A_679 = tpu.vector_load %arg13[%get3A_678] {strides = array<i32>} : memref<128xf32, #tpu.memory_space<vmem>>, vector<16xf32>,
    %mul3A_680 = arith.mulf %sub3A_677, %get3A_679 : vector<16xf32>
    %swap3A_681 = arith.constant 96 : index
    %swap3A_682 = tpu.vector_load %arg12[%swap3A_681] {strides = array<i32>} : memref<128xf32, #tpu.memory_space<vmem>>, vector<16xf32>,
    tpu.vector_store %arg12[%swap3A_681], %mul3A_680 {strides = array<i32>} : memref<128xf32, #tpu.memory_space<vmem>>, vector<16xf32>,
    %get3A_683 = arith.constant 0 : i32
    %get3A_684 = arith.index_cast %get3A_683 : i32 to index
    %get3A_685 = arith.constant 112 : index
    %get3A_686 = tpu.vector_load %arg11[%get3A_684, %get3A_685] {strides = array<i32>} : memref<16x128xf32, #tpu.memory_space<vmem>>, vector<16xf32>,
    %get3A_687 = arith.constant 1 : i32
    %get3A_688 = arith.index_cast %get3A_687 : i32 to index
    %get3A_689 = arith.constant 112 : index
    %get3A_690 = tpu.vector_load %arg11[%get3A_688, %get3A_689] {strides = array<i32>} : memref<16x128xf32, #tpu.memory_space<vmem>>, vector<16xf32>,
    %add3A_691 = arith.addf %get3A_686, %get3A_690 : vector<16xf32>
    %get3A_692 = arith.constant 2 : i32
    %get3A_693 = arith.index_cast %get3A_692 : i32 to index
    %get3A_694 = arith.constant 112 : index
    %get3A_695 = tpu.vector_load %arg11[%get3A_693, %get3A_694] {strides = array<i32>} : memref<16x128xf32, #tpu.memory_space<vmem>>, vector<16xf32>,
    %add3A_696 = arith.addf %add3A_691, %get3A_695 : vector<16xf32>
    %get3A_697 = arith.constant 3 : i32
    %get3A_698 = arith.index_cast %get3A_697 : i32 to index
    %get3A_699 = arith.constant 112 : index
    %get3A_700 = tpu.vector_load %arg11[%get3A_698, %get3A_699] {strides = array<i32>} : memref<16x128xf32, #tpu.memory_space<vmem>>, vector<16xf32>,
    %add3A_701 = arith.addf %add3A_696, %get3A_700 : vector<16xf32>
    %get3A_702 = arith.constant 4 : i32
    %get3A_703 = arith.index_cast %get3A_702 : i32 to index
    %get3A_704 = arith.constant 112 : index
    %get3A_705 = tpu.vector_load %arg11[%get3A_703, %get3A_704] {strides = array<i32>} : memref<16x128xf32, #tpu.memory_space<vmem>>, vector<16xf32>,
    %add3A_706 = arith.addf %add3A_701, %get3A_705 : vector<16xf32>
    %get3A_707 = arith.constant 5 : i32
    %get3A_708 = arith.index_cast %get3A_707 : i32 to index
    %get3A_709 = arith.constant 112 : index
    %get3A_710 = tpu.vector_load %arg11[%get3A_708, %get3A_709] {strides = array<i32>} : memref<16x128xf32, #tpu.memory_space<vmem>>, vector<16xf32>,
    %add3A_711 = arith.addf %add3A_706, %get3A_710 : vector<16xf32>
    %get3A_712 = arith.constant 6 : i32
    %get3A_713 = arith.index_cast %get3A_712 : i32 to index
    %get3A_714 = arith.constant 112 : index
    %get3A_715 = tpu.vector_load %arg11[%get3A_713, %get3A_714] {strides = array<i32>} : memref<16x128xf32, #tpu.memory_space<vmem>>, vector<16xf32>,
    %add3A_716 = arith.addf %add3A_711, %get3A_715 : vector<16xf32>
    %get3A_717 = arith.constant 7 : i32
    %get3A_718 = arith.index_cast %get3A_717 : i32 to index
    %get3A_719 = arith.constant 112 : index
    %get3A_720 = tpu.vector_load %arg11[%get3A_718, %get3A_719] {strides = array<i32>} : memref<16x128xf32, #tpu.memory_space<vmem>>, vector<16xf32>,
    %add3A_721 = arith.addf %add3A_716, %get3A_720 : vector<16xf32>
    %get3A_722 = arith.constant 8 : i32
    %get3A_723 = arith.index_cast %get3A_722 : i32 to index
    %get3A_724 = arith.constant 112 : index
    %get3A_725 = tpu.vector_load %arg11[%get3A_723, %get3A_724] {strides = array<i32>} : memref<16x128xf32, #tpu.memory_space<vmem>>, vector<16xf32>,
    %add3A_726 = arith.addf %add3A_721, %get3A_725 : vector<16xf32>
    %get3A_727 = arith.constant 9 : i32
    %get3A_728 = arith.index_cast %get3A_727 : i32 to index
    %get3A_729 = arith.constant 112 : index
    %get3A_730 = tpu.vector_load %arg11[%get3A_728, %get3A_729] {strides = array<i32>} : memref<16x128xf32, #tpu.memory_space<vmem>>, vector<16xf32>,
    %add3A_731 = arith.addf %add3A_726, %get3A_730 : vector<16xf32>
    %get3A_732 = arith.constant 10 : i32
    %get3A_733 = arith.index_cast %get3A_732 : i32 to index
    %get3A_734 = arith.constant 112 : index
    %get3A_735 = tpu.vector_load %arg11[%get3A_733, %get3A_734] {strides = array<i32>} : memref<16x128xf32, #tpu.memory_space<vmem>>, vector<16xf32>,
    %add3A_736 = arith.addf %add3A_731, %get3A_735 : vector<16xf32>
    %get3A_737 = arith.constant 11 : i32
    %get3A_738 = arith.index_cast %get3A_737 : i32 to index
    %get3A_739 = arith.constant 112 : index
    %get3A_740 = tpu.vector_load %arg11[%get3A_738, %get3A_739] {strides = array<i32>} : memref<16x128xf32, #tpu.memory_space<vmem>>, vector<16xf32>,
    %add3A_741 = arith.addf %add3A_736, %get3A_740 : vector<16xf32>
    %get3A_742 = arith.constant 12 : i32
    %get3A_743 = arith.index_cast %get3A_742 : i32 to index
    %get3A_744 = arith.constant 112 : index
    %get3A_745 = tpu.vector_load %arg11[%get3A_743, %get3A_744] {strides = array<i32>} : memref<16x128xf32, #tpu.memory_space<vmem>>, vector<16xf32>,
    %add3A_746 = arith.addf %add3A_741, %get3A_745 : vector<16xf32>
    %get3A_747 = arith.constant 13 : i32
    %get3A_748 = arith.index_cast %get3A_747 : i32 to index
    %get3A_749 = arith.constant 112 : index
    %get3A_750 = tpu.vector_load %arg11[%get3A_748, %get3A_749] {strides = array<i32>} : memref<16x128xf32, #tpu.memory_space<vmem>>, vector<16xf32>,
    %add3A_751 = arith.addf %add3A_746, %get3A_750 : vector<16xf32>
    %get3A_752 = arith.constant 14 : i32
    %get3A_753 = arith.index_cast %get3A_752 : i32 to index
    %get3A_754 = arith.constant 112 : index
    %get3A_755 = tpu.vector_load %arg11[%get3A_753, %get3A_754] {strides = array<i32>} : memref<16x128xf32, #tpu.memory_space<vmem>>, vector<16xf32>,
    %add3A_756 = arith.addf %add3A_751, %get3A_755 : vector<16xf32>
    %get3A_757 = arith.constant 15 : i32
    %get3A_758 = arith.index_cast %get3A_757 : i32 to index
    %get3A_759 = arith.constant 112 : index
    %get3A_760 = tpu.vector_load %arg11[%get3A_758, %get3A_759] {strides = array<i32>} : memref<16x128xf32, #tpu.memory_space<vmem>>, vector<16xf32>,
    %add3A_761 = arith.addf %add3A_756, %get3A_760 : vector<16xf32>
    %broadcast_in_dim3A_762 = arith.constant 0.000000e+00 : f32
    %broadcast_in_dim3A_763 = vector.broadcast %broadcast_in_dim3A_762 : f32 to vector<16xf32>
    %sub3A_764 = arith.subf %broadcast_in_dim3A_763, %add3A_761 : vector<16xf32>
    %get3A_765 = arith.constant 112 : index
    %get3A_766 = tpu.vector_load %arg13[%get3A_765] {strides = array<i32>} : memref<128xf32, #tpu.memory_space<vmem>>, vector<16xf32>,
    %mul3A_767 = arith.mulf %sub3A_764, %get3A_766 : vector<16xf32>
    %swap3A_768 = arith.constant 112 : index
    %swap3A_769 = tpu.vector_load %arg12[%swap3A_768] {strides = array<i32>} : memref<128xf32, #tpu.memory_space<vmem>>, vector<16xf32>,
    tpu.vector_store %arg12[%swap3A_768], %mul3A_767 {strides = array<i32>} : memref<128xf32, #tpu.memory_space<vmem>>, vector<16xf32>,
    "tpu.region"() ({
      %run_scoped3A_786 = tpu.sem_alloc : memref<!tpu.dma_semaphore, #tpu.memory_space<semaphore_mem>>
      %dma_start3A = tpu.memref_slice %arg15[%mul3A_2] : memref<2048xf32, #tpu.memory_space<vmem_shared>> -> memref<128xf32, #tpu.memory_space<vmem_shared>>
      %dma_start3A_787 = tpu.memref_slice %arg15[%mul3A_2] : memref<2048xf32, #tpu.memory_space<vmem_shared>> -> memref<128xf32, #tpu.memory_space<vmem_shared>>
      tpu.enqueue_dma source(%arg12 : memref<128xf32, #tpu.memory_space<vmem>>) target(%dma_start3A_787 : memref<128xf32, #tpu.memory_space<vmem_shared>>) target_semaphore(%run_scoped3A_786 : memref<!tpu.dma_semaphore, #tpu.memory_space<semaphore_mem>>)
      %dma_wait3A = tpu.memref_slice %arg15[%mul3A_2] : memref<2048xf32, #tpu.memory_space<vmem_shared>> -> memref<128xf32, #tpu.memory_space<vmem_shared>>
      %dma_wait3A_788 = tpu.memref_slice %arg15[%mul3A_2] : memref<2048xf32, #tpu.memory_space<vmem_shared>> -> memref<128xf32, #tpu.memory_space<vmem_shared>>
      tpu.wait_dma2 semaphore(%run_scoped3A_786 : memref<!tpu.dma_semaphore, #tpu.memory_space<semaphore_mem>>) src(%arg12 : memref<128xf32, #tpu.memory_space<vmem>>) dst(%dma_wait3A_788 : memref<128xf32, #tpu.memory_space<vmem_shared>>)
      tpu.yield
    }) : () -> ()
    %barrier3A_770 = arith.constant 0 : index
    tpu.barrier barrier_id(%barrier3A_770)
    "tpu.region"() ({
      %run_scoped3A_786 = tpu.sem_alloc : memref<!tpu.dma_semaphore, #tpu.memory_space<semaphore_mem>>
      tpu.enqueue_dma source(%arg15 : memref<2048xf32, #tpu.memory_space<vmem_shared>>) target(%arg10 : memref<2048xf32, #tpu.memory_space<vmem>>) target_semaphore(%run_scoped3A_786 : memref<!tpu.dma_semaphore, #tpu.memory_space<semaphore_mem>>)
      tpu.wait_dma2 semaphore(%run_scoped3A_786 : memref<!tpu.dma_semaphore, #tpu.memory_space<semaphore_mem>>) src(%arg15 : memref<2048xf32, #tpu.memory_space<vmem_shared>>) dst(%arg10 : memref<2048xf32, #tpu.memory_space<vmem>>)
      tpu.yield
    }) : () -> ()
    %scan3A_771 = arith.constant 0 : i32
    %scan3A_772 = arith.constant 0 : i32
    %scan3A_773 = arith.constant 400 : i32
    %scan3A_774 = arith.addi %scan3A_772, %scan3A_773 : i32
    %scan3A_775 = arith.constant 1 : i32
    %scan3A_776 = scf.for %scan3A_786 = %scan3A_772 to %scan3A_774 step %scan3A_775 iter_args(%scan3A_787 = %scan3A_771) -> (i32)  : i32 {
      %mul3A_788 = arith.constant 16 : i32
      %mul3A_789 = arith.muli %scan3A_786, %mul3A_788 : i32
      %get3A_790 = arith.index_cast %mul3A_789 : i32 to index
      %get3A_791 = tpu.vector_load %arg6[%get3A_790] {strides = array<i32>} : memref<6400xi32, #tpu.memory_space<vmem>>, vector<16xi32>,
      %get3A_792 = arith.index_cast %mul3A_789 : i32 to index
      %get3A_793 = tpu.vector_load %arg7[%get3A_792] {strides = array<i32>} : memref<6400xf32, #tpu.memory_space<vmem>>, vector<16xf32>,
      %gather3A = tpu.vector_load_idx %arg10[%get3A_791] : memref<2048xf32, #tpu.memory_space<vmem>>[vector<16xi32>], vector<16xf32>,
      %add3A_794 = arith.addf %get3A_793, %gather3A : vector<16xf32>
      %swap3A_795 = arith.index_cast %mul3A_789 : i32 to index
      %swap3A_796 = tpu.vector_load %arg8[%swap3A_795] {strides = array<i32>} : memref<6400xf32, #tpu.memory_space<vmem>>, vector<16xf32>,
      tpu.vector_store %arg8[%swap3A_795], %add3A_794 {strides = array<i32>} : memref<6400xf32, #tpu.memory_space<vmem>>, vector<16xf32>,
      %scan3A_797 = arith.constant 0 : i32
      scf.yield %scan3A_797 : i32
    }
    %scan3A_777 = arith.constant 400 : i32
    %not3A_778 = arith.constant true
    %not3A_779 = arith.xori %eq3A_3, %not3A_778 : i1
    %convert_element_type3A_780 = arith.extui %not3A_779 : i1 to i32
    %cond3A_781 = arith.constant 0 : i32
    %cond3A_782 = arith.cmpi ne, %convert_element_type3A_780, %cond3A_781 : i32
    scf.if %cond3A_782 {
      "tpu.region"() ({
        %run_scoped3A_786 = tpu.sem_alloc : memref<!tpu.dma_semaphore, #tpu.memory_space<semaphore_mem>>
        %dma_start3A = tpu.memref_slice %arg5[%mul3A_0] : memref<100000xf32, #tpu.memory_space<hbm>> -> memref<6400xf32, #tpu.memory_space<hbm>>
        %dma_start3A_787 = tpu.memref_slice %arg5[%mul3A_0] : memref<100000xf32, #tpu.memory_space<hbm>> -> memref<6400xf32, #tpu.memory_space<hbm>>
        tpu.enqueue_dma source(%arg8 : memref<6400xf32, #tpu.memory_space<vmem>>) target(%dma_start3A_787 : memref<6400xf32, #tpu.memory_space<hbm>>) target_semaphore(%run_scoped3A_786 : memref<!tpu.dma_semaphore, #tpu.memory_space<semaphore_mem>>)
        %dma_wait3A = tpu.memref_slice %arg5[%mul3A_0] : memref<100000xf32, #tpu.memory_space<hbm>> -> memref<6400xf32, #tpu.memory_space<hbm>>
        %dma_wait3A_788 = tpu.memref_slice %arg5[%mul3A_0] : memref<100000xf32, #tpu.memory_space<hbm>> -> memref<6400xf32, #tpu.memory_space<hbm>>
        tpu.wait_dma2 semaphore(%run_scoped3A_786 : memref<!tpu.dma_semaphore, #tpu.memory_space<semaphore_mem>>) src(%arg8 : memref<6400xf32, #tpu.memory_space<vmem>>) dst(%dma_wait3A_788 : memref<6400xf32, #tpu.memory_space<hbm>>)
        tpu.yield
      }) : () -> ()
    } else {
    }
    %convert_element_type3A_783 = arith.extui %eq3A_3 : i1 to i32
    %cond3A_784 = arith.constant 0 : i32
    %cond3A_785 = arith.cmpi ne, %convert_element_type3A_783, %cond3A_784 : i32
    scf.if %cond3A_785 {
      "tpu.region"() ({
        %run_scoped3A_786 = tpu.sem_alloc : memref<!tpu.dma_semaphore, #tpu.memory_space<semaphore_mem>>
        %dma_start3A = arith.constant 0 : i32
        %dma_start3A_787 = tpu.memref_slice %arg8[%dma_start3A] : memref<6400xf32, #tpu.memory_space<vmem>> -> memref<4000xf32, #tpu.memory_space<vmem>>
        %dma_start3A_788 = tpu.memref_slice %arg5[%mul3A_0] : memref<100000xf32, #tpu.memory_space<hbm>> -> memref<4000xf32, #tpu.memory_space<hbm>>
        %dma_start3A_789 = tpu.memref_slice %arg5[%mul3A_0] : memref<100000xf32, #tpu.memory_space<hbm>> -> memref<4000xf32, #tpu.memory_space<hbm>>
        %dma_start3A_790 = arith.constant 0 : i32
        %dma_start3A_791 = tpu.memref_slice %arg8[%dma_start3A_790] : memref<6400xf32, #tpu.memory_space<vmem>> -> memref<4000xf32, #tpu.memory_space<vmem>>
        tpu.enqueue_dma source(%dma_start3A_791 : memref<4000xf32, #tpu.memory_space<vmem>>) target(%dma_start3A_789 : memref<4000xf32, #tpu.memory_space<hbm>>) target_semaphore(%run_scoped3A_786 : memref<!tpu.dma_semaphore, #tpu.memory_space<semaphore_mem>>)
        %dma_wait3A = arith.constant 0 : i32
        %dma_wait3A_792 = tpu.memref_slice %arg8[%dma_wait3A] : memref<6400xf32, #tpu.memory_space<vmem>> -> memref<4000xf32, #tpu.memory_space<vmem>>
        %dma_wait3A_793 = tpu.memref_slice %arg5[%mul3A_0] : memref<100000xf32, #tpu.memory_space<hbm>> -> memref<4000xf32, #tpu.memory_space<hbm>>
        %dma_wait3A_794 = tpu.memref_slice %arg5[%mul3A_0] : memref<100000xf32, #tpu.memory_space<hbm>> -> memref<4000xf32, #tpu.memory_space<hbm>>
        %dma_wait3A_795 = arith.constant 0 : i32
        %dma_wait3A_796 = tpu.memref_slice %arg8[%dma_wait3A_795] : memref<6400xf32, #tpu.memory_space<vmem>> -> memref<4000xf32, #tpu.memory_space<vmem>>
        tpu.wait_dma2 semaphore(%run_scoped3A_786 : memref<!tpu.dma_semaphore, #tpu.memory_space<semaphore_mem>>) src(%dma_wait3A_796 : memref<4000xf32, #tpu.memory_space<vmem>>) dst(%dma_wait3A_794 : memref<4000xf32, #tpu.memory_space<hbm>>)
        tpu.yield
      }) : () -> ()
    } else {
    }
    return
  }
}

module attributes {stable_mosaic.version = 14 : i64} {
  func.func @_mlp_body(%arg0: i32, %arg1: memref<20000x128xf32, #tpu.memory_space<vmem>>, %arg2: memref<128x64xf32, #tpu.memory_space<vmem>>, %arg3: memref<64xf32, #tpu.memory_space<vmem>>, %arg4: memref<64x1xf32, #tpu.memory_space<vmem>>, %arg5: memref<1xf32, #tpu.memory_space<vmem>>, %arg6: memref<1x1x20000xf32, #tpu.memory_space<vmem>>) attributes {dimension_semantics = [#tpu.dimension_semantics<arbitrary>], iteration_bounds = array<i64: 5>, scalar_prefetch = 0 : i64, scratch_operands = 0 : i64, tpu.core_type = #tpu.core_type<tc>, window_params = [{transform_indices = @transform_0, window_bounds = array<i64: 20000, 128>}, {pipeline_mode = #tpu.pipeline_mode<synchronous>, transform_indices = @transform_1, window_bounds = array<i64: 128, 64>}, {pipeline_mode = #tpu.pipeline_mode<synchronous>, transform_indices = @transform_2, window_bounds = array<i64: 64>}, {pipeline_mode = #tpu.pipeline_mode<synchronous>, transform_indices = @transform_3, window_bounds = array<i64: 64, 1>}, {pipeline_mode = #tpu.pipeline_mode<synchronous>, transform_indices = @transform_4, window_bounds = array<i64: 1>}, {transform_indices = @transform_5, window_bounds = array<i64: 1, 1, 20000>}]} {
    %get3A = arith.constant 0 : index
    %get3A_0 = arith.constant 0 : index
    %get3A_1 = vector.load %arg2[%get3A, %get3A_0] : memref<128x64xf32, #tpu.memory_space<vmem>>, vector<128x64xf32>
    %get3A_2 = arith.constant 0 : index
    %get3A_3 = arith.constant 0 : index
    %get3A_4 = vector.load %arg1[%get3A_2, %get3A_3] : memref<20000x128xf32, #tpu.memory_space<vmem>>, vector<20000x128xf32>
    %dot_general3A = arith.constant dense<0.000000e+00> : vector<64x20000xf32>
    %dot_general3A_5 = tpu.matmul %get3A_1, %get3A_4, %dot_general3A {dimension_numbers = #tpu.dot_dimension_numbers<[0], [1], [1], [0], [0, 1, 1, 0], [], []>, transpose_lhs_hint = false} : vector<128x64xf32>, vector<20000x128xf32>, vector<64x20000xf32> -> vector<64x20000xf32>
    %get3A_6 = arith.constant 0 : index
    %get3A_7 = vector.load %arg3[%get3A_6] : memref<64xf32, #tpu.memory_space<vmem>>, vector<64xf32>
    %reshape3A = vector.shape_cast %get3A_7 : vector<64xf32> to vector<64x1xf32>
    %add3A = vector.broadcast %reshape3A : vector<64x1xf32> to vector<64x20000xf32>
    %add3A_8 = arith.addf %dot_general3A_5, %add3A : vector<64x20000xf32>
    %logistic3A = arith.negf %add3A_8 : vector<64x20000xf32>
    %logistic3A_9 = math.exp %logistic3A : vector<64x20000xf32>
    %logistic3A_10 = arith.constant 1.000000e+00 : f32
    %logistic3A_11 = vector.broadcast %logistic3A_10 : f32 to vector<64x20000xf32>
    %logistic3A_12 = arith.addf %logistic3A_11, %logistic3A_9 : vector<64x20000xf32>
    %logistic3A_13 = arith.divf %logistic3A_11, %logistic3A_12 : vector<64x20000xf32>
    %mul3A = arith.mulf %add3A_8, %logistic3A_13 : vector<64x20000xf32>
    %get3A_14 = arith.constant 0 : index
    %get3A_15 = arith.constant 0 : index
    %get3A_16 = vector.load %arg4[%get3A_14, %get3A_15] : memref<64x1xf32, #tpu.memory_space<vmem>>, vector<64x1xf32>
    %dot_general3A_17 = arith.constant dense<0.000000e+00> : vector<1x20000xf32>
    %dot_general3A_18 = tpu.matmul %get3A_16, %mul3A, %dot_general3A_17 {dimension_numbers = #tpu.dot_dimension_numbers<[0], [0], [1], [1], [0, 1, 1, 1], [], []>, transpose_lhs_hint = false} : vector<64x1xf32>, vector<64x20000xf32>, vector<1x20000xf32> -> vector<1x20000xf32>
    %get3A_19 = arith.constant 0 : index
    %get3A_20 = vector.load %arg5[%get3A_19] : memref<1xf32, #tpu.memory_space<vmem>>, vector<1xf32>
    %get3A_21 = vector.extract %get3A_20[0] : f32 from vector<1xf32>
    %add3A_22 = vector.broadcast %get3A_21 : f32 to vector<1x20000xf32>
    %add3A_23 = arith.addf %dot_general3A_18, %add3A_22 : vector<1x20000xf32>
    %reshape3A_24 = vector.shape_cast %add3A_23 : vector<1x20000xf32> to vector<1x1x20000xf32>
    %swap3A = arith.constant 0 : index
    %swap3A_25 = arith.constant 0 : index
    %swap3A_26 = arith.constant 0 : index
    %swap3A_27 = vector.load %arg6[%swap3A, %swap3A_25, %swap3A_26] : memref<1x1x20000xf32, #tpu.memory_space<vmem>>, vector<1x1x20000xf32>
    tpu.vector_store %arg6[%swap3A, %swap3A_25, %swap3A_26], %reshape3A_24 {strides = array<i32>} : memref<1x1x20000xf32, #tpu.memory_space<vmem>>, vector<1x1x20000xf32>,
    return
  }
  func.func @transform_0(%arg0: i32) -> (i32, i32) {
    %c0_i32 = arith.constant 0 : i32
    %c0_i32_0 = arith.constant 0 : i32
    return %arg0, %c0_i32 : i32, i32
  }
  func.func @transform_1(%arg0: i32) -> (i32, i32) {
    %c0_i32 = arith.constant 0 : i32
    %c0_i32_0 = arith.constant 0 : i32
    %c0_i32_1 = arith.constant 0 : i32
    return %c0_i32, %c0_i32_0 : i32, i32
  }
  func.func @transform_2(%arg0: i32) -> i32 {
    %c0_i32 = arith.constant 0 : i32
    %c0_i32_0 = arith.constant 0 : i32
    return %c0_i32 : i32
  }
  func.func @transform_3(%arg0: i32) -> (i32, i32) {
    %c0_i32 = arith.constant 0 : i32
    %c0_i32_0 = arith.constant 0 : i32
    %c0_i32_1 = arith.constant 0 : i32
    return %c0_i32, %c0_i32_0 : i32, i32
  }
  func.func @transform_4(%arg0: i32) -> i32 {
    %c0_i32 = arith.constant 0 : i32
    %c0_i32_0 = arith.constant 0 : i32
    return %c0_i32 : i32
  }
  func.func @transform_5(%arg0: i32) -> (i32, i32, i32) {
    %c0_i32 = arith.constant 0 : i32
    %c0_i32_0 = arith.constant 0 : i32
    %c0_i32_1 = arith.constant 0 : i32
    return %arg0, %c0_i32, %c0_i32_0 : i32, i32, i32
  }
}

</mosaic_0001>

<sc_bundles>
// kernel: kernel.5.cloned.1.call-start
scs
__scs_entry_jumppad:
0x0: {  	(pc) =	sbr.rel $0x88, $3  }
0x1: {  	(tag) =	ssettag $0x0;
	lr =	simm.s32 $0x1  }
0x2: {  	[smem:$0x3F9B] =	sst lr;
	_ =	strace $0xD0000000  }
0x3: {  	_ = 	snop  }
0x4: {  	_ = 	snop  }
0x5: {  	_ = 	snop  }
0x6: {  	_ = 	snop  }
0x7: {  	_ = 	snop  }
__scs_overlays_trampoline_lowered:
0x8: {  	[smem:$0x3FAA] =	sst s0  }
0x9: {  	[smem:$0x3FAB] =	sst s1  }
0xa: {  	[smem:$0x3FAC] =	sst s2  }
0xb: {  	[smem:$0x3FAD] =	sst s3  }
0xc: {  	[smem:$0x3FAE] =	sst s4  }
0xd: {  	[smem:$0x3FAF] =	sst s5  }
0xe: {  	[smem:$0x3FB0] =	sst s6  }
0xf: {  	[smem:$0x3FB1] =	sst s7  }
0x10: {  	[smem:$0x3FB2] =	sst s8  }
0x11: {  	[smem:$0x3FB3] =	sst s9;
	s0 =	simm.s32 @!p0 $0x0  }
0x12: {  	s1 =	sld [smem:$0x3F99];
	s0 =	simm.s32 @p0 $0x1  }
0x13: {  	[smem:$0x3FB4] =	sst s0;
	s0 =	simm.s32 @!p1 $0x0  }
0x14: {  	s2 =	sld [smem:$0x3F98];
	s0 =	simm.s32 @p1 $0x1  }
0x15: {  	[smem:$0x3FB5] =	sst s0;
	s0 =	simm.s32 @!p2 $0x0  }
0x16: {  	s3 =	sld [smem:$0x3FDB];
	s0 =	simm.s32 @p2 $0x1  }
0x17: {  	s4 =	simm.s32 $0x1BF5;
	[smem:$0x3FB7] =	sst s0  }
0x18: {  	s0 =	sld [smem:$0x3F9A];
	_ =	swait.ge [sflag:s4], $0x0  }
0x19: {  	s7 =	sld [smem:$0x3F9B]  }
0x1a: {  	s8 =	sadd.s32 $0xFFFFE003, lr  }
0x1b: {  	s9 =	sadd.s32 $0xFFFFFEF7, lr;
	s5 =	simm.s32 $0xFFFFFFFF;
	p2 =	slt.u32 s8, $0xFFFFF086  }
0x1c: {  	p1 =	slt.u32 s9, $0xF7A;
	s5 =	simm.s32 @!p2 $0x0  }
0x1d: {  	s5 =	simm.s32 @p1 $0x1;
	p0 =	seq.s32 s7, s2  }
0x1e: {  	s7 =	smul.u32 @!p0 $0xF7A, s2;
	p2 =	seq.s32 @!p0 s5, $0x0  }
0x1f: {  	s9 =	smul.u32 $0xF7A, s1;
	s8 =	simm.s32 @!p0 $0x1BF5;
	p2 =	por !p2, p0  }
0x20: {  	[sflag:s8] =	ssyncset.s32 @!p0 $0xFFFFF086;
	s6 =	sadd.s32 @!p0 s3, s7;
	s7 =	simm.s32 @!p0 $0x108  }
0x21: {  	s3 =	sadd.s32 s3, s9;
	s6 =	sadd.s32 @!p0 $0x88, s6;
	s7 =	simm.s32 @p2 $0x1082  }
0x22: {  	[simem:s7], [sflag:s8] =	dma.local @!p0 [hbm:s6], $0xF7A  }
0x23: {  	s9 =	sor.u32 $0xD0000000, s2;
	s6 =	simm.s32 $0x108;
	_ =	swait.ge @!p0 [sflag:s8], $0x0  }
0x24: {  	s3 =	sadd.s32 $0x88, s3;
	s6 =	simm.s32 @!p1 $0x1082;
	[sflag:s4] =	ssyncset.s32 $0xFFFFF086  }
0x25: {  	[simem:s6], [sflag:s4] =	dma.local [hbm:s3], $0xF7A  }
0x26: {  	[smem:$0x3F9B] =	sst s1;
	(tag) =	ssettag s2;
	_ =	strace s9  }
0x27: {  	s1 =	sld [smem:$0x3FAB]  }
0x28: {  	s2 =	sld [smem:$0x3FAC]  }
0x29: {  	s4 =	sld [smem:$0x3FAE]  }
0x2a: {  	p0 =	seq.s32 s5, $0x0;
	s5 =	sld [smem:$0x3FAF]  }
0x2b: {  	s6 =	sld [smem:$0x3FB0]  }
0x2c: {  	s7 =	sld [smem:$0x3FB1]  }
0x2d: {  	s3 =	simm.s32 $0x108;
	s8 =	sld [smem:$0x3FB2]  }
0x2e: {  	s3 =	simm.s32 @!p0 $0x1082;
	s9 =	sld [smem:$0x3FB3]  }
0x2f: {  	lr =	sadd.s32 s0, s3;
	s0 =	sld [smem:$0x3FAA]  }
0x30: {  	s3 =	sld [smem:$0x3FAD]  }
0x31: {  	[smem:$0x3FB6] =	sst s10  }
0x32: {  	s10 =	sld [smem:$0x3FB4];
	_ =	sdelay $0x3  }
0x33: {  	p0 =	seq.s32 s10, $0x1;
	s10 =	sld [smem:$0x3FB6];
	_ =	sdelay $0x3  }
0x34: {  	[smem:$0x3FB6] =	sst s10  }
0x35: {  	s10 =	sld [smem:$0x3FB5];
	_ =	sdelay $0x3  }
0x36: {  	p1 =	seq.s32 s10, $0x1;
	s10 =	sld [smem:$0x3FB6];
	_ =	sdelay $0x3  }
0x37: {  	[smem:$0x3FB6] =	sst s10  }
0x38: {  	s10 =	sld [smem:$0x3FB7]  }
0x39: {  	_ = 	snop;
	(pc) =	sbr.ind lr, $3  }
0x3a: {  	_ = 	snop  }
0x3b: {  	_ = 	snop  }
0x3c: {  	p2 =	seq.s32 s10, $0x1;
	s10 =	sld [smem:$0x3FB6]  }
0x3d: {  	_ =	shalt  }
0x3e: {  	_ =	shalt  }
0x3f: {  	_ =	shalt  }
0x40: {  	_ =	shalt  }
0x41: {  	_ =	shalt  }
0x42: {  	_ =	shalt  }
0x43: {  	_ =	shalt  }
0x44: {  	_ =	shalt  }
0x45: {  	_ =	shalt  }
0x46: {  	_ =	shalt  }
0x47: {  	_ =	shalt  }
0x48: {  	_ =	shalt  }
0x49: {  	_ =	shalt  }
0x4a: {  	_ =	shalt  }
0x4b: {  	_ =	shalt  }
0x4c: {  	_ =	shalt  }
0x4d: {  	_ =	shalt  }
0x4e: {  	_ =	shalt  }
0x4f: {  	_ =	shalt  }
0x50: {  	_ =	shalt  }
0x51: {  	_ =	shalt  }
0x52: {  	_ =	shalt  }
0x53: {  	_ =	shalt  }
0x54: {  	_ =	shalt  }
0x55: {  	_ =	shalt  }
0x56: {  	_ =	shalt  }
0x57: {  	_ =	shalt  }
0x58: {  	_ =	shalt  }
0x59: {  	_ =	shalt  }
0x5a: {  	_ =	shalt  }
0x5b: {  	_ =	shalt  }
0x5c: {  	_ =	shalt  }
0x5d: {  	_ =	shalt  }
0x5e: {  	_ =	shalt  }
0x5f: {  	_ =	shalt  }
0x60: {  	_ =	shalt  }
0x61: {  	_ =	shalt  }
0x62: {  	_ =	shalt  }
0x63: {  	_ =	shalt  }
0x64: {  	_ =	shalt  }
0x65: {  	_ =	shalt  }
0x66: {  	_ =	shalt  }
0x67: {  	_ =	shalt  }
0x68: {  	_ =	shalt  }
0x69: {  	_ =	shalt  }
0x6a: {  	_ =	shalt  }
0x6b: {  	_ =	shalt  }
0x6c: {  	_ =	shalt  }
0x6d: {  	_ =	shalt  }
0x6e: {  	_ =	shalt  }
0x6f: {  	_ =	shalt  }
0x70: {  	_ =	shalt  }
0x71: {  	_ =	shalt  }
0x72: {  	_ =	shalt  }
0x73: {  	_ =	shalt  }
0x74: {  	_ =	shalt  }
0x75: {  	_ =	shalt  }
0x76: {  	_ =	shalt  }
0x77: {  	_ =	shalt  }
0x78: {  	_ =	shalt  }
0x79: {  	_ =	shalt  }
0x7a: {  	_ =	shalt  }
0x7b: {  	_ =	shalt  }
0x7c: {  	_ =	shalt  }
0x7d: {  	_ =	shalt  }
0x7e: {  	_ =	shalt  }
0x7f: {  	_ =	shalt  }
0x80: {  	_ =	shalt  }
0x81: {  	_ =	shalt  }
0x82: {  	_ =	shalt  }
0x83: {  	_ =	shalt  }
0x84: {  	_ =	shalt  }
0x85: {  	_ =	shalt  }
0x86: {  	_ =	shalt  }
0x87: {  	_ =	shalt  }
.Lfunc_end0:
.L_simem_size_0:
called_computation_lowered:
.L_overlay_start_0:
0x88: {  	s0 =	sld [smem:$0x3FD9]  }
0x89: {  	s1 =	sld [smem:$0x3FFE];
	_ =	sdelay $0x3  }
0x8a: {  	s0 =	sadd.s32 s1, s0  }
0x8b: {  	[smem:$0x3FC2] =	sst s0  }
0x8c: {  	_ = 	snop  }
0x8d: {  	s0 =	sld [smem:$0x3FC8];
	(tm) =	ssettm $0x1  }
0x8e: {  	s16 =	sld [smem:$0x3FFB];
	_ =	sdelay $0x3  }
0x8f: {  	_ =	strace s16  }
0x90: {  	s1 =	sld [smem:$0x3FFC];
	_ =	sdelay $0x3  }
0x91: {  	_ =	strace s1  }
0x92: {  	s1 =	sld [smem:$0x3FFD];
	_ =	sdelay $0x3  }
0x93: {  	_ =	strace s1  }
0x94: {  	_ =	strace $0x8FFFFFFF  }
0x95: {  	s17 =	sld [smem:$0x3FDB];
	_ =	sdelay $0x1  }
0x96: {  	s2 =	simm.s32 $_scs_section_size  }
0x97: {  	s3 =	simm.s32 $_size__tile_overlayer_lowered;
	s4 =	simm.s32 $_tile_overlayer_lowered  }
0x98: {  	s20 =	simm.s32 $0x1BFF;
	s19 =	sshll.u32 s4, $0x1;
	s1 =	sadd.s32 s2, s17  }
0x99: {  	s5 =	simm.s32 $0x0;
	s18 =	sshll.u32 s3, $0x1;
	s3 =	sadd.s32 s19, s1  }
0x9a: {  	[timem:s5], [sflag:s20] =	dma.local [hbm:s3], s18  }
0x9b: {  	_ =	swait.ge [sflag:s20], s18  }
0x9c: {  	s2 =	ssub.s32 $0x0, s18;
	[sflag:s20] =	ssyncset.done $0x0  }
0x9d: {  	[sflag:s20] =	ssyncadd.s32 s2;
	_ =	sdelay $0x1  }
0x9e: {  	s21 =	simm.s32 $0x1B8B  }
0x9f: {  	_ =	swait.ge [sflag:s21], $0x1  }
0xa0: {  	[sflag:s21] =	ssyncset.done $0x0  }
0xa1: {  	s23 =	simm.s32 $0x1B8E;
	s22 =	sld [smem:$0x3FFE];
	[sflag:s21] =	ssyncadd.s32 $0xFFFFFFFF  }
0xa2: {  	s24 =	simm.s32 $execute0_lowered;
	[smem:$0x3FD2] =	sst s23  }
0xa3: {  	s3 =	sshll.u32 s24, $0x1;
	_ =	strace $0x80000046;
	[dreg:$0x1] =	wrdreg $0xFFFFFFFF  }
0xa4: {  	s25 =	simm.s32 $_size_execute0_lowered;
	s1 =	sadd.s32 s1, s3;
	[dreg:$0x0] =	wrdreg $0x0  }
0xa5: {  	s3 =	sshll.u32 s25, $0x1;
	[dreg:$0x2] =	wrdreg s1  }
0xa6: {  	[dreg:$0x3] =	wrdreg s3  }
0xa7: {  	[dreg:$0x4] =	wrdreg $0xC0  }
0xa8: {  	_ =	task [dreg:s5], $0x5FFFF  }
0xa9: {  	[dreg:$0x1] =	wrdreg $0xFFFFFFFF  }
0xaa: {  	[dreg:$0x0] =	wrdreg $0x60  }
0xab: {  	[dreg:$0x2] =	wrdreg s0  }
0xac: {  	[dreg:$0x3] =	wrdreg s22  }
0xad: {  	[dreg:$0x4] =	wrdreg $0x5B800  }
0xae: {  	[dreg:$0x5] =	wrdreg $0x9  }
0xaf: {  	_ =	task.clear_ibuf [dreg:s5], $0x6FFFF;
	_ =	strace $0x90000046  }
0xb0: {  	s26 =	simm.s32 $0x9;
	_ =	strace $0x80000048  }
0xb1: {  	_ =	swait.ge [sflag:s26], $0x1  }
0xb2: {  	[sflag:s26] =	ssyncadd.s32 $0xFFFFFFFF  }
0xb3: {  	_ =	strace $0x90000048  }
0xb4: {  	_ =	sfence  }
0xb5: {  	s28 =	sld [smem:$0x0];
	_ =	sdelay $0x1  }
0xb6: {  	s29 =	srdreg.scid  }
0xb7: {  	s30 =	sshll.u32 s29, $0xD;
	s31 =	sshrl.u32 s29, $0x2  }
0xb8: {  	s2 =	sand.u32 $0x4000, s30;
	s1 =	sand.u32 $0x1, s29;
	s0 =	sadd.s32 s31, s28  }
0xb9: {  	s1 =	sor.u32 s2, s1;
	s0 =	sshll.u32 s0, $0x11  }
0xba: {  	s0 =	sor.u32 s0, s1  }
0xbb: {  	s0 =	sadd.s32 $0x8F2B, s0  }
0xbc: {  	[sflag:s0] =	ssyncadd.remote.s32 $0x1  }
0xbd: {  	_ =	sfence.sel $0xFFFF  }
0xbe: {  	[dreg:$0x0] =	wrdreg $0xFFFFFFFF;
	(pc) =	sbr.abs _section_cstart, $3  }
0xbf: {  	[dreg:$0x1] =	wrdreg $0xFFFFFFFF  }
0xc0: {  	_ =	task.clear_ibuf [dreg:s5], $0x2FFFF;
	_ =	strace $0x9FFFFFFF  }
0xc1: {  	(tm) =	ssettm $0x7FFFFFFF  }
tec
execute0_lowered:
.L_overlay_start_1:
0x0: {  	(tag) =	ssettag $0x1  }
0x1: {  	s2 =	rddreg [dreg:$0x0]  }
0x2: {  	s4 =	rddreg [dreg:$0x1]  }
0x3: {  	s3 =	rddreg [dreg:$0x2]  }
0x4: {  	s1 =	stileid.u32;
	s0 =	rddreg [dreg:$0x3]  }
0x5: {  	s5 =	simm.s32 $0x0;
	s31 =	simm.s32 $0x1900;
	s6 =	smul.u32 $0x320, s1  }
0x6: {  	[smem:$0x7FF] =	sst s5;
	s8 =	sshll.u32 s1, $0x4;
	p0 =	seq.s32 s1, $0xF  }
0x7: {  	s30 =	sshll.u32 s1, $0x7;
	s22 =	sshll.u32 s1, $0xB;
	_ =	strace $0x80000047  }
0x8: {  	s21 =	sadd.s32 s8, s4;
	s19 =	sadd.s32 s30, s3;
	s20 =	sadd.s32 s22, s3  }
0x9: {  	v0 =	vmov s22;
	s22 =	simm.s32 $0x0;
	s7 =	sadd.s32 s6, s4;
	s18 =	sadd.s32 $0x800, s19  }
0xa: {  	s17 =	sadd.s32 $0x1000, s19;
	s16 =	sadd.s32 $0x1800, s19;
	s15 =	sadd.s32 $0x2000, s19  }
0xb: {  	s14 =	sadd.s32 $0x2800, s19;
	s13 =	sadd.s32 $0x3000, s19;
	s12 =	sadd.s32 $0x3800, s19  }
0xc: {  	s11 =	sadd.s32 $0x4000, s19;
	s10 =	sadd.s32 $0x4800, s19;
	s9 =	sadd.s32 $0x5000, s19  }
0xd: {  	s8 =	sadd.s32 $0x5800, s19;
	s4 =	sadd.s32 @p0 $0x2EE0, s2;
	s7 =	sadd.s32 $0x600, s7  }
0xe: {  	[tilespmem:s31], [sflag:$0x2] =	stream.linear.gather [hbm4b:s7+s5], $0x1900, $0x38;
	[tilespmem:$0x6380] =	vst v63  }
0xf: {  	s2 =	sadd.s32 @!p0 s2, s6;
	s6 =	sadd.s32 $0x6800, s19;
	s5 =	simm.s32 @p0 $0x0  }
0x10: {  	[tilespmem:s5], [sflag:$0x1] =	stream.linear.gather @p0 [hbm4b:s4+s5], $0xFA0, $0x38;
	[tilespmem:$0x6380] =	vst v63  }
0x11: {  	s7 =	sadd.s32 $0x6000, s19;
	s4 =	simm.s32 @!p0 $0x0;
	s5 =	sadd.s32 $0x7000, s19  }
0x12: {  	[tilespmem:s4], [sflag:$0x1] =	stream.linear.gather @!p0 [hbm4b:s2+s4], $0x1900, $0x38;
	[tilespmem:$0x6380] =	vst v63  }
0x13: {  	v1 =	vimm.f32 $0.0e+00;
	s4 =	sadd.s32 $0x7800, s19;
	s2 =	sadd.s32 $0x3800, s21;
	s21 =	simm.s32 $0x40  }
.LBB2_1:
0x14: {  	p1 =	sne.s32 s21, $0x1FC0;
	[tilespmem:s22+$0x4B00] =	vst v1;
	s22 =	smov.u32 s21;
	s21 =	sadd.s32 $0x40, s21  }
.Ltmp0:
0x15: {  	(pc) =	sbr.rel @p1 .LBB2_1-.Ltmp0, $2  }
0x16: {  	_ =	sdelay $0x2  }
0x17: {  	s22 =	sshra.s32 s22, $0x2  }
.Ltmp1:
0x18: {  	(pc) =	sbr.rel @!p0 .LBB2_3-.Ltmp1, $2  }
0x19: {  	_ =	sdelay $0x2  }
0x1a: {  	[tilespmem:s22+$0x4B00] =	vst v1;
	s21 =	simm.s32 $0x1  }
0x1b: {  	_ =	swait.ge [sflag:s21], $0xFA0  }
0x1c: {  	[sflag:s21] =	ssyncset.done $0x0  }
0x1d: {  	v1 =	vimm.s32 $0x0;
	s22 =	simm.s32 $0x0;
	[sflag:s21] =	ssyncadd.s32 $0xFFFFF060;
	s21 =	simm.s32 $0x40  }
.LBB2_5:
0x1e: {  	p0 =	sne.s32 s21, $0x2540;
	[tilespmem:s22+$0xFA0] =	vst v1;
	s22 =	smov.u32 s21;
	s21 =	sadd.s32 $0x40, s21  }
.Ltmp2:
0x1f: {  	(pc) =	sbr.rel @p0 .LBB2_5-.Ltmp2, $2  }
0x20: {  	_ =	sdelay $0x2  }
0x21: {  	s22 =	sshra.s32 s22, $0x2  }
.Ltmp3:
0x22: {  	(pc) =	sbr.rel .LBB2_7-.Ltmp3, $2  }
0x23: {  	_ =	sdelay $0x2  }
0x24: {  	[tilespmem:s22+$0xFA0] =	vst v1  }
.LBB2_3:
0x25: {  	_ =	swait.ge [sflag:s21], $0x1900  }
0x26: {  	[sflag:s21] =	ssyncset.done $0x0  }
0x27: {  	[sflag:s21] =	ssyncadd.s32 $0xFFFFE700  }
.LBB2_7:
0x28: {  	s21 =	simm.s32 $0x2  }
0x29: {  	_ =	swait.ge [sflag:s21], $0x1900  }
0x2a: {  	[sflag:s21] =	ssyncset.done $0x0  }
0x2b: {  	s30 =	simm.s32 $0x4B00;
	s31 =	simm.s32 $0x3;
	[sflag:s21] =	ssyncadd.s32 $0xFFFFE700  }
0x2c: {  	[spmem:s20] =	stream.linear.scatter [tilespmem:s30], [sflag:$0x3], $0x800, $0x38;
	[tilespmem:$0x6380] =	vst v63  }
0x2d: {  	_ =	swait.ge [sflag:s31], $0x800  }
0x2e: {  	[sflag:s31] =	ssyncset.done $0x0  }
0x2f: {  	s20 =	simm.s32 $0x0;
	[sflag:s31] =	ssyncadd.s32 $0xFFFFF800  }
0x30: {  	s21 =	simm.s32 $0x40;
	v1 =	vld [tilespmem:s20+$0x0]  }
.LBB2_8:
0x31: {  	p0 =	sne.s32 s21, $0x63C0  }
.Ltmp4:
0x32: {  	_ = 	snop;
	(pc) =	sbr.rel @p0 .LBB2_8-.Ltmp4, $3  }
0x33: {  	_ =	sdelay $0x1  }
0x34: {  	s22 =	sshra.s32 s21, $0x2;
	s21 =	sadd.s32 $0x40, s21;
	v2 =	vadd.s32 v0, v1  }
0x35: {  	v1 =	vld [tilespmem:s22+$0x0];
	[tilespmem:s20+$0x3200] =	vst v2;
	s20 =	smov.u32 s22  }
0x36: {  	_ =	sdelay $0x3  }
0x37: {  	v0 =	vadd.s32 v0, v1  }
0x38: {  	s26 =	simm.s32 $0x3200;
	s21 =	simm.s32 $0x1900;
	[tilespmem:s20+$0x3200] =	vst v0  }
0x39: {  	[spmem:s3] =	stream.indirect.scatter.add.f32 [tilespmem:s21], [sflag:$0x3], $0x1, s26, s21, $0xb8;
	[tilespmem:$0x6380] =	vst v63  }
0x3a: {  	s3 =	simm.s32 $0x3  }
0x3b: {  	_ =	swait.ge [sflag:s3], $0x1900  }
0x3c: {  	[sflag:s3] =	ssyncset.done $0x0  }
0x3d: {  	[sflag:s3] =	ssyncadd.s32 $0xFFFFE700  }
0x3e: {  	s28 =	simm.s32 $0x5300;
	[bflag:$0x0] =	sbarrier.arrive $0xFFFF  }
0x3f: {  	[tilespmem:s28], [sflag:$0x3] =	stream.linear.gather [spmem:s19], $0x80, $0x38;
	[tilespmem:$0x6380] =	vst v63  }
0x40: {  	_ =	swait.ge [sflag:s3], $0x80  }
0x41: {  	[sflag:s3] =	ssyncset.done $0x0  }
0x42: {  	s29 =	simm.s32 $0x5380;
	[sflag:s3] =	ssyncadd.s32 $0xFFFFFF80  }
0x43: {  	[tilespmem:s29], [sflag:$0x3] =	stream.linear.gather [spmem:s18], $0x80, $0x38;
	[tilespmem:$0x6380] =	vst v63  }
0x44: {  	_ =	swait.ge [sflag:s3], $0x80  }
0x45: {  	[sflag:s3] =	ssyncset.done $0x0  }
0x46: {  	s30 =	simm.s32 $0x5400;
	[sflag:s3] =	ssyncadd.s32 $0xFFFFFF80  }
0x47: {  	[tilespmem:s30], [sflag:$0x3] =	stream.linear.gather [spmem:s17], $0x80, $0x38;
	[tilespmem:$0x6380] =	vst v63  }
0x48: {  	_ =	swait.ge [sflag:s3], $0x80  }
0x49: {  	[sflag:s3] =	ssyncset.done $0x0  }
0x4a: {  	s31 =	simm.s32 $0x5480;
	[sflag:s3] =	ssyncadd.s32 $0xFFFFFF80  }
0x4b: {  	[tilespmem:s31], [sflag:$0x3] =	stream.linear.gather [spmem:s16], $0x80, $0x38;
	[tilespmem:$0x6380] =	vst v63  }
0x4c: {  	_ =	swait.ge [sflag:s3], $0x80  }
0x4d: {  	[sflag:s3] =	ssyncset.done $0x0  }
0x4e: {  	s17 =	simm.s32 $0x5500;
	[sflag:s3] =	ssyncadd.s32 $0xFFFFFF80  }
0x4f: {  	[tilespmem:s17], [sflag:$0x3] =	stream.linear.gather [spmem:s15], $0x80, $0x38;
	[tilespmem:$0x6380] =	vst v63  }
0x50: {  	_ =	swait.ge [sflag:s3], $0x80  }
0x51: {  	[sflag:s3] =	ssyncset.done $0x0  }
0x52: {  	s18 =	simm.s32 $0x5580;
	[sflag:s3] =	ssyncadd.s32 $0xFFFFFF80  }
0x53: {  	[tilespmem:s18], [sflag:$0x3] =	stream.linear.gather [spmem:s14], $0x80, $0x38;
	[tilespmem:$0x6380] =	vst v63  }
0x54: {  	_ =	swait.ge [sflag:s3], $0x80  }
0x55: {  	[sflag:s3] =	ssyncset.done $0x0  }
0x56: {  	s19 =	simm.s32 $0x5600;
	[sflag:s3] =	ssyncadd.s32 $0xFFFFFF80  }
0x57: {  	[tilespmem:s19], [sflag:$0x3] =	stream.linear.gather [spmem:s13], $0x80, $0x38;
	[tilespmem:$0x6380] =	vst v63  }
0x58: {  	_ =	swait.ge [sflag:s3], $0x80  }
0x59: {  	[sflag:s3] =	ssyncset.done $0x0  }
0x5a: {  	s20 =	simm.s32 $0x5680;
	[sflag:s3] =	ssyncadd.s32 $0xFFFFFF80  }
0x5b: {  	[tilespmem:s20], [sflag:$0x3] =	stream.linear.gather [spmem:s12], $0x80, $0x38;
	[tilespmem:$0x6380] =	vst v63  }
0x5c: {  	_ =	swait.ge [sflag:s3], $0x80  }
0x5d: {  	[sflag:s3] =	ssyncset.done $0x0  }
0x5e: {  	s21 =	simm.s32 $0x5700;
	[sflag:s3] =	ssyncadd.s32 $0xFFFFFF80  }
0x5f: {  	[tilespmem:s21], [sflag:$0x3] =	stream.linear.gather [spmem:s11], $0x80, $0x38;
	[tilespmem:$0x6380] =	vst v63  }
0x60: {  	_ =	swait.ge [sflag:s3], $0x80  }
0x61: {  	[sflag:s3] =	ssyncset.done $0x0  }
0x62: {  	s22 =	simm.s32 $0x5780;
	[sflag:s3] =	ssyncadd.s32 $0xFFFFFF80  }
0x63: {  	[tilespmem:s22], [sflag:$0x3] =	stream.linear.gather [spmem:s10], $0x80, $0x38;
	[tilespmem:$0x6380] =	vst v63  }
0x64: {  	_ =	swait.ge [sflag:s3], $0x80  }
0x65: {  	[sflag:s3] =	ssyncset.done $0x0  }
0x66: {  	s23 =	simm.s32 $0x5800;
	[sflag:s3] =	ssyncadd.s32 $0xFFFFFF80  }
0x67: {  	[tilespmem:s23], [sflag:$0x3] =	stream.linear.gather [spmem:s9], $0x80, $0x38;
	[tilespmem:$0x6380] =	vst v63  }
0x68: {  	_ =	swait.ge [sflag:s3], $0x80  }
0x69: {  	[sflag:s3] =	ssyncset.done $0x0  }
0x6a: {  	s24 =	simm.s32 $0x5880;
	[sflag:s3] =	ssyncadd.s32 $0xFFFFFF80  }
0x6b: {  	[tilespmem:s24], [sflag:$0x3] =	stream.linear.gather [spmem:s8], $0x80, $0x38;
	[tilespmem:$0x6380] =	vst v63  }
0x6c: {  	_ =	swait.ge [sflag:s3], $0x80  }
0x6d: {  	[sflag:s3] =	ssyncset.done $0x0  }
0x6e: {  	s25 =	simm.s32 $0x5900;
	[sflag:s3] =	ssyncadd.s32 $0xFFFFFF80  }
0x6f: {  	[tilespmem:s25], [sflag:$0x3] =	stream.linear.gather [spmem:s7], $0x80, $0x38;
	[tilespmem:$0x6380] =	vst v63  }
0x70: {  	_ =	swait.ge [sflag:s3], $0x80  }
0x71: {  	[sflag:s3] =	ssyncset.done $0x0  }
0x72: {  	s26 =	simm.s32 $0x5980;
	[sflag:s3] =	ssyncadd.s32 $0xFFFFFF80  }
0x73: {  	[tilespmem:s26], [sflag:$0x3] =	stream.linear.gather [spmem:s6], $0x80, $0x38;
	[tilespmem:$0x6380] =	vst v63  }
0x74: {  	_ =	swait.ge [sflag:s3], $0x80  }
0x75: {  	[sflag:s3] =	ssyncset.done $0x0  }
0x76: {  	s28 =	simm.s32 $0x5A00;
	[sflag:s3] =	ssyncadd.s32 $0xFFFFFF80  }
0x77: {  	[tilespmem:s28], [sflag:$0x3] =	stream.linear.gather [spmem:s5], $0x80, $0x38;
	[tilespmem:$0x6380] =	vst v63  }
0x78: {  	_ =	swait.ge [sflag:s3], $0x80  }
0x79: {  	[sflag:s3] =	ssyncset.done $0x0  }
0x7a: {  	s29 =	simm.s32 $0x5A80;
	[sflag:s3] =	ssyncadd.s32 $0xFFFFFF80  }
0x7b: {  	[tilespmem:s29], [sflag:$0x3] =	stream.linear.gather [spmem:s4], $0x80, $0x38;
	[tilespmem:$0x6380] =	vst v63  }
0x7c: {  	_ =	swait.ge [sflag:s3], $0x80  }
0x7d: {  	[sflag:s3] =	ssyncset.done $0x0  }
0x7e: {  	[sflag:s3] =	ssyncadd.s32 $0xFFFFFF80  }
0x7f: {  	v0 =	vld [tilespmem:$0x5300]  }
0x80: {  	v1 =	vld [tilespmem:$0x5380]  }
0x81: {  	v2 =	vld [tilespmem:$0x5400]  }
0x82: {  	v3 =	vld [tilespmem:$0x5480]  }
0x83: {  	v9 =	vld [tilespmem:$0x5500]  }
0x84: {  	v10 =	vld [tilespmem:$0x5580]  }
0x85: {  	v11 =	vld [tilespmem:$0x5600]  }
0x86: {  	v12 =	vld [tilespmem:$0x5680]  }
0x87: {  	v14 =	vld [tilespmem:$0x5700]  }
0x88: {  	v16 =	vld [tilespmem:$0x5780]  }
0x89: {  	v18 =	vld [tilespmem:$0x5800]  }
0x8a: {  	v4 =	vld [tilespmem:$0x5880]  }
0x8b: {  	v42 =	vld [tilespmem:$0x5900]  }
0x8c: {  	v43 =	vld [tilespmem:$0x5980]  }
0x8d: {  	v44 =	vld [tilespmem:$0x5A00]  }
0x8e: {  	v45 =	vld [tilespmem:$0x5A80]  }
0x8f: {  	v5 =	vld [tilespmem:$0x5310]  }
0x90: {  	v7 =	vld [tilespmem:$0x5390]  }
0x91: {  	v19 =	vld [tilespmem:$0x5410]  }
0x92: {  	v20 =	vld [tilespmem:$0x5490]  }
0x93: {  	v21 =	vld [tilespmem:$0x5510]  }
0x94: {  	v22 =	vld [tilespmem:$0x5590]  }
0x95: {  	v23 =	vld [tilespmem:$0x5610]  }
0x96: {  	v24 =	vld [tilespmem:$0x5690]  }
0x97: {  	v25 =	vld [tilespmem:$0x5710]  }
0x98: {  	v26 =	vld [tilespmem:$0x5790]  }
0x99: {  	v27 =	vld [tilespmem:$0x5810]  }
0x9a: {  	v28 =	vld [tilespmem:$0x5890]  }
0x9b: {  	v29 =	vld [tilespmem:$0x5910]  }
0x9c: {  	v31 =	vld [tilespmem:$0x5990]  }
0x9d: {  	v46 =	vld [tilespmem:$0x5A10]  }
0x9e: {  	v47 =	vld [tilespmem:$0x5A90]  }
0x9f: {  	v8 =	vld [tilespmem:$0x5320]  }
0xa0: {  	v33 =	vld [tilespmem:$0x53A0]  }
0xa1: {  	v34 =	vld [tilespmem:$0x5420]  }
0xa2: {  	v35 =	vld [tilespmem:$0x54A0]  }
0xa3: {  	v36 =	vld [tilespmem:$0x5520]  }
0xa4: {  	v37 =	vld [tilespmem:$0x55A0]  }
0xa5: {  	v38 =	vld [tilespmem:$0x5620]  }
0xa6: {  	v39 =	vld [tilespmem:$0x56A0]  }
0xa7: {  	v40 =	vld [tilespmem:$0x5720]  }
0xa8: {  	v41 =	vld [tilespmem:$0x57A0]  }
0xa9: {  	v48 =	vld [tilespmem:$0x5330]  }
0xaa: {  	v49 =	vld [tilespmem:$0x53B0]  }
0xab: {  	v50 =	vld [tilespmem:$0x5430]  }
0xac: {  	v51 =	vld [tilespmem:$0x54B0]  }
0xad: {  	v52 =	vld [tilespmem:$0x5530]  }
0xae: {  	v53 =	vld [tilespmem:$0x55B0]  }
0xaf: {  	v54 =	vld [tilespmem:$0x5630]  }
0xb0: {  	v55 =	vld [tilespmem:$0x56B0]  }
0xb1: {  	v56 =	vld [tilespmem:$0x5730]  }
0xb2: {  	v57 =	vld [tilespmem:$0x57B0]  }
0xb3: {  	v58 =	vld [tilespmem:$0x5830]  }
0xb4: {  	v59 =	vld [tilespmem:$0x58B0]  }
0xb5: {  	v60 =	vld [tilespmem:$0x5930]  }
0xb6: {  	v61 =	vld [tilespmem:$0x59B0]  }
0xb7: {  	v62 =	vld [tilespmem:$0x5A30]  }
0xb8: {  	v63 =	vld [tilespmem:$0x5AB0]  }
0xb9: {  	v6 =	vld [tilespmem:$0x5340]  }
0xba: {  	v13 =	vld [tilespmem:$0x5440]  }
0xbb: {  	v15 =	vld [tilespmem:$0x54C0]  }
0xbc: {  	v17 =	vld [tilespmem:$0x5540]  }
0xbd: {  	v30 =	vld [tilespmem:$0x55C0]  }
0xbe: {  	v32 =	vld [tilespmem:$0x5640]  }
0xbf: {  	[tilespmem:$0x1FF90] =	vst v42;
	v42 =	vld [tilespmem:$0x5820]  }
0xc0: {  	[tilespmem:$0x1FFA0] =	vst v43;
	v43 =	vld [tilespmem:$0x58A0]  }
0xc1: {  	[tilespmem:$0x1FFB0] =	vst v44;
	v44 =	vld [tilespmem:$0x5920]  }
0xc2: {  	[tilespmem:$0x1FFD0] =	vst v45;
	v45 =	vld [tilespmem:$0x59A0]  }
0xc3: {  	[tilespmem:$0x1FFC0] =	vst v46;
	v46 =	vld [tilespmem:$0x5A20]  }
0xc4: {  	[tilespmem:$0x1FFE0] =	vst v47;
	v47 =	vld [tilespmem:$0x5AA0]  }
0xc5: {  	[tilespmem:$0x1FF80] =	vst v4;
	v4 =	vld [tilespmem:$0x53C0]  }
0xc6: {  	v0 =	vadd.f32 v1, v0;
	v1 =	vld [tilespmem:$0x56C0]  }
0xc7: {  	v5 =	vadd.f32 v7, v5;
	v7 =	vld [tilespmem:$0x5740]  }
0xc8: {  	[tilespmem:$0x1FFF0] =	vst v32;
	v48 =	vadd.f32 v49, v48;
	v32 =	vld [tilespmem:$0x58D0]  }
0xc9: {  	v0 =	vadd.f32 v2, v0;
	v2 =	vadd.f32 v33, v8;
	v8 =	vld [tilespmem:$0x57C0]  }
0xca: {  	v33 =	vadd.f32 v19, v5;
	v19 =	vld [tilespmem:$0x5840]  }
0xcb: {  	v5 =	vld [tilespmem:$0x58C0];
	v48 =	vadd.f32 v50, v48  }
0xcc: {  	v0 =	vadd.f32 v3, v0;
	v3 =	vld [tilespmem:$0x5940]  }
0xcd: {  	v2 =	vadd.f32 v34, v2;
	v49 =	vadd.f32 v51, v48;
	v48 =	vld [tilespmem:$0x1FFE0]  }
0xce: {  	v20 =	vadd.f32 v20, v33;
	v33 =	vld [tilespmem:$0x5860]  }
0xcf: {  	v34 =	vadd.f32 v35, v2;
	v2 =	vld [tilespmem:$0x59C0]  }
0xd0: {  	v0 =	vadd.f32 v9, v0;
	v9 =	vld [tilespmem:$0x5A40]  }
0xd1: {  	v20 =	vadd.f32 v21, v20;
	v21 =	vadd.f32 v52, v49;
	v52 =	vld [tilespmem:$0x53D0]  }
0xd2: {  	v35 =	vld [tilespmem:$0x5AD0]  }
0xd3: {  	v49 =	vld [tilespmem:$0x5460]  }
0xd4: {  	v10 =	vadd.f32 v10, v0;
	v0 =	vld [tilespmem:$0x5AC0]  }
0xd5: {  	v20 =	vadd.f32 v22, v20;
	v22 =	vld [tilespmem:$0x5350]  }
0xd6: {  	v4 =	vadd.f32 v4, v6;
	v50 =	vadd.f32 v36, v34;
	v34 =	vld [tilespmem:$0x59D0]  }
0xd7: {  	v21 =	vadd.f32 v53, v21;
	v53 =	vld [tilespmem:$0x54F0]  }
0xd8: {  	v4 =	vadd.f32 v13, v4;
	v36 =	vld [tilespmem:$0x5870];
	v51 =	vadd.f32 v37, v50  }
0xd9: {  	v10 =	vadd.f32 v11, v10;
	v20 =	vadd.f32 v23, v20;
	v23 =	vld [tilespmem:$0x5450]  }
0xda: {  	v4 =	vadd.f32 v15, v4;
	v50 =	vld [tilespmem:$0x5470];
	v11 =	vadd.f32 v38, v51  }
0xdb: {  	v21 =	vadd.f32 v54, v21;
	v10 =	vadd.f32 v12, v10;
	v12 =	vld [tilespmem:$0x54D0]  }
0xdc: {  	v20 =	vadd.f32 v24, v20;
	v24 =	vld [tilespmem:$0x5550];
	v11 =	vadd.f32 v39, v11  }
0xdd: {  	v4 =	vadd.f32 v17, v4;
	v51 =	vld [tilespmem:$0x54E0]  }
0xde: {  	v21 =	vadd.f32 v55, v21;
	v55 =	vld [tilespmem:$0x5560];
	v11 =	vadd.f32 v40, v11  }
0xdf: {  	v4 =	vadd.f32 v30, v4;
	v30 =	vld [tilespmem:$0x57E0];
	v10 =	vadd.f32 v14, v10  }
0xe0: {  	v14 =	vld [tilespmem:$0x55D0];
	v21 =	vadd.f32 v56, v21;
	v11 =	vadd.f32 v41, v11  }
0xe1: {  	v22 =	vadd.f32 v52, v22;
	v20 =	vadd.f32 v25, v20;
	v25 =	vld [tilespmem:$0x5650]  }
0xe2: {  	v56 =	vld [tilespmem:$0x5570];
	v21 =	vadd.f32 v57, v21;
	v11 =	vadd.f32 v42, v11  }
0xe3: {  	v22 =	vadd.f32 v23, v22;
	v10 =	vadd.f32 v16, v10;
	v16 =	vld [tilespmem:$0x56D0]  }
0xe4: {  	v57 =	vld [tilespmem:$0x1FF80];
	v21 =	vadd.f32 v58, v21;
	v11 =	vadd.f32 v43, v11  }
0xe5: {  	v20 =	vadd.f32 v26, v20;
	v12 =	vadd.f32 v12, v22;
	v58 =	vld [tilespmem:$0x1FF90]  }
0xe6: {  	v21 =	vadd.f32 v59, v21;
	v59 =	vld [tilespmem:$0x1FFA0];
	v11 =	vadd.f32 v44, v11  }
0xe7: {  	v10 =	vadd.f32 v18, v10;
	v20 =	vadd.f32 v27, v20;
	v42 =	vld [tilespmem:$0x53E0]  }
0xe8: {  	v21 =	vadd.f32 v60, v21;
	v60 =	vld [tilespmem:$0x5360];
	v11 =	vadd.f32 v45, v11  }
0xe9: {  	v12 =	vadd.f32 v24, v12;
	v20 =	vadd.f32 v28, v20;
	v44 =	vld [tilespmem:$0x5370]  }
0xea: {  	v10 =	vadd.f32 v57, v10;
	v11 =	vadd.f32 v46, v11;
	v46 =	vld [tilespmem:$0x53F0]  }
0xeb: {  	v26 =	vld [tilespmem:$0x5750];
	v12 =	vadd.f32 v14, v12;
	v20 =	vadd.f32 v29, v20  }
0xec: {  	v22 =	vld [tilespmem:$0x5760];
	v10 =	vadd.f32 v58, v10  }
0xed: {  	v41 =	vld [tilespmem:$0x1FFB0];
	v12 =	vadd.f32 v25, v12;
	v20 =	vadd.f32 v31, v20  }
0xee: {  	v43 =	vld [tilespmem:$0x1FFC0];
	v21 =	vadd.f32 v61, v21;
	v52 =	vadd.f32 v42, v60  }
0xef: {  	v18 =	vld [tilespmem:$0x57D0];
	v10 =	vadd.f32 v59, v10;
	v54 =	vadd.f32 v46, v44  }
0xf0: {  	v57 =	vld [tilespmem:$0x55E0];
	v12 =	vadd.f32 v16, v12;
	v13 =	vadd.f32 v49, v52  }
0xf1: {  	v21 =	vadd.f32 v62, v21;
	v62 =	vld [tilespmem:$0x1FFF0];
	v6 =	vadd.f32 v50, v54  }
0xf2: {  	v58 =	vld [tilespmem:$0x55F0];
	v10 =	vadd.f32 v41, v10;
	v13 =	vadd.f32 v51, v13  }
0xf3: {  	v59 =	vld [tilespmem:$0x5660];
	v20 =	vadd.f32 v43, v20;
	v6 =	vadd.f32 v53, v6  }
0xf4: {  	v60 =	vld [tilespmem:$0x5670];
	v12 =	vadd.f32 v26, v12;
	v13 =	vadd.f32 v55, v13  }
0xf5: {  	v61 =	vld [tilespmem:$0x56E0];
	v21 =	vadd.f32 v63, v21;
	v6 =	vadd.f32 v56, v6  }
0xf6: {  	v63 =	vld [tilespmem:$0x56F0];
	v4 =	vadd.f32 v62, v4;
	v13 =	vadd.f32 v57, v13  }
0xf7: {  	v25 =	vld [tilespmem:$0x5770];
	v20 =	vadd.f32 v48, v20;
	v6 =	vadd.f32 v58, v6  }
0xf8: {  	v45 =	vld [tilespmem:$0x1FFD0];
	v1 =	vadd.f32 v1, v4;
	v23 =	vadd.f32 v59, v13  }
0xf9: {  	v27 =	vld [tilespmem:$0x5850];
	v12 =	vadd.f32 v18, v12;
	v6 =	vadd.f32 v60, v6  }
0xfa: {  	v31 =	vld [tilespmem:$0x57F0];
	v1 =	vadd.f32 v7, v1;
	v4 =	vadd.f32 v61, v23  }
0xfb: {  	v37 =	vld [tilespmem:$0x58E0];
	v11 =	vadd.f32 v47, v11;
	v6 =	vadd.f32 v63, v6  }
0xfc: {  	v38 =	vld [tilespmem:$0x58F0];
	v1 =	vadd.f32 v8, v1;
	v4 =	vadd.f32 v22, v4  }
0xfd: {  	v39 =	vld [tilespmem:$0x5960];
	v10 =	vadd.f32 v45, v10;
	v6 =	vadd.f32 v25, v6  }
0xfe: {  	v28 =	vld [tilespmem:$0x5950];
	v1 =	vadd.f32 v19, v1;
	v4 =	vadd.f32 v30, v4  }
0xff: {  	v40 =	vld [tilespmem:$0x5970];
	v12 =	vadd.f32 v27, v12;
	v6 =	vadd.f32 v31, v6  }
0x100: {  	v29 =	vld [tilespmem:$0x5A50];
	v1 =	vadd.f32 v5, v1;
	v4 =	vadd.f32 v33, v4  }
0x101: {  	v41 =	vld [tilespmem:$0x59E0];
	v12 =	vadd.f32 v32, v12;
	v6 =	vadd.f32 v36, v6  }
0x102: {  	v43 =	vld [tilespmem:$0x59F0];
	v1 =	vadd.f32 v3, v1;
	v42 =	vadd.f32 v37, v4  }
0x103: {  	v48 =	vmax.f32 v20, $1.000000000e+00;
	v44 =	vld [tilespmem:$0x5A60];
	v12 =	vadd.f32 v28, v12;
	v6 =	vadd.f32 v38, v6  }
0x104: {  	v51 =	vmax.f32 v11, $1.000000000e+00;
	v46 =	vld [tilespmem:$0x5A70];
	v1 =	vadd.f32 v2, v1;
	v45 =	vadd.f32 v39, v42  }
0x105: {  	v49 =	vld [tilespmem:$0x5AE0];
	v10 =	vmax.f32 v10, $1.000000000e+00;
	v47 =	vadd.f32 v34, v12;
	v5 =	vadd.f32 v40, v6  }
0x106: {  	(erf) = vrcp.f32 v10;
	v50 =	vld [tilespmem:$0x5AF0];
	v1 =	vadd.f32 v9, v1;
	v2 =	vadd.f32 v41, v45  }
0x107: {  	(erf) = vrcp.f32 v48;
	v7 =	vadd.f32 v29, v47;
	v4 =	vadd.f32 v43, v5  }
0x108: {  	v54 =	vmax.f32 v21, $1.000000000e+00;
	v0 =	vadd.f32 v0, v1;
	v52 =	vadd.f32 v44, v2  }
0x109: {  	(erf) = vrcp.f32 v51;
	v53 =	vadd.f32 v35, v7;
	v3 =	vadd.f32 v46, v4  }
0x10a: {  	(erf) = vrcp.f32 v54;
	v0 =	vmax.f32 v0, $1.000000000e+00;
	v1 =	vadd.f32 v49, v52  }
0x10b: {  	(erf) = vrcp.f32 v0;
	v2 =	vmax.f32 v53, $1.000000000e+00;
	v55 =	vadd.f32 v50, v3  }
0x10c: {  	(erf) = vrcp.f32 v2;
	v1 =	vmax.f32 v1, $1.000000000e+00  }
0x10d: {  	(erf) = vrcp.f32 v1;
	v0 =	vmax.f32 v55, $1.000000000e+00  }
0x10e: {  	(erf) = vrcp.f32 v0;
	_ =	sdelay $0x1  }
0x10f: {  	v56 =	vpop (erf)  }
0x110: {  	v57 =	vpop (erf);
	[tilespmem:$0x5B00] =	vst v56  }
0x111: {  	v58 =	vpop (erf);
	[tilespmem:$0x5B10] =	vst v57  }
0x112: {  	v59 =	vpop (erf);
	[tilespmem:$0x5B20] =	vst v58  }
0x113: {  	[tilespmem:$0x5B30] =	vst v59;
	v60 =	vpop (erf)  }
0x114: {  	[tilespmem:$0x5B40] =	vst v60;
	v61 =	vpop (erf)  }
0x115: {  	[tilespmem:$0x5B50] =	vst v61;
	v62 =	vpop (erf)  }
0x116: {  	[tilespmem:$0x5B60] =	vst v62;
	v63 =	vpop (erf)  }
0x117: {  	s30 =	simm.s32 $0x0;
	s31 =	simm.s32 $0x5B00;
	[tilespmem:$0x5B70] =	vst v63  }
0x118: {  	[hbm4b:s2+s30] =	stream.linear.scatter [tilespmem:s31], [sflag:$0x3], $0x80, $0x38;
	[tilespmem:$0x6380] =	vst v63  }
0x119: {  	_ =	swait.ge [sflag:s3], $0x80  }
0x11a: {  	[sflag:s3] =	ssyncset.done $0x0  }
0x11b: {  	[sflag:s3] =	ssyncadd.s32 $0xFFFFFF80  }
0x11c: {  	_ =	sfence.sel $0x180000  }
0x11d: {  	[bflag:$0x0] =	sbarrier.arrive $0xFFFF  }
0x11e: {  	p0 =	sne.s32 s1, $0x0;
	_ =	strace $0x90000047  }
0x11f: {  	s0 =	sadd.s32 @!p0 $0x100000, s0;
	[bflag:$0x2] =	sbarrier.arrive $0xFFFF  }
0x120: {  	[sflag:s0] =	ssyncadd.tile.s32 @!p0 $0x1;
	_ =	shalt  }
.Lfunc_end2:
_tile_overlayer_lowered:
.L_overlay_start_2:
0x121: {  	(tag) =	ssettag $0x2  }
0x122: {  	s0 =	rddreg [dreg:$0x0];
	s2 =	stileid.u32  }
0x123: {  	s1 =	rddreg [dreg:$0x1];
	p0 =	sne.s32 s2, $0x0  }
0x124: {  	s3 =	rddreg [dreg:$0x2];
	[bflag:$0x3] =	sbarrier.arrive $0xFFFF;
	s2 =	simm.s32 @!p0 $0x1C03  }
0x125: {  	[timem:s3], [sflag:s2] =	dma.local @!p0 [hbm:s0], s1  }
0x126: {  	s0 =	simm.s32 @!p0 $0x3  }
0x127: {  	_ =	swait.ge @!p0 [sflag:s0], s1  }
0x128: {  	s1 =	ssub.s32 @!p0 $0x0, s1;
	[sflag:s0] =	ssyncset.done @!p0 $0x0  }
0x129: {  	[sflag:s0] =	ssyncadd.s32 @!p0 s1  }
0x12a: {  	[bflag:$0x3] =	sbarrier.arrive $0xFFFF  }
0x12b: {  	_ =	shalt  }

// kernel: kernel.8.cloned.1.call-start
scs
__scs_entry_jumppad:
0x0: {  	(pc) =	sbr.rel $0x88, $3  }
0x1: {  	(tag) =	ssettag $0x0;
	lr =	simm.s32 $0x1  }
0x2: {  	[smem:$0x3F9B] =	sst lr;
	_ =	strace $0xD0000000  }
0x3: {  	_ = 	snop  }
0x4: {  	_ = 	snop  }
0x5: {  	_ = 	snop  }
0x6: {  	_ = 	snop  }
0x7: {  	_ = 	snop  }
__scs_overlays_trampoline_lowered:
0x8: {  	[smem:$0x3FAA] =	sst s0  }
0x9: {  	[smem:$0x3FAB] =	sst s1  }
0xa: {  	[smem:$0x3FAC] =	sst s2  }
0xb: {  	[smem:$0x3FAD] =	sst s3  }
0xc: {  	[smem:$0x3FAE] =	sst s4  }
0xd: {  	[smem:$0x3FAF] =	sst s5  }
0xe: {  	[smem:$0x3FB0] =	sst s6  }
0xf: {  	[smem:$0x3FB1] =	sst s7  }
0x10: {  	[smem:$0x3FB2] =	sst s8  }
0x11: {  	[smem:$0x3FB3] =	sst s9;
	s0 =	simm.s32 @!p0 $0x0  }
0x12: {  	s1 =	sld [smem:$0x3F99];
	s0 =	simm.s32 @p0 $0x1  }
0x13: {  	[smem:$0x3FB4] =	sst s0;
	s0 =	simm.s32 @!p1 $0x0  }
0x14: {  	s2 =	sld [smem:$0x3F98];
	s0 =	simm.s32 @p1 $0x1  }
0x15: {  	[smem:$0x3FB5] =	sst s0;
	s0 =	simm.s32 @!p2 $0x0  }
0x16: {  	s3 =	sld [smem:$0x3FDB];
	s0 =	simm.s32 @p2 $0x1  }
0x17: {  	s4 =	simm.s32 $0x1BF5;
	[smem:$0x3FB7] =	sst s0  }
0x18: {  	s0 =	sld [smem:$0x3F9A];
	_ =	swait.ge [sflag:s4], $0x0  }
0x19: {  	s7 =	sld [smem:$0x3F9B]  }
0x1a: {  	s8 =	sadd.s32 $0xFFFFE003, lr  }
0x1b: {  	s9 =	sadd.s32 $0xFFFFFEF7, lr;
	s5 =	simm.s32 $0xFFFFFFFF;
	p2 =	slt.u32 s8, $0xFFFFF086  }
0x1c: {  	p1 =	slt.u32 s9, $0xF7A;
	s5 =	simm.s32 @!p2 $0x0  }
0x1d: {  	s5 =	simm.s32 @p1 $0x1;
	p0 =	seq.s32 s7, s2  }
0x1e: {  	s7 =	smul.u32 @!p0 $0xF7A, s2;
	p2 =	seq.s32 @!p0 s5, $0x0  }
0x1f: {  	s9 =	smul.u32 $0xF7A, s1;
	s8 =	simm.s32 @!p0 $0x1BF5;
	p2 =	por !p2, p0  }
0x20: {  	[sflag:s8] =	ssyncset.s32 @!p0 $0xFFFFF086;
	s6 =	sadd.s32 @!p0 s3, s7;
	s7 =	simm.s32 @!p0 $0x108  }
0x21: {  	s3 =	sadd.s32 s3, s9;
	s6 =	sadd.s32 @!p0 $0x88, s6;
	s7 =	simm.s32 @p2 $0x1082  }
0x22: {  	[simem:s7], [sflag:s8] =	dma.local @!p0 [hbm:s6], $0xF7A  }
0x23: {  	s9 =	sor.u32 $0xD0000000, s2;
	s6 =	simm.s32 $0x108;
	_ =	swait.ge @!p0 [sflag:s8], $0x0  }
0x24: {  	s3 =	sadd.s32 $0x88, s3;
	s6 =	simm.s32 @!p1 $0x1082;
	[sflag:s4] =	ssyncset.s32 $0xFFFFF086  }
0x25: {  	[simem:s6], [sflag:s4] =	dma.local [hbm:s3], $0xF7A  }
0x26: {  	[smem:$0x3F9B] =	sst s1;
	(tag) =	ssettag s2;
	_ =	strace s9  }
0x27: {  	s1 =	sld [smem:$0x3FAB]  }
0x28: {  	s2 =	sld [smem:$0x3FAC]  }
0x29: {  	s4 =	sld [smem:$0x3FAE]  }
0x2a: {  	p0 =	seq.s32 s5, $0x0;
	s5 =	sld [smem:$0x3FAF]  }
0x2b: {  	s6 =	sld [smem:$0x3FB0]  }
0x2c: {  	s7 =	sld [smem:$0x3FB1]  }
0x2d: {  	s3 =	simm.s32 $0x108;
	s8 =	sld [smem:$0x3FB2]  }
0x2e: {  	s3 =	simm.s32 @!p0 $0x1082;
	s9 =	sld [smem:$0x3FB3]  }
0x2f: {  	lr =	sadd.s32 s0, s3;
	s0 =	sld [smem:$0x3FAA]  }
0x30: {  	s3 =	sld [smem:$0x3FAD]  }
0x31: {  	[smem:$0x3FB6] =	sst s10  }
0x32: {  	s10 =	sld [smem:$0x3FB4];
	_ =	sdelay $0x3  }
0x33: {  	p0 =	seq.s32 s10, $0x1;
	s10 =	sld [smem:$0x3FB6];
	_ =	sdelay $0x3  }
0x34: {  	[smem:$0x3FB6] =	sst s10  }
0x35: {  	s10 =	sld [smem:$0x3FB5];
	_ =	sdelay $0x3  }
0x36: {  	p1 =	seq.s32 s10, $0x1;
	s10 =	sld [smem:$0x3FB6];
	_ =	sdelay $0x3  }
0x37: {  	[smem:$0x3FB6] =	sst s10  }
0x38: {  	s10 =	sld [smem:$0x3FB7]  }
0x39: {  	_ = 	snop;
	(pc) =	sbr.ind lr, $3  }
0x3a: {  	_ = 	snop  }
0x3b: {  	_ = 	snop  }
0x3c: {  	p2 =	seq.s32 s10, $0x1;
	s10 =	sld [smem:$0x3FB6]  }
0x3d: {  	_ =	shalt  }
0x3e: {  	_ =	shalt  }
0x3f: {  	_ =	shalt  }
0x40: {  	_ =	shalt  }
0x41: {  	_ =	shalt  }
0x42: {  	_ =	shalt  }
0x43: {  	_ =	shalt  }
0x44: {  	_ =	shalt  }
0x45: {  	_ =	shalt  }
0x46: {  	_ =	shalt  }
0x47: {  	_ =	shalt  }
0x48: {  	_ =	shalt  }
0x49: {  	_ =	shalt  }
0x4a: {  	_ =	shalt  }
0x4b: {  	_ =	shalt  }
0x4c: {  	_ =	shalt  }
0x4d: {  	_ =	shalt  }
0x4e: {  	_ =	shalt  }
0x4f: {  	_ =	shalt  }
0x50: {  	_ =	shalt  }
0x51: {  	_ =	shalt  }
0x52: {  	_ =	shalt  }
0x53: {  	_ =	shalt  }
0x54: {  	_ =	shalt  }
0x55: {  	_ =	shalt  }
0x56: {  	_ =	shalt  }
0x57: {  	_ =	shalt  }
0x58: {  	_ =	shalt  }
0x59: {  	_ =	shalt  }
0x5a: {  	_ =	shalt  }
0x5b: {  	_ =	shalt  }
0x5c: {  	_ =	shalt  }
0x5d: {  	_ =	shalt  }
0x5e: {  	_ =	shalt  }
0x5f: {  	_ =	shalt  }
0x60: {  	_ =	shalt  }
0x61: {  	_ =	shalt  }
0x62: {  	_ =	shalt  }
0x63: {  	_ =	shalt  }
0x64: {  	_ =	shalt  }
0x65: {  	_ =	shalt  }
0x66: {  	_ =	shalt  }
0x67: {  	_ =	shalt  }
0x68: {  	_ =	shalt  }
0x69: {  	_ =	shalt  }
0x6a: {  	_ =	shalt  }
0x6b: {  	_ =	shalt  }
0x6c: {  	_ =	shalt  }
0x6d: {  	_ =	shalt  }
0x6e: {  	_ =	shalt  }
0x6f: {  	_ =	shalt  }
0x70: {  	_ =	shalt  }
0x71: {  	_ =	shalt  }
0x72: {  	_ =	shalt  }
0x73: {  	_ =	shalt  }
0x74: {  	_ =	shalt  }
0x75: {  	_ =	shalt  }
0x76: {  	_ =	shalt  }
0x77: {  	_ =	shalt  }
0x78: {  	_ =	shalt  }
0x79: {  	_ =	shalt  }
0x7a: {  	_ =	shalt  }
0x7b: {  	_ =	shalt  }
0x7c: {  	_ =	shalt  }
0x7d: {  	_ =	shalt  }
0x7e: {  	_ =	shalt  }
0x7f: {  	_ =	shalt  }
0x80: {  	_ =	shalt  }
0x81: {  	_ =	shalt  }
0x82: {  	_ =	shalt  }
0x83: {  	_ =	shalt  }
0x84: {  	_ =	shalt  }
0x85: {  	_ =	shalt  }
0x86: {  	_ =	shalt  }
0x87: {  	_ =	shalt  }
.Lfunc_end0:
.L_simem_size_0:
called_computation.1_lowered:
.L_overlay_start_0:
0x88: {  	s0 =	sld [smem:$0x3FD9]  }
0x89: {  	s1 =	sld [smem:$0x3FFE];
	_ =	sdelay $0x3  }
0x8a: {  	s0 =	sadd.s32 s1, s0  }
0x8b: {  	[smem:$0x3FC2] =	sst s0  }
0x8c: {  	_ = 	snop  }
0x8d: {  	s0 =	sld [smem:$0x3FC8]  }
0x8e: {  	s16 =	sld [smem:$0x3FD0];
	(tm) =	ssettm $0x1  }
0x8f: {  	s2 =	sld [smem:$0x3FFB];
	_ =	sdelay $0x3  }
0x90: {  	_ =	strace s2  }
0x91: {  	s2 =	sld [smem:$0x3FFC];
	_ =	sdelay $0x3  }
0x92: {  	_ =	strace s2  }
0x93: {  	s2 =	sld [smem:$0x3FFD];
	_ =	sdelay $0x3  }
0x94: {  	_ =	strace s2  }
0x95: {  	_ =	strace $0x8FFFFFFF  }
0x96: {  	s17 =	sld [smem:$0x3FDB];
	_ =	sdelay $0x1  }
0x97: {  	s3 =	simm.s32 $_scs_section_size  }
0x98: {  	s4 =	simm.s32 $_size__tile_overlayer_lowered;
	s5 =	simm.s32 $_tile_overlayer_lowered  }
0x99: {  	s20 =	simm.s32 $0x1BFF;
	s19 =	sshll.u32 s5, $0x1;
	s2 =	sadd.s32 s3, s17  }
0x9a: {  	s6 =	simm.s32 $0x0;
	s18 =	sshll.u32 s4, $0x1;
	s4 =	sadd.s32 s19, s2  }
0x9b: {  	[timem:s6], [sflag:s20] =	dma.local [hbm:s4], s18  }
0x9c: {  	_ =	swait.ge [sflag:s20], s18  }
0x9d: {  	s3 =	ssub.s32 $0x0, s18;
	[sflag:s20] =	ssyncset.done $0x0  }
0x9e: {  	[sflag:s20] =	ssyncadd.s32 s3;
	_ =	sdelay $0x1  }
0x9f: {  	s21 =	simm.s32 $0x1B8B  }
0xa0: {  	_ =	swait.ge [sflag:s21], $0x1  }
0xa1: {  	[sflag:s21] =	ssyncset.done $0x0  }
0xa2: {  	s23 =	simm.s32 $0x1B8E;
	s22 =	sld [smem:$0x3FFE];
	[sflag:s21] =	ssyncadd.s32 $0xFFFFFFFF  }
0xa3: {  	s24 =	simm.s32 $execute0_lowered;
	[smem:$0x3FD2] =	sst s23  }
0xa4: {  	s4 =	sshll.u32 s24, $0x1;
	_ =	strace $0x80000049;
	[dreg:$0x1] =	wrdreg $0xFFFFFFFF  }
0xa5: {  	s25 =	simm.s32 $_size_execute0_lowered;
	s2 =	sadd.s32 s2, s4;
	[dreg:$0x0] =	wrdreg $0x0  }
0xa6: {  	s4 =	sshll.u32 s25, $0x1;
	[dreg:$0x2] =	wrdreg s2  }
0xa7: {  	[dreg:$0x3] =	wrdreg s4  }
0xa8: {  	[dreg:$0x4] =	wrdreg $0xC0  }
0xa9: {  	_ =	task [dreg:s6], $0x5FFFF  }
0xaa: {  	[dreg:$0x1] =	wrdreg $0xFFFFFFFF  }
0xab: {  	[dreg:$0x0] =	wrdreg $0x60  }
0xac: {  	[dreg:$0x2] =	wrdreg s0  }
0xad: {  	[dreg:$0x3] =	wrdreg s22  }
0xae: {  	[dreg:$0x4] =	wrdreg s16  }
0xaf: {  	[dreg:$0x5] =	wrdreg $0x75000  }
0xb0: {  	[dreg:$0x6] =	wrdreg $0x7D000  }
0xb1: {  	[dreg:$0x7] =	wrdreg $0x9  }
0xb2: {  	_ =	task.clear_ibuf [dreg:s6], $0x8FFFF;
	_ =	strace $0x90000049  }
0xb3: {  	s26 =	simm.s32 $0x9;
	_ =	strace $0x8000004B  }
0xb4: {  	_ =	swait.ge [sflag:s26], $0x1  }
0xb5: {  	[sflag:s26] =	ssyncadd.s32 $0xFFFFFFFF  }
0xb6: {  	_ =	strace $0x9000004B  }
0xb7: {  	_ =	sfence  }
0xb8: {  	s28 =	sld [smem:$0x0];
	_ =	sdelay $0x1  }
0xb9: {  	s29 =	srdreg.scid  }
0xba: {  	s30 =	sshll.u32 s29, $0xD;
	s31 =	sshrl.u32 s29, $0x2  }
0xbb: {  	s1 =	sand.u32 $0x1, s29;
	s2 =	sand.u32 $0x4000, s30;
	s0 =	sadd.s32 s31, s28  }
0xbc: {  	s1 =	sor.u32 s2, s1;
	s0 =	sshll.u32 s0, $0x11  }
0xbd: {  	s0 =	sor.u32 s0, s1  }
0xbe: {  	s0 =	sadd.s32 $0x8F2B, s0  }
0xbf: {  	[sflag:s0] =	ssyncadd.remote.s32 $0x1  }
0xc0: {  	_ =	sfence.sel $0xFFFF  }
0xc1: {  	[dreg:$0x0] =	wrdreg $0xFFFFFFFF;
	(pc) =	sbr.abs _section_cstart, $3  }
0xc2: {  	[dreg:$0x1] =	wrdreg $0xFFFFFFFF  }
0xc3: {  	_ =	task.clear_ibuf [dreg:s6], $0x2FFFF;
	_ =	strace $0x9FFFFFFF  }
0xc4: {  	(tm) =	ssettm $0x7FFFFFFF  }
0xc5: {  	_ =	shalt  }
tec
execute0_lowered:
.L_overlay_start_1:
0x0: {  	(tag) =	ssettag $0x1  }
0x1: {  	s2 =	rddreg [dreg:$0x0]  }
0x2: {  	s4 =	rddreg [dreg:$0x1]  }
0x3: {  	s25 =	rddreg [dreg:$0x2]  }
0x4: {  	s6 =	rddreg [dreg:$0x3]  }
0x5: {  	s3 =	rddreg [dreg:$0x4]  }
0x6: {  	s0 =	rddreg [dreg:$0x5];
	s1 =	simm.s32 $0x0  }
0x7: {  	[smem:$0x7FF] =	sst s1;
	s1 =	stileid.u32  }
0x8: {  	s5 =	sadd.s32 $0x3A00, s4;
	_ =	strace $0x8000004A;
	s7 =	sshll.u32 s1, $0x4  }
0x9: {  	s26 =	sshll.u32 s1, $0x7;
	p0 =	seq.s32 s1, $0xF;
	s31 =	sshll.u32 s1, $0xB  }
0xa: {  	s28 =	smul.u32 $0x320, s1;
	s4 =	sadd.s32 s7, s4;
	s22 =	sadd.s32 s26, s6  }
0xb: {  	s23 =	sadd.s32 s31, s6;
	s7 =	sadd.s32 @p0 $0x2EE0, s2;
	s8 =	simm.s32 @p0 $0x0  }
0xc: {  	s9 =	simm.s32 @p0 $0x1900;
	s24 =	sadd.s32 $0x3800, s4;
	s21 =	sadd.s32 $0x800, s22  }
0xd: {  	s20 =	sadd.s32 $0x1000, s22;
	s19 =	sadd.s32 $0x1800, s22;
	s18 =	sadd.s32 $0x2000, s22  }
0xe: {  	s17 =	sadd.s32 $0x2800, s22;
	s16 =	sadd.s32 $0x3000, s22;
	s15 =	sadd.s32 $0x3800, s22  }
0xf: {  	[tilespmem:s8], [sflag:$0x1] =	stream.linear.gather @p0 [hbm4b:s7+s8], $0xFA0, $0x38;
	[tilespmem:$0x7D80] =	vst v63  }
0x10: {  	s14 =	sadd.s32 $0x4000, s22;
	s10 =	sadd.s32 $0x4800, s22;
	s7 =	sadd.s32 @p0 $0x2EE0, s5  }
0x11: {  	s13 =	sadd.s32 $0x5000, s22;
	s2 =	sadd.s32 @!p0 s2, s28;
	s12 =	sadd.s32 $0x5800, s22  }
0x12: {  	[tilespmem:s9], [sflag:$0x2] =	stream.linear.gather @p0 [hbm4b:s7+s8], $0xFA0, $0x38;
	[tilespmem:$0x7D80] =	vst v63  }
0x13: {  	s11 =	sadd.s32 $0x6000, s22;
	s4 =	sadd.s32 $0x2EE0, s25;
	s7 =	simm.s32 @!p0 $0x0  }
0x14: {  	[tilespmem:s7], [sflag:$0x1] =	stream.linear.gather @!p0 [hbm4b:s2+s7], $0x1900, $0x38;
	[tilespmem:$0x7D80] =	vst v63  }
0x15: {  	s9 =	sadd.s32 $0x6800, s22;
	s2 =	sadd.s32 @!p0 s5, s28;
	s5 =	simm.s32 @!p0 $0x1900  }
0x16: {  	[tilespmem:s5], [sflag:$0x2] =	stream.linear.gather @!p0 [hbm4b:s2+s7], $0x1900, $0x38;
	[tilespmem:$0x7D80] =	vst v63  }
0x17: {  	s8 =	sadd.s32 $0x7000, s22;
	s7 =	sadd.s32 $0x7800, s22;
	s5 =	sadd.s32 s26, s3  }
0x18: {  	v1 =	vimm.f32 $0.0e+00;
	v0 =	vmov s31;
	s2 =	sadd.s32 s25, s28;
	s25 =	simm.s32 $0x40;
	s26 =	simm.s32 $0x0  }
.LBB2_1:
0x19: {  	p1 =	sne.s32 s25, $0x1FC0;
	[tilespmem:s26+$0x6400] =	vst v1;
	s26 =	smov.u32 s25;
	s25 =	sadd.s32 $0x40, s25  }
.Ltmp0:
0x1a: {  	(pc) =	sbr.rel @p1 .LBB2_1-.Ltmp0, $2  }
0x1b: {  	_ =	sdelay $0x2  }
0x1c: {  	s26 =	sshra.s32 s26, $0x2  }
0x1d: {  	s25 =	simm.s32 $0x0  }
.Ltmp1:
0x1e: {  	[tilespmem:s26+$0x6400] =	vst v1;
	s30 =	simm.s32 $0x7480;
	s31 =	simm.s32 $0x3;
	(pc) =	sbr.rel @!p0 .LBB2_3-.Ltmp1, $4  }
0x1f: {  	[tilespmem:s30], [sflag:$0x3] =	stream.linear.gather [hbm4b:s24+s25], $0x80, $0x38;
	[tilespmem:$0x7D80] =	vst v63  }
0x20: {  	_ =	swait.ge [sflag:s31], $0x80  }
0x21: {  	[sflag:s31] =	ssyncset.done $0x0  }
0x22: {  	s24 =	simm.s32 $0x1;
	[sflag:s31] =	ssyncadd.s32 $0xFFFFFF80  }
0x23: {  	_ =	swait.ge [sflag:s24], $0xFA0  }
0x24: {  	[sflag:s24] =	ssyncset.done $0x0  }
0x25: {  	s31 =	simm.s32 $0x2;
	[sflag:s24] =	ssyncadd.s32 $0xFFFFF060  }
0x26: {  	_ =	swait.ge [sflag:s31], $0xFA0  }
0x27: {  	[sflag:s31] =	ssyncset.done $0x0  }
0x28: {  	v1 =	vimm.s32 $0x0;
	v2 =	vimm.f32 $0.0e+00;
	s25 =	simm.s32 $0x0;
	s24 =	simm.s32 $0x40;
	[sflag:s31] =	ssyncadd.s32 $0xFFFFF060  }
.LBB2_5:
0x29: {  	p1 =	sne.s32 s24, $0x2540;
	[tilespmem:s25+$0xFA0] =	vst v1;
	s26 =	smov.u32 s24;
	s24 =	sadd.s32 $0x40, s24  }
.Ltmp2:
0x2a: {  	[tilespmem:s25+$0x28A0] =	vst v2;
	(pc) =	sbr.rel @p1 .LBB2_5-.Ltmp2, $2  }
0x2b: {  	_ =	sdelay $0x2  }
0x2c: {  	s25 =	sshra.s32 s26, $0x2  }
.Ltmp3:
0x2d: {  	(pc) =	sbr.rel .LBB2_7-.Ltmp3, $3  }
0x2e: {  	_ =	sdelay $0x1  }
0x2f: {  	[tilespmem:s25+$0xFA0] =	vst v1  }
0x30: {  	[tilespmem:s25+$0x28A0] =	vst v2  }
.LBB2_3:
0x31: {  	_ =	swait.ge [sflag:s24], $0x1900  }
0x32: {  	[sflag:s24] =	ssyncset.done $0x0  }
0x33: {  	s31 =	simm.s32 $0x2;
	[sflag:s24] =	ssyncadd.s32 $0xFFFFE700  }
0x34: {  	_ =	swait.ge [sflag:s31], $0x1900  }
0x35: {  	[sflag:s31] =	ssyncset.done $0x0  }
0x36: {  	[sflag:s31] =	ssyncadd.s32 $0xFFFFE700  }
.LBB2_7:
0x37: {  	s24 =	simm.s32 $0x6400;
	s31 =	simm.s32 $0x3  }
0x38: {  	[spmem:s23] =	stream.linear.scatter [tilespmem:s24], [sflag:$0x3], $0x800, $0x38;
	[tilespmem:$0x7D80] =	vst v63  }
0x39: {  	_ =	swait.ge [sflag:s31], $0x800  }
0x3a: {  	[sflag:s31] =	ssyncset.done $0x0  }
0x3b: {  	s23 =	simm.s32 $0x0;
	[sflag:s31] =	ssyncadd.s32 $0xFFFFF800  }
0x3c: {  	s24 =	simm.s32 $0x40;
	v1 =	vld [tilespmem:s23+$0x0]  }
.LBB2_8:
0x3d: {  	p1 =	sne.s32 s24, $0x63C0  }
.Ltmp4:
0x3e: {  	_ = 	snop;
	(pc) =	sbr.rel @p1 .LBB2_8-.Ltmp4, $3  }
0x3f: {  	_ =	sdelay $0x1  }
0x40: {  	s25 =	sshra.s32 s24, $0x2;
	s24 =	sadd.s32 $0x40, s24;
	v2 =	vadd.s32 v0, v1  }
0x41: {  	v1 =	vld [tilespmem:s25+$0x0];
	[tilespmem:s23+$0x4B00] =	vst v2;
	s23 =	smov.u32 s25  }
0x42: {  	_ =	sdelay $0x3  }
0x43: {  	v0 =	vadd.s32 v0, v1  }
0x44: {  	s25 =	simm.s32 $0x4B00;
	s24 =	simm.s32 $0x1900;
	[tilespmem:s23+$0x4B00] =	vst v0  }
0x45: {  	[spmem:s6] =	stream.indirect.scatter.add.f32 [tilespmem:s24], [sflag:$0x3], $0x1, s25, s24, $0xb8;
	[tilespmem:$0x7D80] =	vst v63  }
0x46: {  	s6 =	simm.s32 $0x3  }
0x47: {  	_ =	swait.ge [sflag:s6], $0x1900  }
0x48: {  	[sflag:s6] =	ssyncset.done $0x0  }
0x49: {  	[sflag:s6] =	ssyncadd.s32 $0xFFFFE700  }
0x4a: {  	s26 =	simm.s32 $0x6C00;
	[bflag:$0x0] =	sbarrier.arrive $0xFFFF  }
0x4b: {  	[tilespmem:s26], [sflag:$0x3] =	stream.linear.gather [spmem:s22], $0x80, $0x38;
	[tilespmem:$0x7D80] =	vst v63  }
0x4c: {  	_ =	swait.ge [sflag:s6], $0x80  }
0x4d: {  	[sflag:s6] =	ssyncset.done $0x0  }
0x4e: {  	s28 =	simm.s32 $0x6C80;
	[sflag:s6] =	ssyncadd.s32 $0xFFFFFF80  }
0x4f: {  	[tilespmem:s28], [sflag:$0x3] =	stream.linear.gather [spmem:s21], $0x80, $0x38;
	[tilespmem:$0x7D80] =	vst v63  }
0x50: {  	_ =	swait.ge [sflag:s6], $0x80  }
0x51: {  	[sflag:s6] =	ssyncset.done $0x0  }
0x52: {  	s29 =	simm.s32 $0x6D00;
	[sflag:s6] =	ssyncadd.s32 $0xFFFFFF80  }
0x53: {  	[tilespmem:s29], [sflag:$0x3] =	stream.linear.gather [spmem:s20], $0x80, $0x38;
	[tilespmem:$0x7D80] =	vst v63  }
0x54: {  	_ =	swait.ge [sflag:s6], $0x80  }
0x55: {  	[sflag:s6] =	ssyncset.done $0x0  }
0x56: {  	s30 =	simm.s32 $0x6D80;
	[sflag:s6] =	ssyncadd.s32 $0xFFFFFF80  }
0x57: {  	[tilespmem:s30], [sflag:$0x3] =	stream.linear.gather [spmem:s19], $0x80, $0x38;
	[tilespmem:$0x7D80] =	vst v63  }
0x58: {  	_ =	swait.ge [sflag:s6], $0x80  }
0x59: {  	[sflag:s6] =	ssyncset.done $0x0  }
0x5a: {  	s31 =	simm.s32 $0x6E00;
	[sflag:s6] =	ssyncadd.s32 $0xFFFFFF80  }
0x5b: {  	[tilespmem:s31], [sflag:$0x3] =	stream.linear.gather [spmem:s18], $0x80, $0x38;
	[tilespmem:$0x7D80] =	vst v63  }
0x5c: {  	_ =	swait.ge [sflag:s6], $0x80  }
0x5d: {  	[sflag:s6] =	ssyncset.done $0x0  }
0x5e: {  	s19 =	simm.s32 $0x6E80;
	[sflag:s6] =	ssyncadd.s32 $0xFFFFFF80  }
0x5f: {  	[tilespmem:s19], [sflag:$0x3] =	stream.linear.gather [spmem:s17], $0x80, $0x38;
	[tilespmem:$0x7D80] =	vst v63  }
0x60: {  	_ =	swait.ge [sflag:s6], $0x80  }
0x61: {  	[sflag:s6] =	ssyncset.done $0x0  }
0x62: {  	s20 =	simm.s32 $0x6F00;
	[sflag:s6] =	ssyncadd.s32 $0xFFFFFF80  }
0x63: {  	[tilespmem:s20], [sflag:$0x3] =	stream.linear.gather [spmem:s16], $0x80, $0x38;
	[tilespmem:$0x7D80] =	vst v63  }
0x64: {  	_ =	swait.ge [sflag:s6], $0x80  }
0x65: {  	[sflag:s6] =	ssyncset.done $0x0  }
0x66: {  	s21 =	simm.s32 $0x6F80;
	[sflag:s6] =	ssyncadd.s32 $0xFFFFFF80  }
0x67: {  	[tilespmem:s21], [sflag:$0x3] =	stream.linear.gather [spmem:s15], $0x80, $0x38;
	[tilespmem:$0x7D80] =	vst v63  }
0x68: {  	_ =	swait.ge [sflag:s6], $0x80  }
0x69: {  	[sflag:s6] =	ssyncset.done $0x0  }
0x6a: {  	s22 =	simm.s32 $0x7000;
	[sflag:s6] =	ssyncadd.s32 $0xFFFFFF80  }
0x6b: {  	[tilespmem:s22], [sflag:$0x3] =	stream.linear.gather [spmem:s14], $0x80, $0x38;
	[tilespmem:$0x7D80] =	vst v63  }
0x6c: {  	_ =	swait.ge [sflag:s6], $0x80  }
0x6d: {  	[sflag:s6] =	ssyncset.done $0x0  }
0x6e: {  	s23 =	simm.s32 $0x7080;
	[sflag:s6] =	ssyncadd.s32 $0xFFFFFF80  }
0x6f: {  	[tilespmem:s23], [sflag:$0x3] =	stream.linear.gather [spmem:s10], $0x80, $0x38;
	[tilespmem:$0x7D80] =	vst v63  }
0x70: {  	_ =	swait.ge [sflag:s6], $0x80  }
0x71: {  	[sflag:s6] =	ssyncset.done $0x0  }
0x72: {  	s24 =	simm.s32 $0x7100;
	[sflag:s6] =	ssyncadd.s32 $0xFFFFFF80  }
0x73: {  	[tilespmem:s24], [sflag:$0x3] =	stream.linear.gather [spmem:s13], $0x80, $0x38;
	[tilespmem:$0x7D80] =	vst v63  }
0x74: {  	_ =	swait.ge [sflag:s6], $0x80  }
0x75: {  	[sflag:s6] =	ssyncset.done $0x0  }
0x76: {  	s25 =	simm.s32 $0x7180;
	[sflag:s6] =	ssyncadd.s32 $0xFFFFFF80  }
0x77: {  	[tilespmem:s25], [sflag:$0x3] =	stream.linear.gather [spmem:s12], $0x80, $0x38;
	[tilespmem:$0x7D80] =	vst v63  }
0x78: {  	_ =	swait.ge [sflag:s6], $0x80  }
0x79: {  	[sflag:s6] =	ssyncset.done $0x0  }
0x7a: {  	s26 =	simm.s32 $0x7200;
	[sflag:s6] =	ssyncadd.s32 $0xFFFFFF80  }
0x7b: {  	[tilespmem:s26], [sflag:$0x3] =	stream.linear.gather [spmem:s11], $0x80, $0x38;
	[tilespmem:$0x7D80] =	vst v63  }
0x7c: {  	_ =	swait.ge [sflag:s6], $0x80  }
0x7d: {  	[sflag:s6] =	ssyncset.done $0x0  }
0x7e: {  	s28 =	simm.s32 $0x7280;
	[sflag:s6] =	ssyncadd.s32 $0xFFFFFF80  }
0x7f: {  	[tilespmem:s28], [sflag:$0x3] =	stream.linear.gather [spmem:s9], $0x80, $0x38;
	[tilespmem:$0x7D80] =	vst v63  }
0x80: {  	_ =	swait.ge [sflag:s6], $0x80  }
0x81: {  	[sflag:s6] =	ssyncset.done $0x0  }
0x82: {  	s29 =	simm.s32 $0x7300;
	[sflag:s6] =	ssyncadd.s32 $0xFFFFFF80  }
0x83: {  	[tilespmem:s29], [sflag:$0x3] =	stream.linear.gather [spmem:s8], $0x80, $0x38;
	[tilespmem:$0x7D80] =	vst v63  }
0x84: {  	_ =	swait.ge [sflag:s6], $0x80  }
0x85: {  	[sflag:s6] =	ssyncset.done $0x0  }
0x86: {  	s30 =	simm.s32 $0x7380;
	[sflag:s6] =	ssyncadd.s32 $0xFFFFFF80  }
0x87: {  	[tilespmem:s30], [sflag:$0x3] =	stream.linear.gather [spmem:s7], $0x80, $0x38;
	[tilespmem:$0x7D80] =	vst v63  }
0x88: {  	_ =	swait.ge [sflag:s6], $0x80  }
0x89: {  	[sflag:s6] =	ssyncset.done $0x0  }
0x8a: {  	[sflag:s6] =	ssyncadd.s32 $0xFFFFFF80  }
0x8b: {  	v4 =	vld [tilespmem:$0x6C00]  }
0x8c: {  	v6 =	vld [tilespmem:$0x6C80]  }
0x8d: {  	v7 =	vld [tilespmem:$0x6D00]  }
0x8e: {  	v9 =	vld [tilespmem:$0x6D80]  }
0x8f: {  	v10 =	vld [tilespmem:$0x6E00]  }
0x90: {  	v11 =	vld [tilespmem:$0x6E80]  }
0x91: {  	v12 =	vld [tilespmem:$0x6F00]  }
0x92: {  	v13 =	vld [tilespmem:$0x6F80]  }
0x93: {  	v14 =	vld [tilespmem:$0x7000]  }
0x94: {  	v15 =	vld [tilespmem:$0x7080]  }
0x95: {  	v17 =	vld [tilespmem:$0x7100]  }
0x96: {  	v18 =	vld [tilespmem:$0x7180]  }
0x97: {  	v19 =	vld [tilespmem:$0x7200]  }
0x98: {  	v0 =	vld [tilespmem:$0x7280]  }
0x99: {  	v20 =	vld [tilespmem:$0x6C10]  }
0x9a: {  	v21 =	vld [tilespmem:$0x6C90]  }
0x9b: {  	v22 =	vld [tilespmem:$0x6D10]  }
0x9c: {  	v23 =	vld [tilespmem:$0x6D90]  }
0x9d: {  	v24 =	vld [tilespmem:$0x6E10]  }
0x9e: {  	v25 =	vld [tilespmem:$0x6E90]  }
0x9f: {  	v26 =	vld [tilespmem:$0x6F10]  }
0xa0: {  	v27 =	vld [tilespmem:$0x6F90]  }
0xa1: {  	v28 =	vld [tilespmem:$0x7010]  }
0xa2: {  	v29 =	vld [tilespmem:$0x7090]  }
0xa3: {  	v30 =	vld [tilespmem:$0x7110]  }
0xa4: {  	v31 =	vld [tilespmem:$0x7190]  }
0xa5: {  	v32 =	vld [tilespmem:$0x7210]  }
0xa6: {  	v33 =	vld [tilespmem:$0x7290]  }
0xa7: {  	v34 =	vld [tilespmem:$0x7310]  }
0xa8: {  	v35 =	vld [tilespmem:$0x7390]  }
0xa9: {  	v36 =	vld [tilespmem:$0x6C20]  }
0xaa: {  	v37 =	vld [tilespmem:$0x6CA0]  }
0xab: {  	v38 =	vld [tilespmem:$0x6D20]  }
0xac: {  	v39 =	vld [tilespmem:$0x6DA0]  }
0xad: {  	v40 =	vld [tilespmem:$0x6E20]  }
0xae: {  	v41 =	vld [tilespmem:$0x6EA0]  }
0xaf: {  	v42 =	vld [tilespmem:$0x6F20]  }
0xb0: {  	v43 =	vld [tilespmem:$0x6FA0]  }
0xb1: {  	v44 =	vld [tilespmem:$0x7020]  }
0xb2: {  	v45 =	vld [tilespmem:$0x70A0]  }
0xb3: {  	v46 =	vld [tilespmem:$0x7120]  }
0xb4: {  	v47 =	vld [tilespmem:$0x71A0]  }
0xb5: {  	v48 =	vld [tilespmem:$0x7220]  }
0xb6: {  	v49 =	vld [tilespmem:$0x72A0]  }
0xb7: {  	v50 =	vld [tilespmem:$0x7320]  }
0xb8: {  	v51 =	vld [tilespmem:$0x73A0]  }
0xb9: {  	v52 =	vld [tilespmem:$0x6C30]  }
0xba: {  	v53 =	vld [tilespmem:$0x6CB0]  }
0xbb: {  	v54 =	vld [tilespmem:$0x6D30]  }
0xbc: {  	v55 =	vld [tilespmem:$0x6DB0]  }
0xbd: {  	v56 =	vld [tilespmem:$0x6E30]  }
0xbe: {  	v57 =	vld [tilespmem:$0x6EB0]  }
0xbf: {  	v58 =	vld [tilespmem:$0x6F30]  }
0xc0: {  	v59 =	vld [tilespmem:$0x6FB0]  }
0xc1: {  	v60 =	vld [tilespmem:$0x7030]  }
0xc2: {  	v61 =	vld [tilespmem:$0x70B0]  }
0xc3: {  	v62 =	vld [tilespmem:$0x7130]  }
0xc4: {  	v63 =	vld [tilespmem:$0x71B0]  }
0xc5: {  	v2 =	vld [tilespmem:$0x7230]  }
0xc6: {  	v5 =	vld [tilespmem:$0x72B0]  }
0xc7: {  	v8 =	vld [tilespmem:$0x7330]  }
0xc8: {  	v16 =	vld [tilespmem:$0x73B0]  }
0xc9: {  	v1 =	vld [tilespmem:$0x6C40]  }
0xca: {  	v3 =	vld [tilespmem:$0x6D40]  }
0xcb: {  	[tilespmem:$0x1FF90] =	vst v0;
	v0 =	vld [tilespmem:$0x7300]  }
0xcc: {  	v4 =	vadd.f32 v6, v4;
	v6 =	vld [tilespmem:$0x6DC0]  }
0xcd: {  	v20 =	vadd.f32 v21, v20;
	v21 =	vld [tilespmem:$0x6E40]  }
0xce: {  	v52 =	vadd.f32 v53, v52;
	v4 =	vadd.f32 v7, v4;
	v7 =	vld [tilespmem:$0x6EC0]  }
0xcf: {  	v20 =	vadd.f32 v22, v20;
	v22 =	vld [tilespmem:$0x6F40]  }
0xd0: {  	v54 =	vadd.f32 v54, v52;
	v52 =	vld [tilespmem:$0x72D0]  }
0xd1: {  	v4 =	vadd.f32 v9, v4;
	v9 =	vld [tilespmem:$0x6FC0]  }
0xd2: {  	v20 =	vadd.f32 v23, v20;
	v23 =	vld [tilespmem:$0x7040]  }
0xd3: {  	[tilespmem:$0x1FFA0] =	vst v0;
	v0 =	vld [tilespmem:$0x7380]  }
0xd4: {  	v4 =	vadd.f32 v10, v4;
	v10 =	vadd.f32 v37, v36;
	v36 =	vld [tilespmem:$0x70C0]  }
0xd5: {  	v37 =	vld [tilespmem:$0x7140]  }
0xd6: {  	v20 =	vadd.f32 v24, v20;
	v24 =	vld [tilespmem:$0x7240]  }
0xd7: {  	v10 =	vadd.f32 v38, v10;
	v38 =	vld [tilespmem:$0x71C0]  }
0xd8: {  	v4 =	vadd.f32 v11, v4;
	v11 =	vld [tilespmem:$0x7340]  }
0xd9: {  	v53 =	vadd.f32 v25, v20;
	v20 =	vadd.f32 v55, v54;
	v55 =	vld [tilespmem:$0x73D0]  }
0xda: {  	[tilespmem:$0x1FFB0] =	vst v0;
	v0 =	vld [tilespmem:$0x7480]  }
0xdb: {  	v39 =	vadd.f32 v39, v10;
	v10 =	vld [tilespmem:$0x72C0]  }
0xdc: {  	v25 =	vadd.f32 v26, v53;
	v26 =	vld [tilespmem:$0x6C50]  }
0xdd: {  	v53 =	vld [tilespmem:$0x7350]  }
0xde: {  	v4 =	vadd.f32 v12, v4;
	v20 =	vadd.f32 v56, v20;
	v56 =	vld [tilespmem:$0x6C60]  }
0xdf: {  	v54 =	vld [tilespmem:$0x1FFB0]  }
0xe0: {  	v13 =	vadd.f32 v13, v4;
	v4 =	vld [tilespmem:$0x73C0]  }
0xe1: {  	v25 =	vadd.f32 v27, v25;
	v27 =	vld [tilespmem:$0x6D50]  }
0xe2: {  	v13 =	vadd.f32 v14, v13;
	v14 =	vld [tilespmem:$0x6CD0]  }
0xe3: {  	v20 =	vadd.f32 v57, v20;
	[tilespmem:$0x1FFC0] =	vst v0;
	v0 =	vld [tilespmem:$0x7490]  }
0xe4: {  	v12 =	vadd.f32 v40, v39;
	v25 =	vadd.f32 v28, v25;
	v28 =	vld [tilespmem:$0x6E50]  }
0xe5: {  	v20 =	vadd.f32 v58, v20;
	v58 =	vld [tilespmem:$0x6C70]  }
0xe6: {  	v12 =	vadd.f32 v41, v12;
	v41 =	vld [tilespmem:$0x70F0]  }
0xe7: {  	v13 =	vadd.f32 v15, v13;
	v15 =	vld [tilespmem:$0x6DD0]  }
0xe8: {  	[tilespmem:$0x1FFD0] =	vst v0;
	v0 =	vld [tilespmem:$0x74A0]  }
0xe9: {  	v12 =	vadd.f32 v42, v12;
	v25 =	vadd.f32 v29, v25;
	v29 =	vld [tilespmem:$0x6F50]  }
0xea: {  	v20 =	vadd.f32 v59, v20;
	v59 =	vld [tilespmem:$0x6D60]  }
0xeb: {  	v42 =	vld [tilespmem:$0x7160];
	v13 =	vadd.f32 v17, v13;
	v12 =	vadd.f32 v43, v12  }
0xec: {  	v17 =	vld [tilespmem:$0x6ED0];
	v25 =	vadd.f32 v30, v25;
	v20 =	vadd.f32 v60, v20  }
0xed: {  	v12 =	vadd.f32 v44, v12;
	[tilespmem:$0x1FFE0] =	vst v0;
	v0 =	vld [tilespmem:$0x74B0]  }
0xee: {  	v30 =	vld [tilespmem:$0x7050];
	v25 =	vadd.f32 v31, v25;
	v20 =	vadd.f32 v61, v20  }
0xef: {  	v60 =	vld [tilespmem:$0x6D70];
	v57 =	vadd.f32 v14, v26;
	v12 =	vadd.f32 v45, v12  }
0xf0: {  	v44 =	vld [tilespmem:$0x1FF90];
	v25 =	vadd.f32 v32, v25;
	v20 =	vadd.f32 v62, v20  }
0xf1: {  	v43 =	vld [tilespmem:$0x7170];
	v13 =	vadd.f32 v18, v13;
	v12 =	vadd.f32 v46, v12  }
0xf2: {  	v25 =	vadd.f32 v33, v25;
	v20 =	vadd.f32 v63, v20;
	[tilespmem:$0x1FFF0] =	vst v0;
	v0 =	vld [tilespmem:$0x6CC0]  }
0xf3: {  	v13 =	vadd.f32 v19, v13;
	v46 =	vld [tilespmem:$0x1FFA0];
	v12 =	vadd.f32 v47, v12  }
0xf4: {  	v26 =	vld [tilespmem:$0x6F60];
	v25 =	vadd.f32 v34, v25;
	v2 =	vadd.f32 v2, v20  }
0xf5: {  	v18 =	vld [tilespmem:$0x6FD0];
	v13 =	vadd.f32 v44, v13;
	v12 =	vadd.f32 v48, v12  }
0xf6: {  	v31 =	vld [tilespmem:$0x7150];
	v25 =	vadd.f32 v35, v25;
	v2 =	vadd.f32 v5, v2  }
0xf7: {  	v61 =	vld [tilespmem:$0x6DE0];
	v5 =	vadd.f32 v27, v57;
	v0 =	vadd.f32 v0, v1  }
0xf8: {  	v13 =	vadd.f32 v46, v13;
	v12 =	vadd.f32 v49, v12;
	v1 =	vld [tilespmem:$0x6CE0]  }
0xf9: {  	v2 =	vadd.f32 v8, v2;
	v0 =	vadd.f32 v3, v0;
	v3 =	vld [tilespmem:$0x6CF0]  }
0xfa: {  	v19 =	vld [tilespmem:$0x70D0];
	v5 =	vadd.f32 v15, v5;
	v13 =	vadd.f32 v54, v13  }
0xfb: {  	v45 =	vld [tilespmem:$0x71D0];
	v12 =	vadd.f32 v50, v12;
	v0 =	vadd.f32 v6, v0  }
0xfc: {  	v62 =	vld [tilespmem:$0x6DF0];
	v2 =	vadd.f32 v16, v2;
	v5 =	vadd.f32 v28, v5  }
0xfd: {  	v33 =	vld [tilespmem:$0x7250];
	v1 =	vadd.f32 v1, v56;
	v0 =	vadd.f32 v21, v0  }
0xfe: {  	v63 =	vld [tilespmem:$0x6E60];
	v5 =	vadd.f32 v17, v5;
	v3 =	vadd.f32 v3, v58  }
0xff: {  	v20 =	vld [tilespmem:$0x6E70];
	v1 =	vadd.f32 v59, v1;
	v0 =	vadd.f32 v7, v0  }
0x100: {  	v5 =	vadd.f32 v29, v5;
	v21 =	vld [tilespmem:$0x6EE0];
	v3 =	vadd.f32 v60, v3  }
0x101: {  	v1 =	vadd.f32 v61, v1;
	v0 =	vadd.f32 v22, v0;
	v22 =	vld [tilespmem:$0x6EF0]  }
0x102: {  	v44 =	vld [tilespmem:$0x71E0];
	v12 =	vadd.f32 v51, v12;
	v3 =	vadd.f32 v62, v3  }
0x103: {  	v27 =	vld [tilespmem:$0x6F70];
	v5 =	vadd.f32 v18, v5;
	v1 =	vadd.f32 v63, v1  }
0x104: {  	v28 =	vld [tilespmem:$0x6FE0];
	v0 =	vadd.f32 v9, v0;
	v3 =	vadd.f32 v20, v3  }
0x105: {  	v29 =	vld [tilespmem:$0x6FF0];
	v5 =	vadd.f32 v30, v5;
	v1 =	vadd.f32 v21, v1  }
0x106: {  	v30 =	vld [tilespmem:$0x7060];
	v0 =	vadd.f32 v23, v0;
	v3 =	vadd.f32 v22, v3  }
0x107: {  	v35 =	vld [tilespmem:$0x7070];
	v5 =	vadd.f32 v19, v5;
	v1 =	vadd.f32 v26, v1  }
0x108: {  	v0 =	vadd.f32 v36, v0;
	v36 =	vld [tilespmem:$0x70E0];
	v3 =	vadd.f32 v27, v3  }
0x109: {  	v47 =	vld [tilespmem:$0x7270];
	v2 =	vsub.f32 $0.0e+00, v2;
	v1 =	vadd.f32 v28, v1  }
0x10a: {  	v48 =	vld [tilespmem:$0x72E0];
	v5 =	vadd.f32 v31, v5;
	v3 =	vadd.f32 v29, v3  }
0x10b: {  	v57 =	vld [tilespmem:$0x1FFC0];
	v12 =	vsub.f32 $0.0e+00, v12;
	v1 =	vadd.f32 v30, v1  }
0x10c: {  	v46 =	vld [tilespmem:$0x7260];
	v5 =	vadd.f32 v45, v5;
	v3 =	vadd.f32 v35, v3  }
0x10d: {  	v45 =	vld [tilespmem:$0x71F0];
	v0 =	vadd.f32 v37, v0;
	v1 =	vadd.f32 v36, v1  }
0x10e: {  	v49 =	vld [tilespmem:$0x72F0];
	v5 =	vadd.f32 v33, v5;
	v3 =	vadd.f32 v41, v3  }
0x10f: {  	v54 =	vld [tilespmem:$0x73F0];
	v0 =	vadd.f32 v38, v0;
	v1 =	vadd.f32 v42, v1  }
0x110: {  	v50 =	vld [tilespmem:$0x7360];
	v5 =	vadd.f32 v52, v5;
	v3 =	vadd.f32 v43, v3  }
0x111: {  	v51 =	vld [tilespmem:$0x7370];
	v0 =	vadd.f32 v24, v0;
	v1 =	vadd.f32 v44, v1  }
0x112: {  	v61 =	vld [tilespmem:$0x1FFE0];
	v5 =	vadd.f32 v53, v5;
	v3 =	vadd.f32 v45, v3  }
0x113: {  	v63 =	vld [tilespmem:$0x1FFF0];
	v0 =	vadd.f32 v10, v0;
	v1 =	vadd.f32 v46, v1  }
0x114: {  	v52 =	vld [tilespmem:$0x73E0];
	v53 =	vsub.f32 $0.0e+00, v13;
	v3 =	vadd.f32 v47, v3  }
0x115: {  	v58 =	vld [tilespmem:$0x74D0];
	v0 =	vadd.f32 v11, v0;
	v1 =	vadd.f32 v48, v1  }
0x116: {  	v56 =	vld [tilespmem:$0x74C0];
	v5 =	vadd.f32 v55, v5;
	v3 =	vadd.f32 v49, v3  }
0x117: {  	v59 =	vld [tilespmem:$0x1FFD0];
	v7 =	vmul.f32 v53, v57;
	v0 =	vadd.f32 v4, v0;
	v1 =	vadd.f32 v50, v1  }
0x118: {  	v60 =	vld [tilespmem:$0x74E0];
	v2 =	vmul.f32 v2, v63;
	v5 =	vsub.f32 $0.0e+00, v5;
	v3 =	vadd.f32 v51, v3  }
0x119: {  	v62 =	vld [tilespmem:$0x74F0];
	[tilespmem:$0x7400] =	vst v7;
	v7 =	vmul.f32 v12, v61;
	v0 =	vsub.f32 $0.0e+00, v0;
	v1 =	vadd.f32 v52, v1  }
0x11a: {  	[tilespmem:$0x7430] =	vst v2;
	v55 =	vsub.f32 $0.0e+00, v25;
	v2 =	vmul.f32 v5, v58;
	v3 =	vadd.f32 v54, v3  }
0x11b: {  	[tilespmem:$0x7420] =	vst v7;
	v0 =	vmul.f32 v0, v56;
	v1 =	vsub.f32 $0.0e+00, v1  }
0x11c: {  	[tilespmem:$0x7450] =	vst v2;
	v11 =	vmul.f32 v55, v59;
	v3 =	vsub.f32 $0.0e+00, v3  }
0x11d: {  	[tilespmem:$0x7440] =	vst v0;
	v0 =	vmul.f32 v1, v60  }
0x11e: {  	[tilespmem:$0x7410] =	vst v11;
	v1 =	vmul.f32 v3, v62  }
0x11f: {  	[tilespmem:$0x7460] =	vst v0  }
0x120: {  	s31 =	simm.s32 $0x7400;
	[tilespmem:$0x7470] =	vst v1  }
0x121: {  	[spmem:s5] =	stream.linear.scatter [tilespmem:s31], [sflag:$0x3], $0x80, $0x38;
	[tilespmem:$0x7D80] =	vst v63  }
0x122: {  	_ =	swait.ge [sflag:s6], $0x80  }
0x123: {  	[sflag:s6] =	ssyncset.done $0x0  }
0x124: {  	[sflag:s6] =	ssyncadd.s32 $0xFFFFFF80  }
0x125: {  	s5 =	simm.s32 $0x6400;
	[bflag:$0x0] =	sbarrier.arrive $0xFFFF  }
0x126: {  	[tilespmem:s5], [sflag:$0x3] =	stream.linear.gather [spmem:s3], $0x800, $0x38;
	[tilespmem:$0x7D80] =	vst v63  }
0x127: {  	_ =	swait.ge [sflag:s6], $0x800  }
0x128: {  	[sflag:s6] =	ssyncset.done $0x0  }
0x129: {  	s3 =	simm.s32 $0x0;
	[sflag:s6] =	ssyncadd.s32 $0xFFFFF800  }
0x12a: {  	v1 =	vld [tilespmem:s3+$0x0];
	_ =	sdelay $0x6  }
0x12b: {  	v0 =	vld [tilespmem:s3+$0x1900]  }
0x12c: {  	s7 =	simm.s32 $0x80;
	s6 =	simm.s32 $0x10;
	v1 =	vld.idx.msk [tilespmem:v1+s5+$0x0], $0xffff  }
.LBB2_10:
0x12d: {  	p1 =	sne.s32 s7, $0x63C0;
	v2 =	vld [tilespmem:s6+$0x0];
	_ =	sdelay $0x3  }
.Ltmp5:
0x12e: {  	(pc) =	sbr.rel @p1 .LBB2_10-.Ltmp5, $3  }
0x12f: {  	v1 =	vadd.f32 v1, v0;
	_ =	sdelay $0x1  }
0x130: {  	v0 =	vld [tilespmem:s6+$0x1900];
	[tilespmem:s3+$0x3200] =	vst v1;
	s3 =	smov.u32 s6  }
0x131: {  	s6 =	sshra.s32 s7, $0x2;
	s7 =	sadd.s32 $0x40, s7;
	v1 =	vld.idx.msk [tilespmem:v2+s5+$0x0], $0xffff  }
0x132: {  	v2 =	vld [tilespmem:s6+$0x0];
	_ =	sdelay $0x4  }
0x133: {  	v0 =	vadd.f32 v1, v0;
	_ =	sdelay $0x1  }
0x134: {  	v63 =	vld [tilespmem:s6+$0x1900];
	[tilespmem:s3+$0x3200] =	vst v0  }
0x135: {  	v0 =	vld.idx.msk [tilespmem:v2+s5+$0x0], $0xffff;
	_ =	sdelay $0x4  }
0x136: {  	v0 =	vadd.f32 v0, v63;
	_ =	sdelay $0x1  }
0x137: {  	s3 =	simm.s32 @p0 $0x0;
	s5 =	simm.s32 @p0 $0x3200;
	[tilespmem:s6+$0x3200] =	vst v0  }
0x138: {  	[hbm4b:s4+s3] =	stream.linear.scatter @p0 [tilespmem:s5], [sflag:$0x3], $0xFA0, $0x38;
	[tilespmem:$0x7D80] =	vst v63  }
0x139: {  	s3 =	simm.s32 @p0 $0x3  }
0x13a: {  	_ =	swait.ge @p0 [sflag:s3], $0xFA0  }
0x13b: {  	[sflag:s3] =	ssyncset.done @p0 $0x0  }
0x13c: {  	s4 =	simm.s32 @!p0 $0x3200;
	[sflag:s3] =	ssyncadd.s32 @p0 $0xFFFFF060;
	s3 =	simm.s32 @!p0 $0x0  }
0x13d: {  	[hbm4b:s2+s3] =	stream.linear.scatter @!p0 [tilespmem:s4], [sflag:$0x3], $0x1900, $0x38;
	[tilespmem:$0x7D80] =	vst v63  }
0x13e: {  	s2 =	simm.s32 @!p0 $0x3  }
0x13f: {  	_ =	swait.ge @!p0 [sflag:s2], $0x1900  }
0x140: {  	[sflag:s2] =	ssyncset.done @!p0 $0x0  }
0x141: {  	[sflag:s2] =	ssyncadd.s32 @!p0 $0xFFFFE700  }
0x142: {  	_ =	sfence.sel $0x180000  }
0x143: {  	[bflag:$0x0] =	sbarrier.arrive $0xFFFF  }
0x144: {  	p0 =	sne.s32 s1, $0x0;
	_ =	strace $0x9000004A  }
0x145: {  	s0 =	sadd.s32 @!p0 $0x100000, s0;
	[bflag:$0x2] =	sbarrier.arrive $0xFFFF  }
0x146: {  	[sflag:s0] =	ssyncadd.tile.s32 @!p0 $0x1;
	_ =	shalt  }
.Lfunc_end2:
_tile_overlayer_lowered:
.L_overlay_start_2:
0x147: {  	(tag) =	ssettag $0x2  }
0x148: {  	s0 =	rddreg [dreg:$0x0];
	s2 =	stileid.u32  }
0x149: {  	s1 =	rddreg [dreg:$0x1];
	p0 =	sne.s32 s2, $0x0  }
0x14a: {  	s3 =	rddreg [dreg:$0x2];
	[bflag:$0x3] =	sbarrier.arrive $0xFFFF;
	s2 =	simm.s32 @!p0 $0x1C03  }
0x14b: {  	[timem:s3], [sflag:s2] =	dma.local @!p0 [hbm:s0], s1  }
0x14c: {  	s0 =	simm.s32 @!p0 $0x3  }
0x14d: {  	_ =	swait.ge @!p0 [sflag:s0], s1  }
0x14e: {  	s1 =	ssub.s32 @!p0 $0x0, s1;
	[sflag:s0] =	ssyncset.done @!p0 $0x0  }
0x14f: {  	[sflag:s0] =	ssyncadd.s32 @!p0 s1  }
0x150: {  	[bflag:$0x3] =	sbarrier.arrive $0xFFFF  }
0x151: {  	_ =	shalt  }

</sc_bundles>
